<compile_context>
chip_gen: v7x
topology: tpu7x:2x2x1
jax: 0.10.2.dev20260603
libtpu: 0.0.44.dev20260713+nightly
codegen_flags: <defaults>
</compile_context>

<pallas_src>
import functools

import jax
import jax.numpy as jnp
from jax import lax
from jax.experimental import pallas as pl
from jax.experimental.pallas import tpu as pltpu
from jax.experimental.pallas import tpu_sc as plsc

_N = 10000
_H = 128
_SC_CORES = 2
_SC_TILES = 16
_NW = _SC_CORES * _SC_TILES
_CH = 128
_CHUNKS = 81
_EPT = _CH * _CHUNKS
_EPAD = _NW * _EPT
_ACC_ROWS = 10240
_ACC_SLAB = _ACC_ROWS // _SC_TILES

_sc_mesh = plsc.VectorSubcoreMesh(core_axis_name="c", subcore_axis_name="s")



@functools.partial(
    pl.kernel,
    out_type=jax.ShapeDtypeStruct((_SC_CORES, _ACC_ROWS, _H), jnp.float32),
    mesh=_sc_mesh,
    scratch_types=[
        pltpu.VMEM((_CHUNKS, _CH), jnp.int32),
        pltpu.VMEM((_CH, _H), jnp.float32),
        pltpu.VMEM_SHARED((_ACC_ROWS, _H), jnp.float32),
    ],
)
def _sc_deg(dst_hbm, ones_hbm, zeros_hbm, out_hbm, dst_v, ones_v, acc):
    cid = lax.axis_index("c")
    sid = lax.axis_index("s")
    wid = cid * _SC_TILES + sid

    pltpu.sync_copy(zeros_hbm, acc.at[pl.ds(sid * _ACC_SLAB, _ACC_SLAB)])
    pltpu.sync_copy(dst_hbm.at[wid], dst_v)
    pltpu.sync_copy(ones_hbm, ones_v)
    plsc.subcore_barrier()

    def body(j, carry):
        pltpu.sync_copy(ones_v, acc.at[dst_v.at[j]], add=True)
        return carry

    lax.fori_loop(0, _CHUNKS, body, 0)
    plsc.subcore_barrier()
    pltpu.sync_copy(
        acc.at[pl.ds(sid * _ACC_SLAB, _ACC_SLAB)],
        out_hbm.at[cid, pl.ds(sid * _ACC_SLAB, _ACC_SLAB)],
    )


@functools.partial(
    pl.kernel,
    out_type=jax.ShapeDtypeStruct((_SC_CORES, _ACC_ROWS, _H), jnp.float32),
    mesh=_sc_mesh,
    scratch_types=[
        pltpu.VMEM((_CHUNKS, _CH), jnp.int32),
        pltpu.VMEM((_CHUNKS, _CH), jnp.int32),
        pltpu.VMEM((_CH, _H), jnp.float32),
        pltpu.VMEM_SHARED((_ACC_ROWS, _H), jnp.float32),
        pltpu.SemaphoreType.DMA,
    ],
)
def _sc_spmm(p_hbm, src_hbm, dst_hbm, zeros_hbm, out_hbm, src_v, dst_v,
             rows_v, acc, sem):
    cid = lax.axis_index("c")
    sid = lax.axis_index("s")
    wid = cid * _SC_TILES + sid

    pltpu.sync_copy(zeros_hbm, acc.at[pl.ds(sid * _ACC_SLAB, _ACC_SLAB)])
    pltpu.sync_copy(src_hbm.at[wid], src_v)
    pltpu.sync_copy(dst_hbm.at[wid], dst_v)
    plsc.subcore_barrier()

    def body(j, carry):
        pltpu.async_copy(p_hbm.at[src_v.at[j]], rows_v, sem).wait()
        pltpu.sync_copy(rows_v, acc.at[dst_v.at[j]], add=True)
        return carry

    lax.fori_loop(0, _CHUNKS, body, 0)
    plsc.subcore_barrier()
    pltpu.sync_copy(
        acc.at[pl.ds(sid * _ACC_SLAB, _ACC_SLAB)],
        out_hbm.at[cid, pl.ds(sid * _ACC_SLAB, _ACC_SLAB)],
    )



_BN = 1000
_GRID = _N // _BN


def _dinv_block(dp):
    deg = dp[0][:, 0:1] + dp[1][:, 0:1]
    return jnp.where(deg > 0.0, lax.rsqrt(deg), 0.0)


def _gru_math(gi, gh, h):
    r = jax.nn.sigmoid(gi[:, 0:_H] + gh[:, 0:_H])
    z = jax.nn.sigmoid(gi[:, _H:2 * _H] + gh[:, _H:2 * _H])
    n = jnp.tanh(gi[:, 2 * _H:] + r * gh[:, 2 * _H:])
    return (1.0 - z) * n + z * h


def _dot(a, b):
    return jnp.dot(a, b, preferred_element_type=jnp.float32)


def _row_spec():
    return pl.BlockSpec((_BN, _H), lambda i: (i, 0))


def _dp_spec():
    return pl.BlockSpec((2, _BN, _H), lambda i: (0, i, 0))


def _full_spec(shape):
    return pl.BlockSpec(shape, lambda i: tuple(0 for _ in shape))


def _tc_init_body(x_ref, dp_ref, hc_ref, wpt_ref, bp_ref, wiht_ref, whht_ref,
                  bih_ref, bhh_ref, w1t_ref, h_out, p_out):
    xb = x_ref[...]
    t = _dot(xb, wpt_ref[...]) + bp_ref[...]
    gi = _dot(t, wiht_ref[...]) + bih_ref[...]
    hc = hc_ref[...]
    gh_row = _dot(hc, whht_ref[...]) + bhh_ref[...]
    h0 = jnp.broadcast_to(hc, (xb.shape[0], _H))
    gh = jnp.broadcast_to(gh_row, (xb.shape[0], 3 * _H))
    hnew = _gru_math(gi, gh, h0)
    dinv = _dinv_block(dp_ref[...])
    h_out[...] = hnew
    p_out[...] = _dot(hnew, w1t_ref[...]) * dinv


def _tc_mid_body(s_ref, dp_ref, b1_ref, w2t_ref, p_out):
    s = s_ref[0] + s_ref[1]
    dinv = _dinv_block(dp_ref[...])
    c1 = jnp.maximum(s * dinv + b1_ref[...], 0.0)
    p_out[...] = _dot(c1, w2t_ref[...]) * dinv


def _tc_gru_body(s_ref, dp_ref, b2_ref, h_ref, wiht_ref, whht_ref,
                 bih_ref, bhh_ref, w1t_ref, h_out, p_out):
    s = s_ref[0] + s_ref[1]
    dinv = _dinv_block(dp_ref[...])
    c2 = jnp.maximum(s * dinv + b2_ref[...], 0.0)
    gi = _dot(c2, wiht_ref[...]) + bih_ref[...]
    h = h_ref[...]
    gh = _dot(h, whht_ref[...]) + bhh_ref[...]
    hnew = _gru_math(gi, gh, h)
    h_out[...] = hnew
    p_out[...] = _dot(hnew, w1t_ref[...]) * dinv


def _tc_out_body(h_ref, wot_ref, bo_ref, o_out):
    l = _dot(h_ref[...], wot_ref[...]) + bo_ref[...]
    m = jnp.max(l, axis=1, keepdims=True)
    e = jnp.exp(l - m)
    o_out[...] = e / jnp.sum(e, axis=1, keepdims=True)


def _tc_init(x, dp, hc, wpt, bp, wiht, whht, bih, bhh, w1t):
    return pl.pallas_call(
        _tc_init_body,
        grid=(_GRID,),
        in_specs=[
            _row_spec(), _dp_spec(), _full_spec((1, _H)), _full_spec((_H, _H)),
            _full_spec((1, _H)), _full_spec((_H, 3 * _H)), _full_spec((_H, 3 * _H)),
            _full_spec((1, 3 * _H)), _full_spec((1, 3 * _H)), _full_spec((_H, _H)),
        ],
        out_specs=[_row_spec(), _row_spec()],
        out_shape=[
            jax.ShapeDtypeStruct((_N, _H), jnp.float32),
            jax.ShapeDtypeStruct((_N, _H), jnp.float32),
        ],
    )(x, dp, hc, wpt, bp, wiht, whht, bih, bhh, w1t)


def _s_spec():
    return pl.BlockSpec((2, _BN, _H), lambda i: (0, i, 0))


def _tc_mid(s, dp, b1, w2t):
    return pl.pallas_call(
        _tc_mid_body,
        grid=(_GRID,),
        in_specs=[_s_spec(), _dp_spec(), _full_spec((1, _H)), _full_spec((_H, _H))],
        out_specs=[_row_spec()],
        out_shape=[jax.ShapeDtypeStruct((_N, _H), jnp.float32)],
    )(s, dp, b1, w2t)[0]


def _tc_gru(s, dp, b2, h, wiht, whht, bih, bhh, w1t):
    return pl.pallas_call(
        _tc_gru_body,
        grid=(_GRID,),
        in_specs=[
            _s_spec(), _dp_spec(), _full_spec((1, _H)), _row_spec(),
            _full_spec((_H, 3 * _H)), _full_spec((_H, 3 * _H)),
            _full_spec((1, 3 * _H)), _full_spec((1, 3 * _H)), _full_spec((_H, _H)),
        ],
        out_specs=[_row_spec(), _row_spec()],
        out_shape=[
            jax.ShapeDtypeStruct((_N, _H), jnp.float32),
            jax.ShapeDtypeStruct((_N, _H), jnp.float32),
        ],
    )(s, dp, b2, h, wiht, whht, bih, bhh, w1t)


def _tc_out(h, wot, bo):
    return pl.pallas_call(
        _tc_out_body,
        grid=(_GRID,),
        in_specs=[_row_spec(), _full_spec((_H, _H)), _full_spec((1, _H))],
        out_specs=[_row_spec()],
        out_shape=[jax.ShapeDtypeStruct((_N, _H), jnp.float32)],
    )(h, wot, bo)[0]



def kernel(x, edge_index, batch, Wp, bp, hidden_c, W1, b1, W2, b2,
           W_ih, W_hh, b_ih, b_hh, Wo, bo):
    n = x.shape[0]
    e = edge_index.shape[1]
    pad = _EPAD - (e + n)
    loops = jnp.arange(n, dtype=jnp.int32)
    srcp = jnp.concatenate(
        [edge_index[0], loops, jnp.zeros((pad,), jnp.int32)]
    ).reshape(_NW, _CHUNKS, _CH)
    dstp = jnp.concatenate(
        [edge_index[1], loops, jnp.full((pad,), n, jnp.int32)]
    ).reshape(_NW, _CHUNKS, _CH)

    zerosH = jnp.zeros((_ACC_SLAB, _H), jnp.float32)
    onesH = jnp.ones((_CH, _H), jnp.float32)

    dp = _sc_deg(dstp, onesH, zerosH)

    hc = hidden_c.reshape(1, _H)
    wpt, w1t, w2t = Wp.T, W1.T, W2.T
    wiht, whht = W_ih.T, W_hh.T
    bp2, b12, b22 = bp.reshape(1, -1), b1.reshape(1, -1), b2.reshape(1, -1)
    bih2, bhh2 = b_ih.reshape(1, -1), b_hh.reshape(1, -1)

    h, p = _tc_init(x, dp, hc, wpt, bp2, wiht, whht, bih2, bhh2, w1t)
    for _ in range(3):
        s1 = _sc_spmm(p, srcp, dstp, zerosH)
        p = _tc_mid(s1, dp, b12, w2t)
        s2 = _sc_spmm(p, srcp, dstp, zerosH)
        h, p = _tc_gru(s2, dp, b22, h, wiht, whht, bih2, bhh2, w1t)

    wot = jnp.zeros((_H, _H), jnp.float32).at[:, :Wo.shape[0]].set(Wo.T)
    bo2 = jnp.full((1, _H), -1e30, jnp.float32).at[0, :Wo.shape[0]].set(bo)
    probs = _tc_out(h, wot, bo2)
    return probs[:, :Wo.shape[0]]

# --- scband reference (transcript-rebuilt; emitter-appended) ---
"""Pipeline reference for scband-recurrent-layer-gcn-73203422593433 (READ-ONLY COPY).

The authoritative reference and input builder live on the scoring server;
editing this copy changes nothing except your own understanding.
"""

import jax, jax.numpy as jnp
import numpy as np

N = 10000
E = 320000
F = 128
H = 128
OUT = 5
LOOKBACK = 3


def setup_inputs(seed: int = 0) -> dict:
    key = jax.random.key(seed)
    ks = jax.random.split(key, 16)
    x = jax.random.normal(ks[0], (N, F), dtype=jnp.float32)
    edge_index = jax.random.randint(ks[1], (2, E), 0, N, dtype=jnp.int32)
    batch = jnp.zeros((N,), dtype=jnp.int32)
    s = 0.05
    Wp = jax.random.normal(ks[2], (H, F), dtype=jnp.float32) * s
    bp = jax.random.normal(ks[3], (H,), dtype=jnp.float32) * s
    hidden_c = jax.random.normal(ks[4], (1, 1, H), dtype=jnp.float32)
    W1 = jax.random.normal(ks[5], (H, H), dtype=jnp.float32) * s
    b1 = jax.random.normal(ks[6], (H,), dtype=jnp.float32) * s
    W2 = jax.random.normal(ks[7], (H, H), dtype=jnp.float32) * s
    b2 = jax.random.normal(ks[8], (H,), dtype=jnp.float32) * s
    W_ih = jax.random.normal(ks[9], (3 * H, H), dtype=jnp.float32) * s
    W_hh = jax.random.normal(ks[10], (3 * H, H), dtype=jnp.float32) * s
    b_ih = jax.random.normal(ks[11], (3 * H,), dtype=jnp.float32) * s
    b_hh = jax.random.normal(ks[12], (3 * H,), dtype=jnp.float32) * s
    Wo = jax.random.normal(ks[13], (OUT, H), dtype=jnp.float32) * s
    bo = jax.random.normal(ks[14], (OUT,), dtype=jnp.float32) * s
    return {"x": x, "edge_index": edge_index, "batch": batch, "Wp": Wp, "bp": bp,
            "hidden_c": hidden_c, "W1": W1, "b1": b1, "W2": W2, "b2": b2,
            "W_ih": W_ih, "W_hh": W_hh, "b_ih": b_ih, "b_hh": b_hh, "Wo": Wo, "bo": bo}


def _gcn_conv(x, edge_index, W, b):
    n = x.shape[0]
    loops = jnp.arange(n, dtype=edge_index.dtype)
    src = jnp.concatenate([edge_index[0], loops])
    dst = jnp.concatenate([edge_index[1], loops])
    deg = jax.ops.segment_sum(jnp.ones_like(src, dtype=x.dtype), dst, num_segments=n)
    dinv = jnp.where(deg > 0, deg ** -0.5, 0.0)
    norm = dinv[src] * dinv[dst]
    h = x @ W.T
    msg = h[src] * norm[:, None]
    return jax.ops.segment_sum(msg, dst, num_segments=n) + b


def _gru_cell(x, h, W_ih, W_hh, b_ih, b_hh):
    gi = x @ W_ih.T + b_ih
    gh = h @ W_hh.T + b_hh
    i_r, i_z, i_n = jnp.split(gi, 3, axis=1)
    h_r, h_z, h_n = jnp.split(gh, 3, axis=1)
    r = jax.nn.sigmoid(i_r + h_r)
    z = jax.nn.sigmoid(i_z + h_z)
    n = jnp.tanh(i_n + r * h_n)
    return (1.0 - z) * n + z * h


def reference(x, edge_index, batch, Wp, bp, hidden_c, W1, b1, W2, b2, W_ih, W_hh, b_ih, b_hh, Wo, bo):
    # dropout in eval mode (identity)
    next_hidden = jnp.broadcast_to(hidden_c[0], (x.shape[0], H))
    x_seq = x @ Wp.T + bp
    next_hidden = _gru_cell(x_seq, next_hidden, W_ih, W_hh, b_ih, b_hh)
    for _ in range(LOOKBACK):
        x_seq = jax.nn.relu(_gcn_conv(next_hidden, edge_index, W1, b1))
        x_seq = jax.nn.relu(_gcn_conv(x_seq, edge_index, W2, b2))
        next_hidden = _gru_cell(x_seq, next_hidden, W_ih, W_hh, b_ih, b_hh)
    return jax.nn.softmax(next_hidden @ Wo.T + bo, axis=1)

if __name__ == "__main__":
    import jax
    _d = setup_inputs()
    print(jax.jit(kernel)(*tuple(_d.values())))

</pallas_src>

<mosaic_0001>
#map = affine_map<(d0, d1) -> (0, 0, 0)>
#map1 = affine_map<(d0, d1) -> (0, 0)>
module attributes {stable_mosaic.version = 14 : i64} {
  func.func @_sc_deg(%arg0: i32, %arg1: i32, %arg2: memref<32x81x128xi32, #tpu.memory_space<hbm>>, %arg3: memref<128x128xf32, #tpu.memory_space<hbm>>, %arg4: memref<640x128xf32, #tpu.memory_space<hbm>>, %arg5: memref<2x10240x128xf32, #tpu.memory_space<hbm>>, %arg6: memref<81x128xi32, #tpu.memory_space<vmem>>, %arg7: memref<128x128xf32, #tpu.memory_space<vmem>>, %arg8: memref<10240x128xf32, #tpu.memory_space<vmem_shared>>) attributes {dimension_semantics = [#tpu.dimension_semantics<core_parallel>, #tpu.dimension_semantics<subcore_parallel>], iteration_bounds = array<i64: 2, 16>, scalar_prefetch = 0 : i64, scratch_operands = 3 : i64, tpu.core_type = #tpu.core_type<sc_vector_subcore>, window_params = [{transform_indices = #map}, {transform_indices = #map1}, {transform_indices = #map1}, {transform_indices = #map}]} {
    %mul3A = arith.constant 16 : i32
    %mul3A_0 = arith.muli %arg0, %mul3A : i32
    %add3A = arith.addi %mul3A_0, %arg1 : i32
    %mul3A_1 = arith.constant 640 : i32
    %mul3A_2 = arith.muli %arg1, %mul3A_1 : i32
    "tpu.region"() ({
      %run_scoped3A = tpu.sem_alloc : memref<!tpu.dma_semaphore, #tpu.memory_space<semaphore_mem>>
      %dma_start3A = arith.constant 0 : i32
      %dma_start3A_13 = tpu.memref_slice %arg8[%mul3A_2, %dma_start3A] : memref<10240x128xf32, #tpu.memory_space<vmem_shared>> -> memref<640x128xf32, #tpu.memory_space<vmem_shared>>
      tpu.enqueue_dma source(%arg4 : memref<640x128xf32, #tpu.memory_space<hbm>>) target(%dma_start3A_13 : memref<640x128xf32, #tpu.memory_space<vmem_shared>>) target_semaphore(%run_scoped3A : memref<!tpu.dma_semaphore, #tpu.memory_space<semaphore_mem>>)
      %dma_wait3A = arith.constant 0 : i32
      %dma_wait3A_14 = tpu.memref_slice %arg8[%mul3A_2, %dma_wait3A] : memref<10240x128xf32, #tpu.memory_space<vmem_shared>> -> memref<640x128xf32, #tpu.memory_space<vmem_shared>>
      tpu.wait_dma2 semaphore(%run_scoped3A : memref<!tpu.dma_semaphore, #tpu.memory_space<semaphore_mem>>) src(%arg4 : memref<640x128xf32, #tpu.memory_space<hbm>>) dst(%dma_wait3A_14 : memref<640x128xf32, #tpu.memory_space<vmem_shared>>)
      tpu.yield
    }) : () -> ()
    "tpu.region"() ({
      %run_scoped3A = tpu.sem_alloc : memref<!tpu.dma_semaphore, #tpu.memory_space<semaphore_mem>>
      %dma_start3A = arith.constant 0 : i32
      %dma_start3A_13 = arith.constant 0 : i32
      %dma_start3A_14 = tpu.memref_slice %arg2[%add3A, %dma_start3A, %dma_start3A_13] : memref<32x81x128xi32, #tpu.memory_space<hbm>> -> memref<1x81x128xi32, #tpu.memory_space<hbm>>
      %dma_start3A_15 = tpu.memref_squeeze %dma_start3A_14 : memref<1x81x128xi32, #tpu.memory_space<hbm>> -> memref<81x128xi32, #tpu.memory_space<hbm>>
      %dma_start3A_16 = arith.constant 0 : i32
      %dma_start3A_17 = arith.constant 0 : i32
      %dma_start3A_18 = tpu.memref_slice %arg2[%add3A, %dma_start3A_16, %dma_start3A_17] : memref<32x81x128xi32, #tpu.memory_space<hbm>> -> memref<1x81x128xi32, #tpu.memory_space<hbm>>
      %dma_start3A_19 = tpu.memref_squeeze %dma_start3A_18 : memref<1x81x128xi32, #tpu.memory_space<hbm>> -> memref<81x128xi32, #tpu.memory_space<hbm>>
      tpu.enqueue_dma source(%dma_start3A_19 : memref<81x128xi32, #tpu.memory_space<hbm>>) target(%arg6 : memref<81x128xi32, #tpu.memory_space<vmem>>) target_semaphore(%run_scoped3A : memref<!tpu.dma_semaphore, #tpu.memory_space<semaphore_mem>>)
      %dma_wait3A = arith.constant 0 : i32
      %dma_wait3A_20 = arith.constant 0 : i32
      %dma_wait3A_21 = tpu.memref_slice %arg2[%add3A, %dma_wait3A, %dma_wait3A_20] : memref<32x81x128xi32, #tpu.memory_space<hbm>> -> memref<1x81x128xi32, #tpu.memory_space<hbm>>
      %dma_wait3A_22 = tpu.memref_squeeze %dma_wait3A_21 : memref<1x81x128xi32, #tpu.memory_space<hbm>> -> memref<81x128xi32, #tpu.memory_space<hbm>>
      %dma_wait3A_23 = arith.constant 0 : i32
      %dma_wait3A_24 = arith.constant 0 : i32
      %dma_wait3A_25 = tpu.memref_slice %arg2[%add3A, %dma_wait3A_23, %dma_wait3A_24] : memref<32x81x128xi32, #tpu.memory_space<hbm>> -> memref<1x81x128xi32, #tpu.memory_space<hbm>>
      %dma_wait3A_26 = tpu.memref_squeeze %dma_wait3A_25 : memref<1x81x128xi32, #tpu.memory_space<hbm>> -> memref<81x128xi32, #tpu.memory_space<hbm>>
      tpu.wait_dma2 semaphore(%run_scoped3A : memref<!tpu.dma_semaphore, #tpu.memory_space<semaphore_mem>>) src(%dma_wait3A_26 : memref<81x128xi32, #tpu.memory_space<hbm>>) dst(%arg6 : memref<81x128xi32, #tpu.memory_space<vmem>>)
      tpu.yield
    }) : () -> ()
    "tpu.region"() ({
      %run_scoped3A = tpu.sem_alloc : memref<!tpu.dma_semaphore, #tpu.memory_space<semaphore_mem>>
      tpu.enqueue_dma source(%arg3 : memref<128x128xf32, #tpu.memory_space<hbm>>) target(%arg7 : memref<128x128xf32, #tpu.memory_space<vmem>>) target_semaphore(%run_scoped3A : memref<!tpu.dma_semaphore, #tpu.memory_space<semaphore_mem>>)
      tpu.wait_dma2 semaphore(%run_scoped3A : memref<!tpu.dma_semaphore, #tpu.memory_space<semaphore_mem>>) src(%arg3 : memref<128x128xf32, #tpu.memory_space<hbm>>) dst(%arg7 : memref<128x128xf32, #tpu.memory_space<vmem>>)
      tpu.yield
    }) : () -> ()
    %barrier3A = arith.constant 0 : index
    tpu.barrier barrier_id(%barrier3A)
    %scan3A = arith.constant 0 : i32
    %scan3A_3 = arith.constant 0 : i32
    %scan3A_4 = arith.constant 81 : i32
    %scan3A_5 = arith.addi %scan3A_3, %scan3A_4 : i32
    %scan3A_6 = arith.constant 1 : i32
    scf.for %scan3A_13 = %scan3A_3 to %scan3A_5 step %scan3A_6  : i32 {
      "tpu.region"() ({
        %run_scoped3A = tpu.sem_alloc : memref<!tpu.dma_semaphore, #tpu.memory_space<semaphore_mem>>
        %dma_start3A = arith.constant 0 : i32
        %dma_start3A_14 = tpu.memref_slice %arg6[%scan3A_13, %dma_start3A] : memref<81x128xi32, #tpu.memory_space<vmem>> -> memref<1x128xi32, #tpu.memory_space<vmem>>
        %dma_start3A_15 = tpu.memref_squeeze %dma_start3A_14 : memref<1x128xi32, #tpu.memory_space<vmem>> -> memref<128xi32, #tpu.memory_space<vmem>>
        %dma_start3A_16 = arith.constant 0 : i32
        %dma_start3A_17 = arith.constant 0 : i32
        %dma_start3A_18 = tpu.memref_slice %arg8[%dma_start3A_16, %dma_start3A_17] : memref<10240x128xf32, #tpu.memory_space<vmem_shared>> -> memref<10240x128xf32, #tpu.memory_space<vmem_shared>>
        tpu.enqueue_indirect_dma source(%arg7 : memref<128x128xf32, #tpu.memory_space<vmem>>) target(%dma_start3A_18 : memref<10240x128xf32, #tpu.memory_space<vmem_shared>>) offsets(%dma_start3A_15 : memref<128xi32, #tpu.memory_space<vmem>>) semaphore(%run_scoped3A : memref<!tpu.dma_semaphore, #tpu.memory_space<semaphore_mem>>) {add = true}
        %dma_wait3A = arith.constant 0 : i32
        %dma_wait3A_19 = tpu.memref_slice %arg6[%scan3A_13, %dma_wait3A] : memref<81x128xi32, #tpu.memory_space<vmem>> -> memref<1x128xi32, #tpu.memory_space<vmem>>
        %dma_wait3A_20 = tpu.memref_squeeze %dma_wait3A_19 : memref<1x128xi32, #tpu.memory_space<vmem>> -> memref<128xi32, #tpu.memory_space<vmem>>
        %dma_wait3A_21 = arith.constant 0 : i32
        %dma_wait3A_22 = arith.constant 0 : i32
        %dma_wait3A_23 = tpu.memref_slice %arg8[%dma_wait3A_21, %dma_wait3A_22] : memref<10240x128xf32, #tpu.memory_space<vmem_shared>> -> memref<10240x128xf32, #tpu.memory_space<vmem_shared>>
        tpu.wait_indirect_dma semaphore(%run_scoped3A : memref<!tpu.dma_semaphore, #tpu.memory_space<semaphore_mem>>) src(%arg7 : memref<128x128xf32, #tpu.memory_space<vmem>>) dst(%dma_wait3A_23 : memref<10240x128xf32, #tpu.memory_space<vmem_shared>>)
        tpu.yield
      }) : () -> ()
    }
    %scan3A_7 = arith.constant 81 : i32
    %barrier3A_8 = arith.constant 0 : index
    tpu.barrier barrier_id(%barrier3A_8)
    %mul3A_9 = arith.constant 640 : i32
    %mul3A_10 = arith.muli %arg1, %mul3A_9 : i32
    %mul3A_11 = arith.constant 640 : i32
    %mul3A_12 = arith.muli %arg1, %mul3A_11 : i32
    "tpu.region"() ({
      %run_scoped3A = tpu.sem_alloc : memref<!tpu.dma_semaphore, #tpu.memory_space<semaphore_mem>>
      %dma_start3A = arith.constant 0 : i32
      %dma_start3A_13 = tpu.memref_slice %arg5[%arg0, %mul3A_12, %dma_start3A] : memref<2x10240x128xf32, #tpu.memory_space<hbm>> -> memref<1x640x128xf32, #tpu.memory_space<hbm>>
      %dma_start3A_14 = tpu.memref_squeeze %dma_start3A_13 : memref<1x640x128xf32, #tpu.memory_space<hbm>> -> memref<640x128xf32, #tpu.memory_space<hbm>>
      %dma_start3A_15 = arith.constant 0 : i32
      %dma_start3A_16 = tpu.memref_slice %arg8[%mul3A_10, %dma_start3A_15] : memref<10240x128xf32, #tpu.memory_space<vmem_shared>> -> memref<640x128xf32, #tpu.memory_space<vmem_shared>>
      tpu.enqueue_dma source(%dma_start3A_16 : memref<640x128xf32, #tpu.memory_space<vmem_shared>>) target(%dma_start3A_14 : memref<640x128xf32, #tpu.memory_space<hbm>>) target_semaphore(%run_scoped3A : memref<!tpu.dma_semaphore, #tpu.memory_space<semaphore_mem>>)
      %dma_wait3A = arith.constant 0 : i32
      %dma_wait3A_17 = tpu.memref_slice %arg5[%arg0, %mul3A_12, %dma_wait3A] : memref<2x10240x128xf32, #tpu.memory_space<hbm>> -> memref<1x640x128xf32, #tpu.memory_space<hbm>>
      %dma_wait3A_18 = tpu.memref_squeeze %dma_wait3A_17 : memref<1x640x128xf32, #tpu.memory_space<hbm>> -> memref<640x128xf32, #tpu.memory_space<hbm>>
      %dma_wait3A_19 = arith.constant 0 : i32
      %dma_wait3A_20 = tpu.memref_slice %arg8[%mul3A_10, %dma_wait3A_19] : memref<10240x128xf32, #tpu.memory_space<vmem_shared>> -> memref<640x128xf32, #tpu.memory_space<vmem_shared>>
      tpu.wait_dma2 semaphore(%run_scoped3A : memref<!tpu.dma_semaphore, #tpu.memory_space<semaphore_mem>>) src(%dma_wait3A_20 : memref<640x128xf32, #tpu.memory_space<vmem_shared>>) dst(%dma_wait3A_18 : memref<640x128xf32, #tpu.memory_space<hbm>>)
      tpu.yield
    }) : () -> ()
    return
  }
}

#map = affine_map<(d0, d1) -> (0, 0)>
#map1 = affine_map<(d0, d1) -> (0, 0, 0)>
module attributes {stable_mosaic.version = 14 : i64} {
  func.func @_sc_spmm(%arg0: i32, %arg1: i32, %arg2: memref<10000x128xf32, #tpu.memory_space<hbm>>, %arg3: memref<32x81x128xi32, #tpu.memory_space<hbm>>, %arg4: memref<32x81x128xi32, #tpu.memory_space<hbm>>, %arg5: memref<640x128xf32, #tpu.memory_space<hbm>>, %arg6: memref<2x10240x128xf32, #tpu.memory_space<hbm>>, %arg7: memref<81x128xi32, #tpu.memory_space<vmem>>, %arg8: memref<81x128xi32, #tpu.memory_space<vmem>>, %arg9: memref<128x128xf32, #tpu.memory_space<vmem>>, %arg10: memref<10240x128xf32, #tpu.memory_space<vmem_shared>>, %arg11: memref<!tpu.dma_semaphore, #tpu.memory_space<semaphore_mem>>) attributes {dimension_semantics = [#tpu.dimension_semantics<core_parallel>, #tpu.dimension_semantics<subcore_parallel>], iteration_bounds = array<i64: 2, 16>, scalar_prefetch = 0 : i64, scratch_operands = 5 : i64, tpu.core_type = #tpu.core_type<sc_vector_subcore>, window_params = [{transform_indices = #map}, {transform_indices = #map1}, {transform_indices = #map1}, {transform_indices = #map}, {transform_indices = #map1}]} {
    %mul3A = arith.constant 16 : i32
    %mul3A_0 = arith.muli %arg0, %mul3A : i32
    %add3A = arith.addi %mul3A_0, %arg1 : i32
    %mul3A_1 = arith.constant 640 : i32
    %mul3A_2 = arith.muli %arg1, %mul3A_1 : i32
    "tpu.region"() ({
      %run_scoped3A = tpu.sem_alloc : memref<!tpu.dma_semaphore, #tpu.memory_space<semaphore_mem>>
      %dma_start3A = arith.constant 0 : i32
      %dma_start3A_13 = tpu.memref_slice %arg10[%mul3A_2, %dma_start3A] : memref<10240x128xf32, #tpu.memory_space<vmem_shared>> -> memref<640x128xf32, #tpu.memory_space<vmem_shared>>
      tpu.enqueue_dma source(%arg5 : memref<640x128xf32, #tpu.memory_space<hbm>>) target(%dma_start3A_13 : memref<640x128xf32, #tpu.memory_space<vmem_shared>>) target_semaphore(%run_scoped3A : memref<!tpu.dma_semaphore, #tpu.memory_space<semaphore_mem>>)
      %dma_wait3A = arith.constant 0 : i32
      %dma_wait3A_14 = tpu.memref_slice %arg10[%mul3A_2, %dma_wait3A] : memref<10240x128xf32, #tpu.memory_space<vmem_shared>> -> memref<640x128xf32, #tpu.memory_space<vmem_shared>>
      tpu.wait_dma2 semaphore(%run_scoped3A : memref<!tpu.dma_semaphore, #tpu.memory_space<semaphore_mem>>) src(%arg5 : memref<640x128xf32, #tpu.memory_space<hbm>>) dst(%dma_wait3A_14 : memref<640x128xf32, #tpu.memory_space<vmem_shared>>)
      tpu.yield
    }) : () -> ()
    "tpu.region"() ({
      %run_scoped3A = tpu.sem_alloc : memref<!tpu.dma_semaphore, #tpu.memory_space<semaphore_mem>>
      %dma_start3A = arith.constant 0 : i32
      %dma_start3A_13 = arith.constant 0 : i32
      %dma_start3A_14 = tpu.memref_slice %arg3[%add3A, %dma_start3A, %dma_start3A_13] : memref<32x81x128xi32, #tpu.memory_space<hbm>> -> memref<1x81x128xi32, #tpu.memory_space<hbm>>
      %dma_start3A_15 = tpu.memref_squeeze %dma_start3A_14 : memref<1x81x128xi32, #tpu.memory_space<hbm>> -> memref<81x128xi32, #tpu.memory_space<hbm>>
      %dma_start3A_16 = arith.constant 0 : i32
      %dma_start3A_17 = arith.constant 0 : i32
      %dma_start3A_18 = tpu.memref_slice %arg3[%add3A, %dma_start3A_16, %dma_start3A_17] : memref<32x81x128xi32, #tpu.memory_space<hbm>> -> memref<1x81x128xi32, #tpu.memory_space<hbm>>
      %dma_start3A_19 = tpu.memref_squeeze %dma_start3A_18 : memref<1x81x128xi32, #tpu.memory_space<hbm>> -> memref<81x128xi32, #tpu.memory_space<hbm>>
      tpu.enqueue_dma source(%dma_start3A_19 : memref<81x128xi32, #tpu.memory_space<hbm>>) target(%arg7 : memref<81x128xi32, #tpu.memory_space<vmem>>) target_semaphore(%run_scoped3A : memref<!tpu.dma_semaphore, #tpu.memory_space<semaphore_mem>>)
      %dma_wait3A = arith.constant 0 : i32
      %dma_wait3A_20 = arith.constant 0 : i32
      %dma_wait3A_21 = tpu.memref_slice %arg3[%add3A, %dma_wait3A, %dma_wait3A_20] : memref<32x81x128xi32, #tpu.memory_space<hbm>> -> memref<1x81x128xi32, #tpu.memory_space<hbm>>
      %dma_wait3A_22 = tpu.memref_squeeze %dma_wait3A_21 : memref<1x81x128xi32, #tpu.memory_space<hbm>> -> memref<81x128xi32, #tpu.memory_space<hbm>>
      %dma_wait3A_23 = arith.constant 0 : i32
      %dma_wait3A_24 = arith.constant 0 : i32
      %dma_wait3A_25 = tpu.memref_slice %arg3[%add3A, %dma_wait3A_23, %dma_wait3A_24] : memref<32x81x128xi32, #tpu.memory_space<hbm>> -> memref<1x81x128xi32, #tpu.memory_space<hbm>>
      %dma_wait3A_26 = tpu.memref_squeeze %dma_wait3A_25 : memref<1x81x128xi32, #tpu.memory_space<hbm>> -> memref<81x128xi32, #tpu.memory_space<hbm>>
      tpu.wait_dma2 semaphore(%run_scoped3A : memref<!tpu.dma_semaphore, #tpu.memory_space<semaphore_mem>>) src(%dma_wait3A_26 : memref<81x128xi32, #tpu.memory_space<hbm>>) dst(%arg7 : memref<81x128xi32, #tpu.memory_space<vmem>>)
      tpu.yield
    }) : () -> ()
    "tpu.region"() ({
      %run_scoped3A = tpu.sem_alloc : memref<!tpu.dma_semaphore, #tpu.memory_space<semaphore_mem>>
      %dma_start3A = arith.constant 0 : i32
      %dma_start3A_13 = arith.constant 0 : i32
      %dma_start3A_14 = tpu.memref_slice %arg4[%add3A, %dma_start3A, %dma_start3A_13] : memref<32x81x128xi32, #tpu.memory_space<hbm>> -> memref<1x81x128xi32, #tpu.memory_space<hbm>>
      %dma_start3A_15 = tpu.memref_squeeze %dma_start3A_14 : memref<1x81x128xi32, #tpu.memory_space<hbm>> -> memref<81x128xi32, #tpu.memory_space<hbm>>
      %dma_start3A_16 = arith.constant 0 : i32
      %dma_start3A_17 = arith.constant 0 : i32
      %dma_start3A_18 = tpu.memref_slice %arg4[%add3A, %dma_start3A_16, %dma_start3A_17] : memref<32x81x128xi32, #tpu.memory_space<hbm>> -> memref<1x81x128xi32, #tpu.memory_space<hbm>>
      %dma_start3A_19 = tpu.memref_squeeze %dma_start3A_18 : memref<1x81x128xi32, #tpu.memory_space<hbm>> -> memref<81x128xi32, #tpu.memory_space<hbm>>
      tpu.enqueue_dma source(%dma_start3A_19 : memref<81x128xi32, #tpu.memory_space<hbm>>) target(%arg8 : memref<81x128xi32, #tpu.memory_space<vmem>>) target_semaphore(%run_scoped3A : memref<!tpu.dma_semaphore, #tpu.memory_space<semaphore_mem>>)
      %dma_wait3A = arith.constant 0 : i32
      %dma_wait3A_20 = arith.constant 0 : i32
      %dma_wait3A_21 = tpu.memref_slice %arg4[%add3A, %dma_wait3A, %dma_wait3A_20] : memref<32x81x128xi32, #tpu.memory_space<hbm>> -> memref<1x81x128xi32, #tpu.memory_space<hbm>>
      %dma_wait3A_22 = tpu.memref_squeeze %dma_wait3A_21 : memref<1x81x128xi32, #tpu.memory_space<hbm>> -> memref<81x128xi32, #tpu.memory_space<hbm>>
      %dma_wait3A_23 = arith.constant 0 : i32
      %dma_wait3A_24 = arith.constant 0 : i32
      %dma_wait3A_25 = tpu.memref_slice %arg4[%add3A, %dma_wait3A_23, %dma_wait3A_24] : memref<32x81x128xi32, #tpu.memory_space<hbm>> -> memref<1x81x128xi32, #tpu.memory_space<hbm>>
      %dma_wait3A_26 = tpu.memref_squeeze %dma_wait3A_25 : memref<1x81x128xi32, #tpu.memory_space<hbm>> -> memref<81x128xi32, #tpu.memory_space<hbm>>
      tpu.wait_dma2 semaphore(%run_scoped3A : memref<!tpu.dma_semaphore, #tpu.memory_space<semaphore_mem>>) src(%dma_wait3A_26 : memref<81x128xi32, #tpu.memory_space<hbm>>) dst(%arg8 : memref<81x128xi32, #tpu.memory_space<vmem>>)
      tpu.yield
    }) : () -> ()
    %barrier3A = arith.constant 0 : index
    tpu.barrier barrier_id(%barrier3A)
    %scan3A = arith.constant 0 : i32
    %scan3A_3 = arith.constant 0 : i32
    %scan3A_4 = arith.constant 81 : i32
    %scan3A_5 = arith.addi %scan3A_3, %scan3A_4 : i32
    %scan3A_6 = arith.constant 1 : i32
    scf.for %scan3A_13 = %scan3A_3 to %scan3A_5 step %scan3A_6  : i32 {
      %dma_start3A = arith.constant 0 : i32
      %dma_start3A_14 = tpu.memref_slice %arg7[%scan3A_13, %dma_start3A] : memref<81x128xi32, #tpu.memory_space<vmem>> -> memref<1x128xi32, #tpu.memory_space<vmem>>
      %dma_start3A_15 = tpu.memref_squeeze %dma_start3A_14 : memref<1x128xi32, #tpu.memory_space<vmem>> -> memref<128xi32, #tpu.memory_space<vmem>>
      %dma_start3A_16 = arith.constant 0 : i32
      %dma_start3A_17 = arith.constant 0 : i32
      %dma_start3A_18 = tpu.memref_slice %arg2[%dma_start3A_16, %dma_start3A_17] : memref<10000x128xf32, #tpu.memory_space<hbm>> -> memref<10000x128xf32, #tpu.memory_space<hbm>>
      tpu.enqueue_indirect_dma source(%dma_start3A_18 : memref<10000x128xf32, #tpu.memory_space<hbm>>) target(%arg9 : memref<128x128xf32, #tpu.memory_space<vmem>>) offsets(%dma_start3A_15 : memref<128xi32, #tpu.memory_space<vmem>>) semaphore(%arg11 : memref<!tpu.dma_semaphore, #tpu.memory_space<semaphore_mem>>)
      %dma_wait3A = arith.constant 0 : i32
      %dma_wait3A_19 = tpu.memref_slice %arg7[%scan3A_13, %dma_wait3A] : memref<81x128xi32, #tpu.memory_space<vmem>> -> memref<1x128xi32, #tpu.memory_space<vmem>>
      %dma_wait3A_20 = tpu.memref_squeeze %dma_wait3A_19 : memref<1x128xi32, #tpu.memory_space<vmem>> -> memref<128xi32, #tpu.memory_space<vmem>>
      %dma_wait3A_21 = arith.constant 0 : i32
      %dma_wait3A_22 = arith.constant 0 : i32
      %dma_wait3A_23 = tpu.memref_slice %arg2[%dma_wait3A_21, %dma_wait3A_22] : memref<10000x128xf32, #tpu.memory_space<hbm>> -> memref<10000x128xf32, #tpu.memory_space<hbm>>
      tpu.wait_indirect_dma semaphore(%arg11 : memref<!tpu.dma_semaphore, #tpu.memory_space<semaphore_mem>>) src(%dma_wait3A_23 : memref<10000x128xf32, #tpu.memory_space<hbm>>) dst(%arg9 : memref<128x128xf32, #tpu.memory_space<vmem>>)
      "tpu.region"() ({
        %run_scoped3A = tpu.sem_alloc : memref<!tpu.dma_semaphore, #tpu.memory_space<semaphore_mem>>
        %dma_start3A_24 = arith.constant 0 : i32
        %dma_start3A_25 = tpu.memref_slice %arg8[%scan3A_13, %dma_start3A_24] : memref<81x128xi32, #tpu.memory_space<vmem>> -> memref<1x128xi32, #tpu.memory_space<vmem>>
        %dma_start3A_26 = tpu.memref_squeeze %dma_start3A_25 : memref<1x128xi32, #tpu.memory_space<vmem>> -> memref<128xi32, #tpu.memory_space<vmem>>
        %dma_start3A_27 = arith.constant 0 : i32
        %dma_start3A_28 = arith.constant 0 : i32
        %dma_start3A_29 = tpu.memref_slice %arg10[%dma_start3A_27, %dma_start3A_28] : memref<10240x128xf32, #tpu.memory_space<vmem_shared>> -> memref<10240x128xf32, #tpu.memory_space<vmem_shared>>
        tpu.enqueue_indirect_dma source(%arg9 : memref<128x128xf32, #tpu.memory_space<vmem>>) target(%dma_start3A_29 : memref<10240x128xf32, #tpu.memory_space<vmem_shared>>) offsets(%dma_start3A_26 : memref<128xi32, #tpu.memory_space<vmem>>) semaphore(%run_scoped3A : memref<!tpu.dma_semaphore, #tpu.memory_space<semaphore_mem>>) {add = true}
        %dma_wait3A_30 = arith.constant 0 : i32
        %dma_wait3A_31 = tpu.memref_slice %arg8[%scan3A_13, %dma_wait3A_30] : memref<81x128xi32, #tpu.memory_space<vmem>> -> memref<1x128xi32, #tpu.memory_space<vmem>>
        %dma_wait3A_32 = tpu.memref_squeeze %dma_wait3A_31 : memref<1x128xi32, #tpu.memory_space<vmem>> -> memref<128xi32, #tpu.memory_space<vmem>>
        %dma_wait3A_33 = arith.constant 0 : i32
        %dma_wait3A_34 = arith.constant 0 : i32
        %dma_wait3A_35 = tpu.memref_slice %arg10[%dma_wait3A_33, %dma_wait3A_34] : memref<10240x128xf32, #tpu.memory_space<vmem_shared>> -> memref<10240x128xf32, #tpu.memory_space<vmem_shared>>
        tpu.wait_indirect_dma semaphore(%run_scoped3A : memref<!tpu.dma_semaphore, #tpu.memory_space<semaphore_mem>>) src(%arg9 : memref<128x128xf32, #tpu.memory_space<vmem>>) dst(%dma_wait3A_35 : memref<10240x128xf32, #tpu.memory_space<vmem_shared>>)
        tpu.yield
      }) : () -> ()
    }
    %scan3A_7 = arith.constant 81 : i32
    %barrier3A_8 = arith.constant 0 : index
    tpu.barrier barrier_id(%barrier3A_8)
    %mul3A_9 = arith.constant 640 : i32
    %mul3A_10 = arith.muli %arg1, %mul3A_9 : i32
    %mul3A_11 = arith.constant 640 : i32
    %mul3A_12 = arith.muli %arg1, %mul3A_11 : i32
    "tpu.region"() ({
      %run_scoped3A = tpu.sem_alloc : memref<!tpu.dma_semaphore, #tpu.memory_space<semaphore_mem>>
      %dma_start3A = arith.constant 0 : i32
      %dma_start3A_13 = tpu.memref_slice %arg6[%arg0, %mul3A_12, %dma_start3A] : memref<2x10240x128xf32, #tpu.memory_space<hbm>> -> memref<1x640x128xf32, #tpu.memory_space<hbm>>
      %dma_start3A_14 = tpu.memref_squeeze %dma_start3A_13 : memref<1x640x128xf32, #tpu.memory_space<hbm>> -> memref<640x128xf32, #tpu.memory_space<hbm>>
      %dma_start3A_15 = arith.constant 0 : i32
      %dma_start3A_16 = tpu.memref_slice %arg10[%mul3A_10, %dma_start3A_15] : memref<10240x128xf32, #tpu.memory_space<vmem_shared>> -> memref<640x128xf32, #tpu.memory_space<vmem_shared>>
      tpu.enqueue_dma source(%dma_start3A_16 : memref<640x128xf32, #tpu.memory_space<vmem_shared>>) target(%dma_start3A_14 : memref<640x128xf32, #tpu.memory_space<hbm>>) target_semaphore(%run_scoped3A : memref<!tpu.dma_semaphore, #tpu.memory_space<semaphore_mem>>)
      %dma_wait3A = arith.constant 0 : i32
      %dma_wait3A_17 = tpu.memref_slice %arg6[%arg0, %mul3A_12, %dma_wait3A] : memref<2x10240x128xf32, #tpu.memory_space<hbm>> -> memref<1x640x128xf32, #tpu.memory_space<hbm>>
      %dma_wait3A_18 = tpu.memref_squeeze %dma_wait3A_17 : memref<1x640x128xf32, #tpu.memory_space<hbm>> -> memref<640x128xf32, #tpu.memory_space<hbm>>
      %dma_wait3A_19 = arith.constant 0 : i32
      %dma_wait3A_20 = tpu.memref_slice %arg10[%mul3A_10, %dma_wait3A_19] : memref<10240x128xf32, #tpu.memory_space<vmem_shared>> -> memref<640x128xf32, #tpu.memory_space<vmem_shared>>
      tpu.wait_dma2 semaphore(%run_scoped3A : memref<!tpu.dma_semaphore, #tpu.memory_space<semaphore_mem>>) src(%dma_wait3A_20 : memref<640x128xf32, #tpu.memory_space<vmem_shared>>) dst(%dma_wait3A_18 : memref<640x128xf32, #tpu.memory_space<hbm>>)
      tpu.yield
    }) : () -> ()
    return
  }
}

#map = affine_map<(d0, d1) -> (0, 0)>
#map1 = affine_map<(d0, d1) -> (0, 0, 0)>
module attributes {stable_mosaic.version = 14 : i64} {
  func.func @_sc_spmm(%arg0: i32, %arg1: i32, %arg2: memref<10000x128xf32, #tpu.memory_space<hbm>>, %arg3: memref<32x81x128xi32, #tpu.memory_space<hbm>>, %arg4: memref<32x81x128xi32, #tpu.memory_space<hbm>>, %arg5: memref<640x128xf32, #tpu.memory_space<hbm>>, %arg6: memref<2x10240x128xf32, #tpu.memory_space<hbm>>, %arg7: memref<81x128xi32, #tpu.memory_space<vmem>>, %arg8: memref<81x128xi32, #tpu.memory_space<vmem>>, %arg9: memref<128x128xf32, #tpu.memory_space<vmem>>, %arg10: memref<10240x128xf32, #tpu.memory_space<vmem_shared>>, %arg11: memref<!tpu.dma_semaphore, #tpu.memory_space<semaphore_mem>>) attributes {dimension_semantics = [#tpu.dimension_semantics<core_parallel>, #tpu.dimension_semantics<subcore_parallel>], iteration_bounds = array<i64: 2, 16>, scalar_prefetch = 0 : i64, scratch_operands = 5 : i64, tpu.core_type = #tpu.core_type<sc_vector_subcore>, window_params = [{transform_indices = #map}, {transform_indices = #map1}, {transform_indices = #map1}, {transform_indices = #map}, {transform_indices = #map1}]} {
    %mul3A = arith.constant 16 : i32
    %mul3A_0 = arith.muli %arg0, %mul3A : i32
    %add3A = arith.addi %mul3A_0, %arg1 : i32
    %mul3A_1 = arith.constant 640 : i32
    %mul3A_2 = arith.muli %arg1, %mul3A_1 : i32
    "tpu.region"() ({
      %run_scoped3A = tpu.sem_alloc : memref<!tpu.dma_semaphore, #tpu.memory_space<semaphore_mem>>
      %dma_start3A = arith.constant 0 : i32
      %dma_start3A_13 = tpu.memref_slice %arg10[%mul3A_2, %dma_start3A] : memref<10240x128xf32, #tpu.memory_space<vmem_shared>> -> memref<640x128xf32, #tpu.memory_space<vmem_shared>>
      tpu.enqueue_dma source(%arg5 : memref<640x128xf32, #tpu.memory_space<hbm>>) target(%dma_start3A_13 : memref<640x128xf32, #tpu.memory_space<vmem_shared>>) target_semaphore(%run_scoped3A : memref<!tpu.dma_semaphore, #tpu.memory_space<semaphore_mem>>)
      %dma_wait3A = arith.constant 0 : i32
      %dma_wait3A_14 = tpu.memref_slice %arg10[%mul3A_2, %dma_wait3A] : memref<10240x128xf32, #tpu.memory_space<vmem_shared>> -> memref<640x128xf32, #tpu.memory_space<vmem_shared>>
      tpu.wait_dma2 semaphore(%run_scoped3A : memref<!tpu.dma_semaphore, #tpu.memory_space<semaphore_mem>>) src(%arg5 : memref<640x128xf32, #tpu.memory_space<hbm>>) dst(%dma_wait3A_14 : memref<640x128xf32, #tpu.memory_space<vmem_shared>>)
      tpu.yield
    }) : () -> ()
    "tpu.region"() ({
      %run_scoped3A = tpu.sem_alloc : memref<!tpu.dma_semaphore, #tpu.memory_space<semaphore_mem>>
      %dma_start3A = arith.constant 0 : i32
      %dma_start3A_13 = arith.constant 0 : i32
      %dma_start3A_14 = tpu.memref_slice %arg3[%add3A, %dma_start3A, %dma_start3A_13] : memref<32x81x128xi32, #tpu.memory_space<hbm>> -> memref<1x81x128xi32, #tpu.memory_space<hbm>>
      %dma_start3A_15 = tpu.memref_squeeze %dma_start3A_14 : memref<1x81x128xi32, #tpu.memory_space<hbm>> -> memref<81x128xi32, #tpu.memory_space<hbm>>
      %dma_start3A_16 = arith.constant 0 : i32
      %dma_start3A_17 = arith.constant 0 : i32
      %dma_start3A_18 = tpu.memref_slice %arg3[%add3A, %dma_start3A_16, %dma_start3A_17] : memref<32x81x128xi32, #tpu.memory_space<hbm>> -> memref<1x81x128xi32, #tpu.memory_space<hbm>>
      %dma_start3A_19 = tpu.memref_squeeze %dma_start3A_18 : memref<1x81x128xi32, #tpu.memory_space<hbm>> -> memref<81x128xi32, #tpu.memory_space<hbm>>
      tpu.enqueue_dma source(%dma_start3A_19 : memref<81x128xi32, #tpu.memory_space<hbm>>) target(%arg7 : memref<81x128xi32, #tpu.memory_space<vmem>>) target_semaphore(%run_scoped3A : memref<!tpu.dma_semaphore, #tpu.memory_space<semaphore_mem>>)
      %dma_wait3A = arith.constant 0 : i32
      %dma_wait3A_20 = arith.constant 0 : i32
      %dma_wait3A_21 = tpu.memref_slice %arg3[%add3A, %dma_wait3A, %dma_wait3A_20] : memref<32x81x128xi32, #tpu.memory_space<hbm>> -> memref<1x81x128xi32, #tpu.memory_space<hbm>>
      %dma_wait3A_22 = tpu.memref_squeeze %dma_wait3A_21 : memref<1x81x128xi32, #tpu.memory_space<hbm>> -> memref<81x128xi32, #tpu.memory_space<hbm>>
      %dma_wait3A_23 = arith.constant 0 : i32
      %dma_wait3A_24 = arith.constant 0 : i32
      %dma_wait3A_25 = tpu.memref_slice %arg3[%add3A, %dma_wait3A_23, %dma_wait3A_24] : memref<32x81x128xi32, #tpu.memory_space<hbm>> -> memref<1x81x128xi32, #tpu.memory_space<hbm>>
      %dma_wait3A_26 = tpu.memref_squeeze %dma_wait3A_25 : memref<1x81x128xi32, #tpu.memory_space<hbm>> -> memref<81x128xi32, #tpu.memory_space<hbm>>
      tpu.wait_dma2 semaphore(%run_scoped3A : memref<!tpu.dma_semaphore, #tpu.memory_space<semaphore_mem>>) src(%dma_wait3A_26 : memref<81x128xi32, #tpu.memory_space<hbm>>) dst(%arg7 : memref<81x128xi32, #tpu.memory_space<vmem>>)
      tpu.yield
    }) : () -> ()
    "tpu.region"() ({
      %run_scoped3A = tpu.sem_alloc : memref<!tpu.dma_semaphore, #tpu.memory_space<semaphore_mem>>
      %dma_start3A = arith.constant 0 : i32
      %dma_start3A_13 = arith.constant 0 : i32
      %dma_start3A_14 = tpu.memref_slice %arg4[%add3A, %dma_start3A, %dma_start3A_13] : memref<32x81x128xi32, #tpu.memory_space<hbm>> -> memref<1x81x128xi32, #tpu.memory_space<hbm>>
      %dma_start3A_15 = tpu.memref_squeeze %dma_start3A_14 : memref<1x81x128xi32, #tpu.memory_space<hbm>> -> memref<81x128xi32, #tpu.memory_space<hbm>>
      %dma_start3A_16 = arith.constant 0 : i32
      %dma_start3A_17 = arith.constant 0 : i32
      %dma_start3A_18 = tpu.memref_slice %arg4[%add3A, %dma_start3A_16, %dma_start3A_17] : memref<32x81x128xi32, #tpu.memory_space<hbm>> -> memref<1x81x128xi32, #tpu.memory_space<hbm>>
      %dma_start3A_19 = tpu.memref_squeeze %dma_start3A_18 : memref<1x81x128xi32, #tpu.memory_space<hbm>> -> memref<81x128xi32, #tpu.memory_space<hbm>>
      tpu.enqueue_dma source(%dma_start3A_19 : memref<81x128xi32, #tpu.memory_space<hbm>>) target(%arg8 : memref<81x128xi32, #tpu.memory_space<vmem>>) target_semaphore(%run_scoped3A : memref<!tpu.dma_semaphore, #tpu.memory_space<semaphore_mem>>)
      %dma_wait3A = arith.constant 0 : i32
      %dma_wait3A_20 = arith.constant 0 : i32
      %dma_wait3A_21 = tpu.memref_slice %arg4[%add3A, %dma_wait3A, %dma_wait3A_20] : memref<32x81x128xi32, #tpu.memory_space<hbm>> -> memref<1x81x128xi32, #tpu.memory_space<hbm>>
      %dma_wait3A_22 = tpu.memref_squeeze %dma_wait3A_21 : memref<1x81x128xi32, #tpu.memory_space<hbm>> -> memref<81x128xi32, #tpu.memory_space<hbm>>
      %dma_wait3A_23 = arith.constant 0 : i32
      %dma_wait3A_24 = arith.constant 0 : i32
      %dma_wait3A_25 = tpu.memref_slice %arg4[%add3A, %dma_wait3A_23, %dma_wait3A_24] : memref<32x81x128xi32, #tpu.memory_space<hbm>> -> memref<1x81x128xi32, #tpu.memory_space<hbm>>
      %dma_wait3A_26 = tpu.memref_squeeze %dma_wait3A_25 : memref<1x81x128xi32, #tpu.memory_space<hbm>> -> memref<81x128xi32, #tpu.memory_space<hbm>>
      tpu.wait_dma2 semaphore(%run_scoped3A : memref<!tpu.dma_semaphore, #tpu.memory_space<semaphore_mem>>) src(%dma_wait3A_26 : memref<81x128xi32, #tpu.memory_space<hbm>>) dst(%arg8 : memref<81x128xi32, #tpu.memory_space<vmem>>)
      tpu.yield
    }) : () -> ()
    %barrier3A = arith.constant 0 : index
    tpu.barrier barrier_id(%barrier3A)
    %scan3A = arith.constant 0 : i32
    %scan3A_3 = arith.constant 0 : i32
    %scan3A_4 = arith.constant 81 : i32
    %scan3A_5 = arith.addi %scan3A_3, %scan3A_4 : i32
    %scan3A_6 = arith.constant 1 : i32
    scf.for %scan3A_13 = %scan3A_3 to %scan3A_5 step %scan3A_6  : i32 {
      %dma_start3A = arith.constant 0 : i32
      %dma_start3A_14 = tpu.memref_slice %arg7[%scan3A_13, %dma_start3A] : memref<81x128xi32, #tpu.memory_space<vmem>> -> memref<1x128xi32, #tpu.memory_space<vmem>>
      %dma_start3A_15 = tpu.memref_squeeze %dma_start3A_14 : memref<1x128xi32, #tpu.memory_space<vmem>> -> memref<128xi32, #tpu.memory_space<vmem>>
      %dma_start3A_16 = arith.constant 0 : i32
      %dma_start3A_17 = arith.constant 0 : i32
      %dma_start3A_18 = tpu.memref_slice %arg2[%dma_start3A_16, %dma_start3A_17] : memref<10000x128xf32, #tpu.memory_space<hbm>> -> memref<10000x128xf32, #tpu.memory_space<hbm>>
      tpu.enqueue_indirect_dma source(%dma_start3A_18 : memref<10000x128xf32, #tpu.memory_space<hbm>>) target(%arg9 : memref<128x128xf32, #tpu.memory_space<vmem>>) offsets(%dma_start3A_15 : memref<128xi32, #tpu.memory_space<vmem>>) semaphore(%arg11 : memref<!tpu.dma_semaphore, #tpu.memory_space<semaphore_mem>>)
      %dma_wait3A = arith.constant 0 : i32
      %dma_wait3A_19 = tpu.memref_slice %arg7[%scan3A_13, %dma_wait3A] : memref<81x128xi32, #tpu.memory_space<vmem>> -> memref<1x128xi32, #tpu.memory_space<vmem>>
      %dma_wait3A_20 = tpu.memref_squeeze %dma_wait3A_19 : memref<1x128xi32, #tpu.memory_space<vmem>> -> memref<128xi32, #tpu.memory_space<vmem>>
      %dma_wait3A_21 = arith.constant 0 : i32
      %dma_wait3A_22 = arith.constant 0 : i32
      %dma_wait3A_23 = tpu.memref_slice %arg2[%dma_wait3A_21, %dma_wait3A_22] : memref<10000x128xf32, #tpu.memory_space<hbm>> -> memref<10000x128xf32, #tpu.memory_space<hbm>>
      tpu.wait_indirect_dma semaphore(%arg11 : memref<!tpu.dma_semaphore, #tpu.memory_space<semaphore_mem>>) src(%dma_wait3A_23 : memref<10000x128xf32, #tpu.memory_space<hbm>>) dst(%arg9 : memref<128x128xf32, #tpu.memory_space<vmem>>)
      "tpu.region"() ({
        %run_scoped3A = tpu.sem_alloc : memref<!tpu.dma_semaphore, #tpu.memory_space<semaphore_mem>>
        %dma_start3A_24 = arith.constant 0 : i32
        %dma_start3A_25 = tpu.memref_slice %arg8[%scan3A_13, %dma_start3A_24] : memref<81x128xi32, #tpu.memory_space<vmem>> -> memref<1x128xi32, #tpu.memory_space<vmem>>
        %dma_start3A_26 = tpu.memref_squeeze %dma_start3A_25 : memref<1x128xi32, #tpu.memory_space<vmem>> -> memref<128xi32, #tpu.memory_space<vmem>>
        %dma_start3A_27 = arith.constant 0 : i32
        %dma_start3A_28 = arith.constant 0 : i32
        %dma_start3A_29 = tpu.memref_slice %arg10[%dma_start3A_27, %dma_start3A_28] : memref<10240x128xf32, #tpu.memory_space<vmem_shared>> -> memref<10240x128xf32, #tpu.memory_space<vmem_shared>>
        tpu.enqueue_indirect_dma source(%arg9 : memref<128x128xf32, #tpu.memory_space<vmem>>) target(%dma_start3A_29 : memref<10240x128xf32, #tpu.memory_space<vmem_shared>>) offsets(%dma_start3A_26 : memref<128xi32, #tpu.memory_space<vmem>>) semaphore(%run_scoped3A : memref<!tpu.dma_semaphore, #tpu.memory_space<semaphore_mem>>) {add = true}
        %dma_wait3A_30 = arith.constant 0 : i32
        %dma_wait3A_31 = tpu.memref_slice %arg8[%scan3A_13, %dma_wait3A_30] : memref<81x128xi32, #tpu.memory_space<vmem>> -> memref<1x128xi32, #tpu.memory_space<vmem>>
        %dma_wait3A_32 = tpu.memref_squeeze %dma_wait3A_31 : memref<1x128xi32, #tpu.memory_space<vmem>> -> memref<128xi32, #tpu.memory_space<vmem>>
        %dma_wait3A_33 = arith.constant 0 : i32
        %dma_wait3A_34 = arith.constant 0 : i32
        %dma_wait3A_35 = tpu.memref_slice %arg10[%dma_wait3A_33, %dma_wait3A_34] : memref<10240x128xf32, #tpu.memory_space<vmem_shared>> -> memref<10240x128xf32, #tpu.memory_space<vmem_shared>>
        tpu.wait_indirect_dma semaphore(%run_scoped3A : memref<!tpu.dma_semaphore, #tpu.memory_space<semaphore_mem>>) src(%arg9 : memref<128x128xf32, #tpu.memory_space<vmem>>) dst(%dma_wait3A_35 : memref<10240x128xf32, #tpu.memory_space<vmem_shared>>)
        tpu.yield
      }) : () -> ()
    }
    %scan3A_7 = arith.constant 81 : i32
    %barrier3A_8 = arith.constant 0 : index
    tpu.barrier barrier_id(%barrier3A_8)
    %mul3A_9 = arith.constant 640 : i32
    %mul3A_10 = arith.muli %arg1, %mul3A_9 : i32
    %mul3A_11 = arith.constant 640 : i32
    %mul3A_12 = arith.muli %arg1, %mul3A_11 : i32
    "tpu.region"() ({
      %run_scoped3A = tpu.sem_alloc : memref<!tpu.dma_semaphore, #tpu.memory_space<semaphore_mem>>
      %dma_start3A = arith.constant 0 : i32
      %dma_start3A_13 = tpu.memref_slice %arg6[%arg0, %mul3A_12, %dma_start3A] : memref<2x10240x128xf32, #tpu.memory_space<hbm>> -> memref<1x640x128xf32, #tpu.memory_space<hbm>>
      %dma_start3A_14 = tpu.memref_squeeze %dma_start3A_13 : memref<1x640x128xf32, #tpu.memory_space<hbm>> -> memref<640x128xf32, #tpu.memory_space<hbm>>
      %dma_start3A_15 = arith.constant 0 : i32
      %dma_start3A_16 = tpu.memref_slice %arg10[%mul3A_10, %dma_start3A_15] : memref<10240x128xf32, #tpu.memory_space<vmem_shared>> -> memref<640x128xf32, #tpu.memory_space<vmem_shared>>
      tpu.enqueue_dma source(%dma_start3A_16 : memref<640x128xf32, #tpu.memory_space<vmem_shared>>) target(%dma_start3A_14 : memref<640x128xf32, #tpu.memory_space<hbm>>) target_semaphore(%run_scoped3A : memref<!tpu.dma_semaphore, #tpu.memory_space<semaphore_mem>>)
      %dma_wait3A = arith.constant 0 : i32
      %dma_wait3A_17 = tpu.memref_slice %arg6[%arg0, %mul3A_12, %dma_wait3A] : memref<2x10240x128xf32, #tpu.memory_space<hbm>> -> memref<1x640x128xf32, #tpu.memory_space<hbm>>
      %dma_wait3A_18 = tpu.memref_squeeze %dma_wait3A_17 : memref<1x640x128xf32, #tpu.memory_space<hbm>> -> memref<640x128xf32, #tpu.memory_space<hbm>>
      %dma_wait3A_19 = arith.constant 0 : i32
      %dma_wait3A_20 = tpu.memref_slice %arg10[%mul3A_10, %dma_wait3A_19] : memref<10240x128xf32, #tpu.memory_space<vmem_shared>> -> memref<640x128xf32, #tpu.memory_space<vmem_shared>>
      tpu.wait_dma2 semaphore(%run_scoped3A : memref<!tpu.dma_semaphore, #tpu.memory_space<semaphore_mem>>) src(%dma_wait3A_20 : memref<640x128xf32, #tpu.memory_space<vmem_shared>>) dst(%dma_wait3A_18 : memref<640x128xf32, #tpu.memory_space<hbm>>)
      tpu.yield
    }) : () -> ()
    return
  }
}

#map = affine_map<(d0, d1) -> (0, 0)>
#map1 = affine_map<(d0, d1) -> (0, 0, 0)>
module attributes {stable_mosaic.version = 14 : i64} {
  func.func @_sc_spmm(%arg0: i32, %arg1: i32, %arg2: memref<10000x128xf32, #tpu.memory_space<hbm>>, %arg3: memref<32x81x128xi32, #tpu.memory_space<hbm>>, %arg4: memref<32x81x128xi32, #tpu.memory_space<hbm>>, %arg5: memref<640x128xf32, #tpu.memory_space<hbm>>, %arg6: memref<2x10240x128xf32, #tpu.memory_space<hbm>>, %arg7: memref<81x128xi32, #tpu.memory_space<vmem>>, %arg8: memref<81x128xi32, #tpu.memory_space<vmem>>, %arg9: memref<128x128xf32, #tpu.memory_space<vmem>>, %arg10: memref<10240x128xf32, #tpu.memory_space<vmem_shared>>, %arg11: memref<!tpu.dma_semaphore, #tpu.memory_space<semaphore_mem>>) attributes {dimension_semantics = [#tpu.dimension_semantics<core_parallel>, #tpu.dimension_semantics<subcore_parallel>], iteration_bounds = array<i64: 2, 16>, scalar_prefetch = 0 : i64, scratch_operands = 5 : i64, tpu.core_type = #tpu.core_type<sc_vector_subcore>, window_params = [{transform_indices = #map}, {transform_indices = #map1}, {transform_indices = #map1}, {transform_indices = #map}, {transform_indices = #map1}]} {
    %mul3A = arith.constant 16 : i32
    %mul3A_0 = arith.muli %arg0, %mul3A : i32
    %add3A = arith.addi %mul3A_0, %arg1 : i32
    %mul3A_1 = arith.constant 640 : i32
    %mul3A_2 = arith.muli %arg1, %mul3A_1 : i32
    "tpu.region"() ({
      %run_scoped3A = tpu.sem_alloc : memref<!tpu.dma_semaphore, #tpu.memory_space<semaphore_mem>>
      %dma_start3A = arith.constant 0 : i32
      %dma_start3A_13 = tpu.memref_slice %arg10[%mul3A_2, %dma_start3A] : memref<10240x128xf32, #tpu.memory_space<vmem_shared>> -> memref<640x128xf32, #tpu.memory_space<vmem_shared>>
      tpu.enqueue_dma source(%arg5 : memref<640x128xf32, #tpu.memory_space<hbm>>) target(%dma_start3A_13 : memref<640x128xf32, #tpu.memory_space<vmem_shared>>) target_semaphore(%run_scoped3A : memref<!tpu.dma_semaphore, #tpu.memory_space<semaphore_mem>>)
      %dma_wait3A = arith.constant 0 : i32
      %dma_wait3A_14 = tpu.memref_slice %arg10[%mul3A_2, %dma_wait3A] : memref<10240x128xf32, #tpu.memory_space<vmem_shared>> -> memref<640x128xf32, #tpu.memory_space<vmem_shared>>
      tpu.wait_dma2 semaphore(%run_scoped3A : memref<!tpu.dma_semaphore, #tpu.memory_space<semaphore_mem>>) src(%arg5 : memref<640x128xf32, #tpu.memory_space<hbm>>) dst(%dma_wait3A_14 : memref<640x128xf32, #tpu.memory_space<vmem_shared>>)
      tpu.yield
    }) : () -> ()
    "tpu.region"() ({
      %run_scoped3A = tpu.sem_alloc : memref<!tpu.dma_semaphore, #tpu.memory_space<semaphore_mem>>
      %dma_start3A = arith.constant 0 : i32
      %dma_start3A_13 = arith.constant 0 : i32
      %dma_start3A_14 = tpu.memref_slice %arg3[%add3A, %dma_start3A, %dma_start3A_13] : memref<32x81x128xi32, #tpu.memory_space<hbm>> -> memref<1x81x128xi32, #tpu.memory_space<hbm>>
      %dma_start3A_15 = tpu.memref_squeeze %dma_start3A_14 : memref<1x81x128xi32, #tpu.memory_space<hbm>> -> memref<81x128xi32, #tpu.memory_space<hbm>>
      %dma_start3A_16 = arith.constant 0 : i32
      %dma_start3A_17 = arith.constant 0 : i32
      %dma_start3A_18 = tpu.memref_slice %arg3[%add3A, %dma_start3A_16, %dma_start3A_17] : memref<32x81x128xi32, #tpu.memory_space<hbm>> -> memref<1x81x128xi32, #tpu.memory_space<hbm>>
      %dma_start3A_19 = tpu.memref_squeeze %dma_start3A_18 : memref<1x81x128xi32, #tpu.memory_space<hbm>> -> memref<81x128xi32, #tpu.memory_space<hbm>>
      tpu.enqueue_dma source(%dma_start3A_19 : memref<81x128xi32, #tpu.memory_space<hbm>>) target(%arg7 : memref<81x128xi32, #tpu.memory_space<vmem>>) target_semaphore(%run_scoped3A : memref<!tpu.dma_semaphore, #tpu.memory_space<semaphore_mem>>)
      %dma_wait3A = arith.constant 0 : i32
      %dma_wait3A_20 = arith.constant 0 : i32
      %dma_wait3A_21 = tpu.memref_slice %arg3[%add3A, %dma_wait3A, %dma_wait3A_20] : memref<32x81x128xi32, #tpu.memory_space<hbm>> -> memref<1x81x128xi32, #tpu.memory_space<hbm>>
      %dma_wait3A_22 = tpu.memref_squeeze %dma_wait3A_21 : memref<1x81x128xi32, #tpu.memory_space<hbm>> -> memref<81x128xi32, #tpu.memory_space<hbm>>
      %dma_wait3A_23 = arith.constant 0 : i32
      %dma_wait3A_24 = arith.constant 0 : i32
      %dma_wait3A_25 = tpu.memref_slice %arg3[%add3A, %dma_wait3A_23, %dma_wait3A_24] : memref<32x81x128xi32, #tpu.memory_space<hbm>> -> memref<1x81x128xi32, #tpu.memory_space<hbm>>
      %dma_wait3A_26 = tpu.memref_squeeze %dma_wait3A_25 : memref<1x81x128xi32, #tpu.memory_space<hbm>> -> memref<81x128xi32, #tpu.memory_space<hbm>>
      tpu.wait_dma2 semaphore(%run_scoped3A : memref<!tpu.dma_semaphore, #tpu.memory_space<semaphore_mem>>) src(%dma_wait3A_26 : memref<81x128xi32, #tpu.memory_space<hbm>>) dst(%arg7 : memref<81x128xi32, #tpu.memory_space<vmem>>)
      tpu.yield
    }) : () -> ()
    "tpu.region"() ({
      %run_scoped3A = tpu.sem_alloc : memref<!tpu.dma_semaphore, #tpu.memory_space<semaphore_mem>>
      %dma_start3A = arith.constant 0 : i32
      %dma_start3A_13 = arith.constant 0 : i32
      %dma_start3A_14 = tpu.memref_slice %arg4[%add3A, %dma_start3A, %dma_start3A_13] : memref<32x81x128xi32, #tpu.memory_space<hbm>> -> memref<1x81x128xi32, #tpu.memory_space<hbm>>
      %dma_start3A_15 = tpu.memref_squeeze %dma_start3A_14 : memref<1x81x128xi32, #tpu.memory_space<hbm>> -> memref<81x128xi32, #tpu.memory_space<hbm>>
      %dma_start3A_16 = arith.constant 0 : i32
      %dma_start3A_17 = arith.constant 0 : i32
      %dma_start3A_18 = tpu.memref_slice %arg4[%add3A, %dma_start3A_16, %dma_start3A_17] : memref<32x81x128xi32, #tpu.memory_space<hbm>> -> memref<1x81x128xi32, #tpu.memory_space<hbm>>
      %dma_start3A_19 = tpu.memref_squeeze %dma_start3A_18 : memref<1x81x128xi32, #tpu.memory_space<hbm>> -> memref<81x128xi32, #tpu.memory_space<hbm>>
      tpu.enqueue_dma source(%dma_start3A_19 : memref<81x128xi32, #tpu.memory_space<hbm>>) target(%arg8 : memref<81x128xi32, #tpu.memory_space<vmem>>) target_semaphore(%run_scoped3A : memref<!tpu.dma_semaphore, #tpu.memory_space<semaphore_mem>>)
      %dma_wait3A = arith.constant 0 : i32
      %dma_wait3A_20 = arith.constant 0 : i32
      %dma_wait3A_21 = tpu.memref_slice %arg4[%add3A, %dma_wait3A, %dma_wait3A_20] : memref<32x81x128xi32, #tpu.memory_space<hbm>> -> memref<1x81x128xi32, #tpu.memory_space<hbm>>
      %dma_wait3A_22 = tpu.memref_squeeze %dma_wait3A_21 : memref<1x81x128xi32, #tpu.memory_space<hbm>> -> memref<81x128xi32, #tpu.memory_space<hbm>>
      %dma_wait3A_23 = arith.constant 0 : i32
      %dma_wait3A_24 = arith.constant 0 : i32
      %dma_wait3A_25 = tpu.memref_slice %arg4[%add3A, %dma_wait3A_23, %dma_wait3A_24] : memref<32x81x128xi32, #tpu.memory_space<hbm>> -> memref<1x81x128xi32, #tpu.memory_space<hbm>>
      %dma_wait3A_26 = tpu.memref_squeeze %dma_wait3A_25 : memref<1x81x128xi32, #tpu.memory_space<hbm>> -> memref<81x128xi32, #tpu.memory_space<hbm>>
      tpu.wait_dma2 semaphore(%run_scoped3A : memref<!tpu.dma_semaphore, #tpu.memory_space<semaphore_mem>>) src(%dma_wait3A_26 : memref<81x128xi32, #tpu.memory_space<hbm>>) dst(%arg8 : memref<81x128xi32, #tpu.memory_space<vmem>>)
      tpu.yield
    }) : () -> ()
    %barrier3A = arith.constant 0 : index
    tpu.barrier barrier_id(%barrier3A)
    %scan3A = arith.constant 0 : i32
    %scan3A_3 = arith.constant 0 : i32
    %scan3A_4 = arith.constant 81 : i32
    %scan3A_5 = arith.addi %scan3A_3, %scan3A_4 : i32
    %scan3A_6 = arith.constant 1 : i32
    scf.for %scan3A_13 = %scan3A_3 to %scan3A_5 step %scan3A_6  : i32 {
      %dma_start3A = arith.constant 0 : i32
      %dma_start3A_14 = tpu.memref_slice %arg7[%scan3A_13, %dma_start3A] : memref<81x128xi32, #tpu.memory_space<vmem>> -> memref<1x128xi32, #tpu.memory_space<vmem>>
      %dma_start3A_15 = tpu.memref_squeeze %dma_start3A_14 : memref<1x128xi32, #tpu.memory_space<vmem>> -> memref<128xi32, #tpu.memory_space<vmem>>
      %dma_start3A_16 = arith.constant 0 : i32
      %dma_start3A_17 = arith.constant 0 : i32
      %dma_start3A_18 = tpu.memref_slice %arg2[%dma_start3A_16, %dma_start3A_17] : memref<10000x128xf32, #tpu.memory_space<hbm>> -> memref<10000x128xf32, #tpu.memory_space<hbm>>
      tpu.enqueue_indirect_dma source(%dma_start3A_18 : memref<10000x128xf32, #tpu.memory_space<hbm>>) target(%arg9 : memref<128x128xf32, #tpu.memory_space<vmem>>) offsets(%dma_start3A_15 : memref<128xi32, #tpu.memory_space<vmem>>) semaphore(%arg11 : memref<!tpu.dma_semaphore, #tpu.memory_space<semaphore_mem>>)
      %dma_wait3A = arith.constant 0 : i32
      %dma_wait3A_19 = tpu.memref_slice %arg7[%scan3A_13, %dma_wait3A] : memref<81x128xi32, #tpu.memory_space<vmem>> -> memref<1x128xi32, #tpu.memory_space<vmem>>
      %dma_wait3A_20 = tpu.memref_squeeze %dma_wait3A_19 : memref<1x128xi32, #tpu.memory_space<vmem>> -> memref<128xi32, #tpu.memory_space<vmem>>
      %dma_wait3A_21 = arith.constant 0 : i32
      %dma_wait3A_22 = arith.constant 0 : i32
      %dma_wait3A_23 = tpu.memref_slice %arg2[%dma_wait3A_21, %dma_wait3A_22] : memref<10000x128xf32, #tpu.memory_space<hbm>> -> memref<10000x128xf32, #tpu.memory_space<hbm>>
      tpu.wait_indirect_dma semaphore(%arg11 : memref<!tpu.dma_semaphore, #tpu.memory_space<semaphore_mem>>) src(%dma_wait3A_23 : memref<10000x128xf32, #tpu.memory_space<hbm>>) dst(%arg9 : memref<128x128xf32, #tpu.memory_space<vmem>>)
      "tpu.region"() ({
        %run_scoped3A = tpu.sem_alloc : memref<!tpu.dma_semaphore, #tpu.memory_space<semaphore_mem>>
        %dma_start3A_24 = arith.constant 0 : i32
        %dma_start3A_25 = tpu.memref_slice %arg8[%scan3A_13, %dma_start3A_24] : memref<81x128xi32, #tpu.memory_space<vmem>> -> memref<1x128xi32, #tpu.memory_space<vmem>>
        %dma_start3A_26 = tpu.memref_squeeze %dma_start3A_25 : memref<1x128xi32, #tpu.memory_space<vmem>> -> memref<128xi32, #tpu.memory_space<vmem>>
        %dma_start3A_27 = arith.constant 0 : i32
        %dma_start3A_28 = arith.constant 0 : i32
        %dma_start3A_29 = tpu.memref_slice %arg10[%dma_start3A_27, %dma_start3A_28] : memref<10240x128xf32, #tpu.memory_space<vmem_shared>> -> memref<10240x128xf32, #tpu.memory_space<vmem_shared>>
        tpu.enqueue_indirect_dma source(%arg9 : memref<128x128xf32, #tpu.memory_space<vmem>>) target(%dma_start3A_29 : memref<10240x128xf32, #tpu.memory_space<vmem_shared>>) offsets(%dma_start3A_26 : memref<128xi32, #tpu.memory_space<vmem>>) semaphore(%run_scoped3A : memref<!tpu.dma_semaphore, #tpu.memory_space<semaphore_mem>>) {add = true}
        %dma_wait3A_30 = arith.constant 0 : i32
        %dma_wait3A_31 = tpu.memref_slice %arg8[%scan3A_13, %dma_wait3A_30] : memref<81x128xi32, #tpu.memory_space<vmem>> -> memref<1x128xi32, #tpu.memory_space<vmem>>
        %dma_wait3A_32 = tpu.memref_squeeze %dma_wait3A_31 : memref<1x128xi32, #tpu.memory_space<vmem>> -> memref<128xi32, #tpu.memory_space<vmem>>
        %dma_wait3A_33 = arith.constant 0 : i32
        %dma_wait3A_34 = arith.constant 0 : i32
        %dma_wait3A_35 = tpu.memref_slice %arg10[%dma_wait3A_33, %dma_wait3A_34] : memref<10240x128xf32, #tpu.memory_space<vmem_shared>> -> memref<10240x128xf32, #tpu.memory_space<vmem_shared>>
        tpu.wait_indirect_dma semaphore(%run_scoped3A : memref<!tpu.dma_semaphore, #tpu.memory_space<semaphore_mem>>) src(%arg9 : memref<128x128xf32, #tpu.memory_space<vmem>>) dst(%dma_wait3A_35 : memref<10240x128xf32, #tpu.memory_space<vmem_shared>>)
        tpu.yield
      }) : () -> ()
    }
    %scan3A_7 = arith.constant 81 : i32
    %barrier3A_8 = arith.constant 0 : index
    tpu.barrier barrier_id(%barrier3A_8)
    %mul3A_9 = arith.constant 640 : i32
    %mul3A_10 = arith.muli %arg1, %mul3A_9 : i32
    %mul3A_11 = arith.constant 640 : i32
    %mul3A_12 = arith.muli %arg1, %mul3A_11 : i32
    "tpu.region"() ({
      %run_scoped3A = tpu.sem_alloc : memref<!tpu.dma_semaphore, #tpu.memory_space<semaphore_mem>>
      %dma_start3A = arith.constant 0 : i32
      %dma_start3A_13 = tpu.memref_slice %arg6[%arg0, %mul3A_12, %dma_start3A] : memref<2x10240x128xf32, #tpu.memory_space<hbm>> -> memref<1x640x128xf32, #tpu.memory_space<hbm>>
      %dma_start3A_14 = tpu.memref_squeeze %dma_start3A_13 : memref<1x640x128xf32, #tpu.memory_space<hbm>> -> memref<640x128xf32, #tpu.memory_space<hbm>>
      %dma_start3A_15 = arith.constant 0 : i32
      %dma_start3A_16 = tpu.memref_slice %arg10[%mul3A_10, %dma_start3A_15] : memref<10240x128xf32, #tpu.memory_space<vmem_shared>> -> memref<640x128xf32, #tpu.memory_space<vmem_shared>>
      tpu.enqueue_dma source(%dma_start3A_16 : memref<640x128xf32, #tpu.memory_space<vmem_shared>>) target(%dma_start3A_14 : memref<640x128xf32, #tpu.memory_space<hbm>>) target_semaphore(%run_scoped3A : memref<!tpu.dma_semaphore, #tpu.memory_space<semaphore_mem>>)
      %dma_wait3A = arith.constant 0 : i32
      %dma_wait3A_17 = tpu.memref_slice %arg6[%arg0, %mul3A_12, %dma_wait3A] : memref<2x10240x128xf32, #tpu.memory_space<hbm>> -> memref<1x640x128xf32, #tpu.memory_space<hbm>>
      %dma_wait3A_18 = tpu.memref_squeeze %dma_wait3A_17 : memref<1x640x128xf32, #tpu.memory_space<hbm>> -> memref<640x128xf32, #tpu.memory_space<hbm>>
      %dma_wait3A_19 = arith.constant 0 : i32
      %dma_wait3A_20 = tpu.memref_slice %arg10[%mul3A_10, %dma_wait3A_19] : memref<10240x128xf32, #tpu.memory_space<vmem_shared>> -> memref<640x128xf32, #tpu.memory_space<vmem_shared>>
      tpu.wait_dma2 semaphore(%run_scoped3A : memref<!tpu.dma_semaphore, #tpu.memory_space<semaphore_mem>>) src(%dma_wait3A_20 : memref<640x128xf32, #tpu.memory_space<vmem_shared>>) dst(%dma_wait3A_18 : memref<640x128xf32, #tpu.memory_space<hbm>>)
      tpu.yield
    }) : () -> ()
    return
  }
}

#map = affine_map<(d0, d1) -> (0, 0)>
#map1 = affine_map<(d0, d1) -> (0, 0, 0)>
module attributes {stable_mosaic.version = 14 : i64} {
  func.func @_sc_spmm(%arg0: i32, %arg1: i32, %arg2: memref<10000x128xf32, #tpu.memory_space<hbm>>, %arg3: memref<32x81x128xi32, #tpu.memory_space<hbm>>, %arg4: memref<32x81x128xi32, #tpu.memory_space<hbm>>, %arg5: memref<640x128xf32, #tpu.memory_space<hbm>>, %arg6: memref<2x10240x128xf32, #tpu.memory_space<hbm>>, %arg7: memref<81x128xi32, #tpu.memory_space<vmem>>, %arg8: memref<81x128xi32, #tpu.memory_space<vmem>>, %arg9: memref<128x128xf32, #tpu.memory_space<vmem>>, %arg10: memref<10240x128xf32, #tpu.memory_space<vmem_shared>>, %arg11: memref<!tpu.dma_semaphore, #tpu.memory_space<semaphore_mem>>) attributes {dimension_semantics = [#tpu.dimension_semantics<core_parallel>, #tpu.dimension_semantics<subcore_parallel>], iteration_bounds = array<i64: 2, 16>, scalar_prefetch = 0 : i64, scratch_operands = 5 : i64, tpu.core_type = #tpu.core_type<sc_vector_subcore>, window_params = [{transform_indices = #map}, {transform_indices = #map1}, {transform_indices = #map1}, {transform_indices = #map}, {transform_indices = #map1}]} {
    %mul3A = arith.constant 16 : i32
    %mul3A_0 = arith.muli %arg0, %mul3A : i32
    %add3A = arith.addi %mul3A_0, %arg1 : i32
    %mul3A_1 = arith.constant 640 : i32
    %mul3A_2 = arith.muli %arg1, %mul3A_1 : i32
    "tpu.region"() ({
      %run_scoped3A = tpu.sem_alloc : memref<!tpu.dma_semaphore, #tpu.memory_space<semaphore_mem>>
      %dma_start3A = arith.constant 0 : i32
      %dma_start3A_13 = tpu.memref_slice %arg10[%mul3A_2, %dma_start3A] : memref<10240x128xf32, #tpu.memory_space<vmem_shared>> -> memref<640x128xf32, #tpu.memory_space<vmem_shared>>
      tpu.enqueue_dma source(%arg5 : memref<640x128xf32, #tpu.memory_space<hbm>>) target(%dma_start3A_13 : memref<640x128xf32, #tpu.memory_space<vmem_shared>>) target_semaphore(%run_scoped3A : memref<!tpu.dma_semaphore, #tpu.memory_space<semaphore_mem>>)
      %dma_wait3A = arith.constant 0 : i32
      %dma_wait3A_14 = tpu.memref_slice %arg10[%mul3A_2, %dma_wait3A] : memref<10240x128xf32, #tpu.memory_space<vmem_shared>> -> memref<640x128xf32, #tpu.memory_space<vmem_shared>>
      tpu.wait_dma2 semaphore(%run_scoped3A : memref<!tpu.dma_semaphore, #tpu.memory_space<semaphore_mem>>) src(%arg5 : memref<640x128xf32, #tpu.memory_space<hbm>>) dst(%dma_wait3A_14 : memref<640x128xf32, #tpu.memory_space<vmem_shared>>)
      tpu.yield
    }) : () -> ()
    "tpu.region"() ({
      %run_scoped3A = tpu.sem_alloc : memref<!tpu.dma_semaphore, #tpu.memory_space<semaphore_mem>>
      %dma_start3A = arith.constant 0 : i32
      %dma_start3A_13 = arith.constant 0 : i32
      %dma_start3A_14 = tpu.memref_slice %arg3[%add3A, %dma_start3A, %dma_start3A_13] : memref<32x81x128xi32, #tpu.memory_space<hbm>> -> memref<1x81x128xi32, #tpu.memory_space<hbm>>
      %dma_start3A_15 = tpu.memref_squeeze %dma_start3A_14 : memref<1x81x128xi32, #tpu.memory_space<hbm>> -> memref<81x128xi32, #tpu.memory_space<hbm>>
      %dma_start3A_16 = arith.constant 0 : i32
      %dma_start3A_17 = arith.constant 0 : i32
      %dma_start3A_18 = tpu.memref_slice %arg3[%add3A, %dma_start3A_16, %dma_start3A_17] : memref<32x81x128xi32, #tpu.memory_space<hbm>> -> memref<1x81x128xi32, #tpu.memory_space<hbm>>
      %dma_start3A_19 = tpu.memref_squeeze %dma_start3A_18 : memref<1x81x128xi32, #tpu.memory_space<hbm>> -> memref<81x128xi32, #tpu.memory_space<hbm>>
      tpu.enqueue_dma source(%dma_start3A_19 : memref<81x128xi32, #tpu.memory_space<hbm>>) target(%arg7 : memref<81x128xi32, #tpu.memory_space<vmem>>) target_semaphore(%run_scoped3A : memref<!tpu.dma_semaphore, #tpu.memory_space<semaphore_mem>>)
      %dma_wait3A = arith.constant 0 : i32
      %dma_wait3A_20 = arith.constant 0 : i32
      %dma_wait3A_21 = tpu.memref_slice %arg3[%add3A, %dma_wait3A, %dma_wait3A_20] : memref<32x81x128xi32, #tpu.memory_space<hbm>> -> memref<1x81x128xi32, #tpu.memory_space<hbm>>
      %dma_wait3A_22 = tpu.memref_squeeze %dma_wait3A_21 : memref<1x81x128xi32, #tpu.memory_space<hbm>> -> memref<81x128xi32, #tpu.memory_space<hbm>>
      %dma_wait3A_23 = arith.constant 0 : i32
      %dma_wait3A_24 = arith.constant 0 : i32
      %dma_wait3A_25 = tpu.memref_slice %arg3[%add3A, %dma_wait3A_23, %dma_wait3A_24] : memref<32x81x128xi32, #tpu.memory_space<hbm>> -> memref<1x81x128xi32, #tpu.memory_space<hbm>>
      %dma_wait3A_26 = tpu.memref_squeeze %dma_wait3A_25 : memref<1x81x128xi32, #tpu.memory_space<hbm>> -> memref<81x128xi32, #tpu.memory_space<hbm>>
      tpu.wait_dma2 semaphore(%run_scoped3A : memref<!tpu.dma_semaphore, #tpu.memory_space<semaphore_mem>>) src(%dma_wait3A_26 : memref<81x128xi32, #tpu.memory_space<hbm>>) dst(%arg7 : memref<81x128xi32, #tpu.memory_space<vmem>>)
      tpu.yield
    }) : () -> ()
    "tpu.region"() ({
      %run_scoped3A = tpu.sem_alloc : memref<!tpu.dma_semaphore, #tpu.memory_space<semaphore_mem>>
      %dma_start3A = arith.constant 0 : i32
      %dma_start3A_13 = arith.constant 0 : i32
      %dma_start3A_14 = tpu.memref_slice %arg4[%add3A, %dma_start3A, %dma_start3A_13] : memref<32x81x128xi32, #tpu.memory_space<hbm>> -> memref<1x81x128xi32, #tpu.memory_space<hbm>>
      %dma_start3A_15 = tpu.memref_squeeze %dma_start3A_14 : memref<1x81x128xi32, #tpu.memory_space<hbm>> -> memref<81x128xi32, #tpu.memory_space<hbm>>
      %dma_start3A_16 = arith.constant 0 : i32
      %dma_start3A_17 = arith.constant 0 : i32
      %dma_start3A_18 = tpu.memref_slice %arg4[%add3A, %dma_start3A_16, %dma_start3A_17] : memref<32x81x128xi32, #tpu.memory_space<hbm>> -> memref<1x81x128xi32, #tpu.memory_space<hbm>>
      %dma_start3A_19 = tpu.memref_squeeze %dma_start3A_18 : memref<1x81x128xi32, #tpu.memory_space<hbm>> -> memref<81x128xi32, #tpu.memory_space<hbm>>
      tpu.enqueue_dma source(%dma_start3A_19 : memref<81x128xi32, #tpu.memory_space<hbm>>) target(%arg8 : memref<81x128xi32, #tpu.memory_space<vmem>>) target_semaphore(%run_scoped3A : memref<!tpu.dma_semaphore, #tpu.memory_space<semaphore_mem>>)
      %dma_wait3A = arith.constant 0 : i32
      %dma_wait3A_20 = arith.constant 0 : i32
      %dma_wait3A_21 = tpu.memref_slice %arg4[%add3A, %dma_wait3A, %dma_wait3A_20] : memref<32x81x128xi32, #tpu.memory_space<hbm>> -> memref<1x81x128xi32, #tpu.memory_space<hbm>>
      %dma_wait3A_22 = tpu.memref_squeeze %dma_wait3A_21 : memref<1x81x128xi32, #tpu.memory_space<hbm>> -> memref<81x128xi32, #tpu.memory_space<hbm>>
      %dma_wait3A_23 = arith.constant 0 : i32
      %dma_wait3A_24 = arith.constant 0 : i32
      %dma_wait3A_25 = tpu.memref_slice %arg4[%add3A, %dma_wait3A_23, %dma_wait3A_24] : memref<32x81x128xi32, #tpu.memory_space<hbm>> -> memref<1x81x128xi32, #tpu.memory_space<hbm>>
      %dma_wait3A_26 = tpu.memref_squeeze %dma_wait3A_25 : memref<1x81x128xi32, #tpu.memory_space<hbm>> -> memref<81x128xi32, #tpu.memory_space<hbm>>
      tpu.wait_dma2 semaphore(%run_scoped3A : memref<!tpu.dma_semaphore, #tpu.memory_space<semaphore_mem>>) src(%dma_wait3A_26 : memref<81x128xi32, #tpu.memory_space<hbm>>) dst(%arg8 : memref<81x128xi32, #tpu.memory_space<vmem>>)
      tpu.yield
    }) : () -> ()
    %barrier3A = arith.constant 0 : index
    tpu.barrier barrier_id(%barrier3A)
    %scan3A = arith.constant 0 : i32
    %scan3A_3 = arith.constant 0 : i32
    %scan3A_4 = arith.constant 81 : i32
    %scan3A_5 = arith.addi %scan3A_3, %scan3A_4 : i32
    %scan3A_6 = arith.constant 1 : i32
    scf.for %scan3A_13 = %scan3A_3 to %scan3A_5 step %scan3A_6  : i32 {
      %dma_start3A = arith.constant 0 : i32
      %dma_start3A_14 = tpu.memref_slice %arg7[%scan3A_13, %dma_start3A] : memref<81x128xi32, #tpu.memory_space<vmem>> -> memref<1x128xi32, #tpu.memory_space<vmem>>
      %dma_start3A_15 = tpu.memref_squeeze %dma_start3A_14 : memref<1x128xi32, #tpu.memory_space<vmem>> -> memref<128xi32, #tpu.memory_space<vmem>>
      %dma_start3A_16 = arith.constant 0 : i32
      %dma_start3A_17 = arith.constant 0 : i32
      %dma_start3A_18 = tpu.memref_slice %arg2[%dma_start3A_16, %dma_start3A_17] : memref<10000x128xf32, #tpu.memory_space<hbm>> -> memref<10000x128xf32, #tpu.memory_space<hbm>>
      tpu.enqueue_indirect_dma source(%dma_start3A_18 : memref<10000x128xf32, #tpu.memory_space<hbm>>) target(%arg9 : memref<128x128xf32, #tpu.memory_space<vmem>>) offsets(%dma_start3A_15 : memref<128xi32, #tpu.memory_space<vmem>>) semaphore(%arg11 : memref<!tpu.dma_semaphore, #tpu.memory_space<semaphore_mem>>)
      %dma_wait3A = arith.constant 0 : i32
      %dma_wait3A_19 = tpu.memref_slice %arg7[%scan3A_13, %dma_wait3A] : memref<81x128xi32, #tpu.memory_space<vmem>> -> memref<1x128xi32, #tpu.memory_space<vmem>>
      %dma_wait3A_20 = tpu.memref_squeeze %dma_wait3A_19 : memref<1x128xi32, #tpu.memory_space<vmem>> -> memref<128xi32, #tpu.memory_space<vmem>>
      %dma_wait3A_21 = arith.constant 0 : i32
      %dma_wait3A_22 = arith.constant 0 : i32
      %dma_wait3A_23 = tpu.memref_slice %arg2[%dma_wait3A_21, %dma_wait3A_22] : memref<10000x128xf32, #tpu.memory_space<hbm>> -> memref<10000x128xf32, #tpu.memory_space<hbm>>
      tpu.wait_indirect_dma semaphore(%arg11 : memref<!tpu.dma_semaphore, #tpu.memory_space<semaphore_mem>>) src(%dma_wait3A_23 : memref<10000x128xf32, #tpu.memory_space<hbm>>) dst(%arg9 : memref<128x128xf32, #tpu.memory_space<vmem>>)
      "tpu.region"() ({
        %run_scoped3A = tpu.sem_alloc : memref<!tpu.dma_semaphore, #tpu.memory_space<semaphore_mem>>
        %dma_start3A_24 = arith.constant 0 : i32
        %dma_start3A_25 = tpu.memref_slice %arg8[%scan3A_13, %dma_start3A_24] : memref<81x128xi32, #tpu.memory_space<vmem>> -> memref<1x128xi32, #tpu.memory_space<vmem>>
        %dma_start3A_26 = tpu.memref_squeeze %dma_start3A_25 : memref<1x128xi32, #tpu.memory_space<vmem>> -> memref<128xi32, #tpu.memory_space<vmem>>
        %dma_start3A_27 = arith.constant 0 : i32
        %dma_start3A_28 = arith.constant 0 : i32
        %dma_start3A_29 = tpu.memref_slice %arg10[%dma_start3A_27, %dma_start3A_28] : memref<10240x128xf32, #tpu.memory_space<vmem_shared>> -> memref<10240x128xf32, #tpu.memory_space<vmem_shared>>
        tpu.enqueue_indirect_dma source(%arg9 : memref<128x128xf32, #tpu.memory_space<vmem>>) target(%dma_start3A_29 : memref<10240x128xf32, #tpu.memory_space<vmem_shared>>) offsets(%dma_start3A_26 : memref<128xi32, #tpu.memory_space<vmem>>) semaphore(%run_scoped3A : memref<!tpu.dma_semaphore, #tpu.memory_space<semaphore_mem>>) {add = true}
        %dma_wait3A_30 = arith.constant 0 : i32
        %dma_wait3A_31 = tpu.memref_slice %arg8[%scan3A_13, %dma_wait3A_30] : memref<81x128xi32, #tpu.memory_space<vmem>> -> memref<1x128xi32, #tpu.memory_space<vmem>>
        %dma_wait3A_32 = tpu.memref_squeeze %dma_wait3A_31 : memref<1x128xi32, #tpu.memory_space<vmem>> -> memref<128xi32, #tpu.memory_space<vmem>>
        %dma_wait3A_33 = arith.constant 0 : i32
        %dma_wait3A_34 = arith.constant 0 : i32
        %dma_wait3A_35 = tpu.memref_slice %arg10[%dma_wait3A_33, %dma_wait3A_34] : memref<10240x128xf32, #tpu.memory_space<vmem_shared>> -> memref<10240x128xf32, #tpu.memory_space<vmem_shared>>
        tpu.wait_indirect_dma semaphore(%run_scoped3A : memref<!tpu.dma_semaphore, #tpu.memory_space<semaphore_mem>>) src(%arg9 : memref<128x128xf32, #tpu.memory_space<vmem>>) dst(%dma_wait3A_35 : memref<10240x128xf32, #tpu.memory_space<vmem_shared>>)
        tpu.yield
      }) : () -> ()
    }
    %scan3A_7 = arith.constant 81 : i32
    %barrier3A_8 = arith.constant 0 : index
    tpu.barrier barrier_id(%barrier3A_8)
    %mul3A_9 = arith.constant 640 : i32
    %mul3A_10 = arith.muli %arg1, %mul3A_9 : i32
    %mul3A_11 = arith.constant 640 : i32
    %mul3A_12 = arith.muli %arg1, %mul3A_11 : i32
    "tpu.region"() ({
      %run_scoped3A = tpu.sem_alloc : memref<!tpu.dma_semaphore, #tpu.memory_space<semaphore_mem>>
      %dma_start3A = arith.constant 0 : i32
      %dma_start3A_13 = tpu.memref_slice %arg6[%arg0, %mul3A_12, %dma_start3A] : memref<2x10240x128xf32, #tpu.memory_space<hbm>> -> memref<1x640x128xf32, #tpu.memory_space<hbm>>
      %dma_start3A_14 = tpu.memref_squeeze %dma_start3A_13 : memref<1x640x128xf32, #tpu.memory_space<hbm>> -> memref<640x128xf32, #tpu.memory_space<hbm>>
      %dma_start3A_15 = arith.constant 0 : i32
      %dma_start3A_16 = tpu.memref_slice %arg10[%mul3A_10, %dma_start3A_15] : memref<10240x128xf32, #tpu.memory_space<vmem_shared>> -> memref<640x128xf32, #tpu.memory_space<vmem_shared>>
      tpu.enqueue_dma source(%dma_start3A_16 : memref<640x128xf32, #tpu.memory_space<vmem_shared>>) target(%dma_start3A_14 : memref<640x128xf32, #tpu.memory_space<hbm>>) target_semaphore(%run_scoped3A : memref<!tpu.dma_semaphore, #tpu.memory_space<semaphore_mem>>)
      %dma_wait3A = arith.constant 0 : i32
      %dma_wait3A_17 = tpu.memref_slice %arg6[%arg0, %mul3A_12, %dma_wait3A] : memref<2x10240x128xf32, #tpu.memory_space<hbm>> -> memref<1x640x128xf32, #tpu.memory_space<hbm>>
      %dma_wait3A_18 = tpu.memref_squeeze %dma_wait3A_17 : memref<1x640x128xf32, #tpu.memory_space<hbm>> -> memref<640x128xf32, #tpu.memory_space<hbm>>
      %dma_wait3A_19 = arith.constant 0 : i32
      %dma_wait3A_20 = tpu.memref_slice %arg10[%mul3A_10, %dma_wait3A_19] : memref<10240x128xf32, #tpu.memory_space<vmem_shared>> -> memref<640x128xf32, #tpu.memory_space<vmem_shared>>
      tpu.wait_dma2 semaphore(%run_scoped3A : memref<!tpu.dma_semaphore, #tpu.memory_space<semaphore_mem>>) src(%dma_wait3A_20 : memref<640x128xf32, #tpu.memory_space<vmem_shared>>) dst(%dma_wait3A_18 : memref<640x128xf32, #tpu.memory_space<hbm>>)
      tpu.yield
    }) : () -> ()
    return
  }
}

#map = affine_map<(d0, d1) -> (0, 0)>
#map1 = affine_map<(d0, d1) -> (0, 0, 0)>
module attributes {stable_mosaic.version = 14 : i64} {
  func.func @_sc_spmm(%arg0: i32, %arg1: i32, %arg2: memref<10000x128xf32, #tpu.memory_space<hbm>>, %arg3: memref<32x81x128xi32, #tpu.memory_space<hbm>>, %arg4: memref<32x81x128xi32, #tpu.memory_space<hbm>>, %arg5: memref<640x128xf32, #tpu.memory_space<hbm>>, %arg6: memref<2x10240x128xf32, #tpu.memory_space<hbm>>, %arg7: memref<81x128xi32, #tpu.memory_space<vmem>>, %arg8: memref<81x128xi32, #tpu.memory_space<vmem>>, %arg9: memref<128x128xf32, #tpu.memory_space<vmem>>, %arg10: memref<10240x128xf32, #tpu.memory_space<vmem_shared>>, %arg11: memref<!tpu.dma_semaphore, #tpu.memory_space<semaphore_mem>>) attributes {dimension_semantics = [#tpu.dimension_semantics<core_parallel>, #tpu.dimension_semantics<subcore_parallel>], iteration_bounds = array<i64: 2, 16>, scalar_prefetch = 0 : i64, scratch_operands = 5 : i64, tpu.core_type = #tpu.core_type<sc_vector_subcore>, window_params = [{transform_indices = #map}, {transform_indices = #map1}, {transform_indices = #map1}, {transform_indices = #map}, {transform_indices = #map1}]} {
    %mul3A = arith.constant 16 : i32
    %mul3A_0 = arith.muli %arg0, %mul3A : i32
    %add3A = arith.addi %mul3A_0, %arg1 : i32
    %mul3A_1 = arith.constant 640 : i32
    %mul3A_2 = arith.muli %arg1, %mul3A_1 : i32
    "tpu.region"() ({
      %run_scoped3A = tpu.sem_alloc : memref<!tpu.dma_semaphore, #tpu.memory_space<semaphore_mem>>
      %dma_start3A = arith.constant 0 : i32
      %dma_start3A_13 = tpu.memref_slice %arg10[%mul3A_2, %dma_start3A] : memref<10240x128xf32, #tpu.memory_space<vmem_shared>> -> memref<640x128xf32, #tpu.memory_space<vmem_shared>>
      tpu.enqueue_dma source(%arg5 : memref<640x128xf32, #tpu.memory_space<hbm>>) target(%dma_start3A_13 : memref<640x128xf32, #tpu.memory_space<vmem_shared>>) target_semaphore(%run_scoped3A : memref<!tpu.dma_semaphore, #tpu.memory_space<semaphore_mem>>)
      %dma_wait3A = arith.constant 0 : i32
      %dma_wait3A_14 = tpu.memref_slice %arg10[%mul3A_2, %dma_wait3A] : memref<10240x128xf32, #tpu.memory_space<vmem_shared>> -> memref<640x128xf32, #tpu.memory_space<vmem_shared>>
      tpu.wait_dma2 semaphore(%run_scoped3A : memref<!tpu.dma_semaphore, #tpu.memory_space<semaphore_mem>>) src(%arg5 : memref<640x128xf32, #tpu.memory_space<hbm>>) dst(%dma_wait3A_14 : memref<640x128xf32, #tpu.memory_space<vmem_shared>>)
      tpu.yield
    }) : () -> ()
    "tpu.region"() ({
      %run_scoped3A = tpu.sem_alloc : memref<!tpu.dma_semaphore, #tpu.memory_space<semaphore_mem>>
      %dma_start3A = arith.constant 0 : i32
      %dma_start3A_13 = arith.constant 0 : i32
      %dma_start3A_14 = tpu.memref_slice %arg3[%add3A, %dma_start3A, %dma_start3A_13] : memref<32x81x128xi32, #tpu.memory_space<hbm>> -> memref<1x81x128xi32, #tpu.memory_space<hbm>>
      %dma_start3A_15 = tpu.memref_squeeze %dma_start3A_14 : memref<1x81x128xi32, #tpu.memory_space<hbm>> -> memref<81x128xi32, #tpu.memory_space<hbm>>
      %dma_start3A_16 = arith.constant 0 : i32
      %dma_start3A_17 = arith.constant 0 : i32
      %dma_start3A_18 = tpu.memref_slice %arg3[%add3A, %dma_start3A_16, %dma_start3A_17] : memref<32x81x128xi32, #tpu.memory_space<hbm>> -> memref<1x81x128xi32, #tpu.memory_space<hbm>>
      %dma_start3A_19 = tpu.memref_squeeze %dma_start3A_18 : memref<1x81x128xi32, #tpu.memory_space<hbm>> -> memref<81x128xi32, #tpu.memory_space<hbm>>
      tpu.enqueue_dma source(%dma_start3A_19 : memref<81x128xi32, #tpu.memory_space<hbm>>) target(%arg7 : memref<81x128xi32, #tpu.memory_space<vmem>>) target_semaphore(%run_scoped3A : memref<!tpu.dma_semaphore, #tpu.memory_space<semaphore_mem>>)
      %dma_wait3A = arith.constant 0 : i32
      %dma_wait3A_20 = arith.constant 0 : i32
      %dma_wait3A_21 = tpu.memref_slice %arg3[%add3A, %dma_wait3A, %dma_wait3A_20] : memref<32x81x128xi32, #tpu.memory_space<hbm>> -> memref<1x81x128xi32, #tpu.memory_space<hbm>>
      %dma_wait3A_22 = tpu.memref_squeeze %dma_wait3A_21 : memref<1x81x128xi32, #tpu.memory_space<hbm>> -> memref<81x128xi32, #tpu.memory_space<hbm>>
      %dma_wait3A_23 = arith.constant 0 : i32
      %dma_wait3A_24 = arith.constant 0 : i32
      %dma_wait3A_25 = tpu.memref_slice %arg3[%add3A, %dma_wait3A_23, %dma_wait3A_24] : memref<32x81x128xi32, #tpu.memory_space<hbm>> -> memref<1x81x128xi32, #tpu.memory_space<hbm>>
      %dma_wait3A_26 = tpu.memref_squeeze %dma_wait3A_25 : memref<1x81x128xi32, #tpu.memory_space<hbm>> -> memref<81x128xi32, #tpu.memory_space<hbm>>
      tpu.wait_dma2 semaphore(%run_scoped3A : memref<!tpu.dma_semaphore, #tpu.memory_space<semaphore_mem>>) src(%dma_wait3A_26 : memref<81x128xi32, #tpu.memory_space<hbm>>) dst(%arg7 : memref<81x128xi32, #tpu.memory_space<vmem>>)
      tpu.yield
    }) : () -> ()
    "tpu.region"() ({
      %run_scoped3A = tpu.sem_alloc : memref<!tpu.dma_semaphore, #tpu.memory_space<semaphore_mem>>
      %dma_start3A = arith.constant 0 : i32
      %dma_start3A_13 = arith.constant 0 : i32
      %dma_start3A_14 = tpu.memref_slice %arg4[%add3A, %dma_start3A, %dma_start3A_13] : memref<32x81x128xi32, #tpu.memory_space<hbm>> -> memref<1x81x128xi32, #tpu.memory_space<hbm>>
      %dma_start3A_15 = tpu.memref_squeeze %dma_start3A_14 : memref<1x81x128xi32, #tpu.memory_space<hbm>> -> memref<81x128xi32, #tpu.memory_space<hbm>>
      %dma_start3A_16 = arith.constant 0 : i32
      %dma_start3A_17 = arith.constant 0 : i32
      %dma_start3A_18 = tpu.memref_slice %arg4[%add3A, %dma_start3A_16, %dma_start3A_17] : memref<32x81x128xi32, #tpu.memory_space<hbm>> -> memref<1x81x128xi32, #tpu.memory_space<hbm>>
      %dma_start3A_19 = tpu.memref_squeeze %dma_start3A_18 : memref<1x81x128xi32, #tpu.memory_space<hbm>> -> memref<81x128xi32, #tpu.memory_space<hbm>>
      tpu.enqueue_dma source(%dma_start3A_19 : memref<81x128xi32, #tpu.memory_space<hbm>>) target(%arg8 : memref<81x128xi32, #tpu.memory_space<vmem>>) target_semaphore(%run_scoped3A : memref<!tpu.dma_semaphore, #tpu.memory_space<semaphore_mem>>)
      %dma_wait3A = arith.constant 0 : i32
      %dma_wait3A_20 = arith.constant 0 : i32
      %dma_wait3A_21 = tpu.memref_slice %arg4[%add3A, %dma_wait3A, %dma_wait3A_20] : memref<32x81x128xi32, #tpu.memory_space<hbm>> -> memref<1x81x128xi32, #tpu.memory_space<hbm>>
      %dma_wait3A_22 = tpu.memref_squeeze %dma_wait3A_21 : memref<1x81x128xi32, #tpu.memory_space<hbm>> -> memref<81x128xi32, #tpu.memory_space<hbm>>
      %dma_wait3A_23 = arith.constant 0 : i32
      %dma_wait3A_24 = arith.constant 0 : i32
      %dma_wait3A_25 = tpu.memref_slice %arg4[%add3A, %dma_wait3A_23, %dma_wait3A_24] : memref<32x81x128xi32, #tpu.memory_space<hbm>> -> memref<1x81x128xi32, #tpu.memory_space<hbm>>
      %dma_wait3A_26 = tpu.memref_squeeze %dma_wait3A_25 : memref<1x81x128xi32, #tpu.memory_space<hbm>> -> memref<81x128xi32, #tpu.memory_space<hbm>>
      tpu.wait_dma2 semaphore(%run_scoped3A : memref<!tpu.dma_semaphore, #tpu.memory_space<semaphore_mem>>) src(%dma_wait3A_26 : memref<81x128xi32, #tpu.memory_space<hbm>>) dst(%arg8 : memref<81x128xi32, #tpu.memory_space<vmem>>)
      tpu.yield
    }) : () -> ()
    %barrier3A = arith.constant 0 : index
    tpu.barrier barrier_id(%barrier3A)
    %scan3A = arith.constant 0 : i32
    %scan3A_3 = arith.constant 0 : i32
    %scan3A_4 = arith.constant 81 : i32
    %scan3A_5 = arith.addi %scan3A_3, %scan3A_4 : i32
    %scan3A_6 = arith.constant 1 : i32
    scf.for %scan3A_13 = %scan3A_3 to %scan3A_5 step %scan3A_6  : i32 {
      %dma_start3A = arith.constant 0 : i32
      %dma_start3A_14 = tpu.memref_slice %arg7[%scan3A_13, %dma_start3A] : memref<81x128xi32, #tpu.memory_space<vmem>> -> memref<1x128xi32, #tpu.memory_space<vmem>>
      %dma_start3A_15 = tpu.memref_squeeze %dma_start3A_14 : memref<1x128xi32, #tpu.memory_space<vmem>> -> memref<128xi32, #tpu.memory_space<vmem>>
      %dma_start3A_16 = arith.constant 0 : i32
      %dma_start3A_17 = arith.constant 0 : i32
      %dma_start3A_18 = tpu.memref_slice %arg2[%dma_start3A_16, %dma_start3A_17] : memref<10000x128xf32, #tpu.memory_space<hbm>> -> memref<10000x128xf32, #tpu.memory_space<hbm>>
      tpu.enqueue_indirect_dma source(%dma_start3A_18 : memref<10000x128xf32, #tpu.memory_space<hbm>>) target(%arg9 : memref<128x128xf32, #tpu.memory_space<vmem>>) offsets(%dma_start3A_15 : memref<128xi32, #tpu.memory_space<vmem>>) semaphore(%arg11 : memref<!tpu.dma_semaphore, #tpu.memory_space<semaphore_mem>>)
      %dma_wait3A = arith.constant 0 : i32
      %dma_wait3A_19 = tpu.memref_slice %arg7[%scan3A_13, %dma_wait3A] : memref<81x128xi32, #tpu.memory_space<vmem>> -> memref<1x128xi32, #tpu.memory_space<vmem>>
      %dma_wait3A_20 = tpu.memref_squeeze %dma_wait3A_19 : memref<1x128xi32, #tpu.memory_space<vmem>> -> memref<128xi32, #tpu.memory_space<vmem>>
      %dma_wait3A_21 = arith.constant 0 : i32
      %dma_wait3A_22 = arith.constant 0 : i32
      %dma_wait3A_23 = tpu.memref_slice %arg2[%dma_wait3A_21, %dma_wait3A_22] : memref<10000x128xf32, #tpu.memory_space<hbm>> -> memref<10000x128xf32, #tpu.memory_space<hbm>>
      tpu.wait_indirect_dma semaphore(%arg11 : memref<!tpu.dma_semaphore, #tpu.memory_space<semaphore_mem>>) src(%dma_wait3A_23 : memref<10000x128xf32, #tpu.memory_space<hbm>>) dst(%arg9 : memref<128x128xf32, #tpu.memory_space<vmem>>)
      "tpu.region"() ({
        %run_scoped3A = tpu.sem_alloc : memref<!tpu.dma_semaphore, #tpu.memory_space<semaphore_mem>>
        %dma_start3A_24 = arith.constant 0 : i32
        %dma_start3A_25 = tpu.memref_slice %arg8[%scan3A_13, %dma_start3A_24] : memref<81x128xi32, #tpu.memory_space<vmem>> -> memref<1x128xi32, #tpu.memory_space<vmem>>
        %dma_start3A_26 = tpu.memref_squeeze %dma_start3A_25 : memref<1x128xi32, #tpu.memory_space<vmem>> -> memref<128xi32, #tpu.memory_space<vmem>>
        %dma_start3A_27 = arith.constant 0 : i32
        %dma_start3A_28 = arith.constant 0 : i32
        %dma_start3A_29 = tpu.memref_slice %arg10[%dma_start3A_27, %dma_start3A_28] : memref<10240x128xf32, #tpu.memory_space<vmem_shared>> -> memref<10240x128xf32, #tpu.memory_space<vmem_shared>>
        tpu.enqueue_indirect_dma source(%arg9 : memref<128x128xf32, #tpu.memory_space<vmem>>) target(%dma_start3A_29 : memref<10240x128xf32, #tpu.memory_space<vmem_shared>>) offsets(%dma_start3A_26 : memref<128xi32, #tpu.memory_space<vmem>>) semaphore(%run_scoped3A : memref<!tpu.dma_semaphore, #tpu.memory_space<semaphore_mem>>) {add = true}
        %dma_wait3A_30 = arith.constant 0 : i32
        %dma_wait3A_31 = tpu.memref_slice %arg8[%scan3A_13, %dma_wait3A_30] : memref<81x128xi32, #tpu.memory_space<vmem>> -> memref<1x128xi32, #tpu.memory_space<vmem>>
        %dma_wait3A_32 = tpu.memref_squeeze %dma_wait3A_31 : memref<1x128xi32, #tpu.memory_space<vmem>> -> memref<128xi32, #tpu.memory_space<vmem>>
        %dma_wait3A_33 = arith.constant 0 : i32
        %dma_wait3A_34 = arith.constant 0 : i32
        %dma_wait3A_35 = tpu.memref_slice %arg10[%dma_wait3A_33, %dma_wait3A_34] : memref<10240x128xf32, #tpu.memory_space<vmem_shared>> -> memref<10240x128xf32, #tpu.memory_space<vmem_shared>>
        tpu.wait_indirect_dma semaphore(%run_scoped3A : memref<!tpu.dma_semaphore, #tpu.memory_space<semaphore_mem>>) src(%arg9 : memref<128x128xf32, #tpu.memory_space<vmem>>) dst(%dma_wait3A_35 : memref<10240x128xf32, #tpu.memory_space<vmem_shared>>)
        tpu.yield
      }) : () -> ()
    }
    %scan3A_7 = arith.constant 81 : i32
    %barrier3A_8 = arith.constant 0 : index
    tpu.barrier barrier_id(%barrier3A_8)
    %mul3A_9 = arith.constant 640 : i32
    %mul3A_10 = arith.muli %arg1, %mul3A_9 : i32
    %mul3A_11 = arith.constant 640 : i32
    %mul3A_12 = arith.muli %arg1, %mul3A_11 : i32
    "tpu.region"() ({
      %run_scoped3A = tpu.sem_alloc : memref<!tpu.dma_semaphore, #tpu.memory_space<semaphore_mem>>
      %dma_start3A = arith.constant 0 : i32
      %dma_start3A_13 = tpu.memref_slice %arg6[%arg0, %mul3A_12, %dma_start3A] : memref<2x10240x128xf32, #tpu.memory_space<hbm>> -> memref<1x640x128xf32, #tpu.memory_space<hbm>>
      %dma_start3A_14 = tpu.memref_squeeze %dma_start3A_13 : memref<1x640x128xf32, #tpu.memory_space<hbm>> -> memref<640x128xf32, #tpu.memory_space<hbm>>
      %dma_start3A_15 = arith.constant 0 : i32
      %dma_start3A_16 = tpu.memref_slice %arg10[%mul3A_10, %dma_start3A_15] : memref<10240x128xf32, #tpu.memory_space<vmem_shared>> -> memref<640x128xf32, #tpu.memory_space<vmem_shared>>
      tpu.enqueue_dma source(%dma_start3A_16 : memref<640x128xf32, #tpu.memory_space<vmem_shared>>) target(%dma_start3A_14 : memref<640x128xf32, #tpu.memory_space<hbm>>) target_semaphore(%run_scoped3A : memref<!tpu.dma_semaphore, #tpu.memory_space<semaphore_mem>>)
      %dma_wait3A = arith.constant 0 : i32
      %dma_wait3A_17 = tpu.memref_slice %arg6[%arg0, %mul3A_12, %dma_wait3A] : memref<2x10240x128xf32, #tpu.memory_space<hbm>> -> memref<1x640x128xf32, #tpu.memory_space<hbm>>
      %dma_wait3A_18 = tpu.memref_squeeze %dma_wait3A_17 : memref<1x640x128xf32, #tpu.memory_space<hbm>> -> memref<640x128xf32, #tpu.memory_space<hbm>>
      %dma_wait3A_19 = arith.constant 0 : i32
      %dma_wait3A_20 = tpu.memref_slice %arg10[%mul3A_10, %dma_wait3A_19] : memref<10240x128xf32, #tpu.memory_space<vmem_shared>> -> memref<640x128xf32, #tpu.memory_space<vmem_shared>>
      tpu.wait_dma2 semaphore(%run_scoped3A : memref<!tpu.dma_semaphore, #tpu.memory_space<semaphore_mem>>) src(%dma_wait3A_20 : memref<640x128xf32, #tpu.memory_space<vmem_shared>>) dst(%dma_wait3A_18 : memref<640x128xf32, #tpu.memory_space<hbm>>)
      tpu.yield
    }) : () -> ()
    return
  }
}

#map = affine_map<(d0, d1) -> (0, 0)>
#map1 = affine_map<(d0, d1) -> (0, 0, 0)>
module attributes {stable_mosaic.version = 14 : i64} {
  func.func @_sc_spmm(%arg0: i32, %arg1: i32, %arg2: memref<10000x128xf32, #tpu.memory_space<hbm>>, %arg3: memref<32x81x128xi32, #tpu.memory_space<hbm>>, %arg4: memref<32x81x128xi32, #tpu.memory_space<hbm>>, %arg5: memref<640x128xf32, #tpu.memory_space<hbm>>, %arg6: memref<2x10240x128xf32, #tpu.memory_space<hbm>>, %arg7: memref<81x128xi32, #tpu.memory_space<vmem>>, %arg8: memref<81x128xi32, #tpu.memory_space<vmem>>, %arg9: memref<128x128xf32, #tpu.memory_space<vmem>>, %arg10: memref<10240x128xf32, #tpu.memory_space<vmem_shared>>, %arg11: memref<!tpu.dma_semaphore, #tpu.memory_space<semaphore_mem>>) attributes {dimension_semantics = [#tpu.dimension_semantics<core_parallel>, #tpu.dimension_semantics<subcore_parallel>], iteration_bounds = array<i64: 2, 16>, scalar_prefetch = 0 : i64, scratch_operands = 5 : i64, tpu.core_type = #tpu.core_type<sc_vector_subcore>, window_params = [{transform_indices = #map}, {transform_indices = #map1}, {transform_indices = #map1}, {transform_indices = #map}, {transform_indices = #map1}]} {
    %mul3A = arith.constant 16 : i32
    %mul3A_0 = arith.muli %arg0, %mul3A : i32
    %add3A = arith.addi %mul3A_0, %arg1 : i32
    %mul3A_1 = arith.constant 640 : i32
    %mul3A_2 = arith.muli %arg1, %mul3A_1 : i32
    "tpu.region"() ({
      %run_scoped3A = tpu.sem_alloc : memref<!tpu.dma_semaphore, #tpu.memory_space<semaphore_mem>>
      %dma_start3A = arith.constant 0 : i32
      %dma_start3A_13 = tpu.memref_slice %arg10[%mul3A_2, %dma_start3A] : memref<10240x128xf32, #tpu.memory_space<vmem_shared>> -> memref<640x128xf32, #tpu.memory_space<vmem_shared>>
      tpu.enqueue_dma source(%arg5 : memref<640x128xf32, #tpu.memory_space<hbm>>) target(%dma_start3A_13 : memref<640x128xf32, #tpu.memory_space<vmem_shared>>) target_semaphore(%run_scoped3A : memref<!tpu.dma_semaphore, #tpu.memory_space<semaphore_mem>>)
      %dma_wait3A = arith.constant 0 : i32
      %dma_wait3A_14 = tpu.memref_slice %arg10[%mul3A_2, %dma_wait3A] : memref<10240x128xf32, #tpu.memory_space<vmem_shared>> -> memref<640x128xf32, #tpu.memory_space<vmem_shared>>
      tpu.wait_dma2 semaphore(%run_scoped3A : memref<!tpu.dma_semaphore, #tpu.memory_space<semaphore_mem>>) src(%arg5 : memref<640x128xf32, #tpu.memory_space<hbm>>) dst(%dma_wait3A_14 : memref<640x128xf32, #tpu.memory_space<vmem_shared>>)
      tpu.yield
    }) : () -> ()
    "tpu.region"() ({
      %run_scoped3A = tpu.sem_alloc : memref<!tpu.dma_semaphore, #tpu.memory_space<semaphore_mem>>
      %dma_start3A = arith.constant 0 : i32
      %dma_start3A_13 = arith.constant 0 : i32
      %dma_start3A_14 = tpu.memref_slice %arg3[%add3A, %dma_start3A, %dma_start3A_13] : memref<32x81x128xi32, #tpu.memory_space<hbm>> -> memref<1x81x128xi32, #tpu.memory_space<hbm>>
      %dma_start3A_15 = tpu.memref_squeeze %dma_start3A_14 : memref<1x81x128xi32, #tpu.memory_space<hbm>> -> memref<81x128xi32, #tpu.memory_space<hbm>>
      %dma_start3A_16 = arith.constant 0 : i32
      %dma_start3A_17 = arith.constant 0 : i32
      %dma_start3A_18 = tpu.memref_slice %arg3[%add3A, %dma_start3A_16, %dma_start3A_17] : memref<32x81x128xi32, #tpu.memory_space<hbm>> -> memref<1x81x128xi32, #tpu.memory_space<hbm>>
      %dma_start3A_19 = tpu.memref_squeeze %dma_start3A_18 : memref<1x81x128xi32, #tpu.memory_space<hbm>> -> memref<81x128xi32, #tpu.memory_space<hbm>>
      tpu.enqueue_dma source(%dma_start3A_19 : memref<81x128xi32, #tpu.memory_space<hbm>>) target(%arg7 : memref<81x128xi32, #tpu.memory_space<vmem>>) target_semaphore(%run_scoped3A : memref<!tpu.dma_semaphore, #tpu.memory_space<semaphore_mem>>)
      %dma_wait3A = arith.constant 0 : i32
      %dma_wait3A_20 = arith.constant 0 : i32
      %dma_wait3A_21 = tpu.memref_slice %arg3[%add3A, %dma_wait3A, %dma_wait3A_20] : memref<32x81x128xi32, #tpu.memory_space<hbm>> -> memref<1x81x128xi32, #tpu.memory_space<hbm>>
      %dma_wait3A_22 = tpu.memref_squeeze %dma_wait3A_21 : memref<1x81x128xi32, #tpu.memory_space<hbm>> -> memref<81x128xi32, #tpu.memory_space<hbm>>
      %dma_wait3A_23 = arith.constant 0 : i32
      %dma_wait3A_24 = arith.constant 0 : i32
      %dma_wait3A_25 = tpu.memref_slice %arg3[%add3A, %dma_wait3A_23, %dma_wait3A_24] : memref<32x81x128xi32, #tpu.memory_space<hbm>> -> memref<1x81x128xi32, #tpu.memory_space<hbm>>
      %dma_wait3A_26 = tpu.memref_squeeze %dma_wait3A_25 : memref<1x81x128xi32, #tpu.memory_space<hbm>> -> memref<81x128xi32, #tpu.memory_space<hbm>>
      tpu.wait_dma2 semaphore(%run_scoped3A : memref<!tpu.dma_semaphore, #tpu.memory_space<semaphore_mem>>) src(%dma_wait3A_26 : memref<81x128xi32, #tpu.memory_space<hbm>>) dst(%arg7 : memref<81x128xi32, #tpu.memory_space<vmem>>)
      tpu.yield
    }) : () -> ()
    "tpu.region"() ({
      %run_scoped3A = tpu.sem_alloc : memref<!tpu.dma_semaphore, #tpu.memory_space<semaphore_mem>>
      %dma_start3A = arith.constant 0 : i32
      %dma_start3A_13 = arith.constant 0 : i32
      %dma_start3A_14 = tpu.memref_slice %arg4[%add3A, %dma_start3A, %dma_start3A_13] : memref<32x81x128xi32, #tpu.memory_space<hbm>> -> memref<1x81x128xi32, #tpu.memory_space<hbm>>
      %dma_start3A_15 = tpu.memref_squeeze %dma_start3A_14 : memref<1x81x128xi32, #tpu.memory_space<hbm>> -> memref<81x128xi32, #tpu.memory_space<hbm>>
      %dma_start3A_16 = arith.constant 0 : i32
      %dma_start3A_17 = arith.constant 0 : i32
      %dma_start3A_18 = tpu.memref_slice %arg4[%add3A, %dma_start3A_16, %dma_start3A_17] : memref<32x81x128xi32, #tpu.memory_space<hbm>> -> memref<1x81x128xi32, #tpu.memory_space<hbm>>
      %dma_start3A_19 = tpu.memref_squeeze %dma_start3A_18 : memref<1x81x128xi32, #tpu.memory_space<hbm>> -> memref<81x128xi32, #tpu.memory_space<hbm>>
      tpu.enqueue_dma source(%dma_start3A_19 : memref<81x128xi32, #tpu.memory_space<hbm>>) target(%arg8 : memref<81x128xi32, #tpu.memory_space<vmem>>) target_semaphore(%run_scoped3A : memref<!tpu.dma_semaphore, #tpu.memory_space<semaphore_mem>>)
      %dma_wait3A = arith.constant 0 : i32
      %dma_wait3A_20 = arith.constant 0 : i32
      %dma_wait3A_21 = tpu.memref_slice %arg4[%add3A, %dma_wait3A, %dma_wait3A_20] : memref<32x81x128xi32, #tpu.memory_space<hbm>> -> memref<1x81x128xi32, #tpu.memory_space<hbm>>
      %dma_wait3A_22 = tpu.memref_squeeze %dma_wait3A_21 : memref<1x81x128xi32, #tpu.memory_space<hbm>> -> memref<81x128xi32, #tpu.memory_space<hbm>>
      %dma_wait3A_23 = arith.constant 0 : i32
      %dma_wait3A_24 = arith.constant 0 : i32
      %dma_wait3A_25 = tpu.memref_slice %arg4[%add3A, %dma_wait3A_23, %dma_wait3A_24] : memref<32x81x128xi32, #tpu.memory_space<hbm>> -> memref<1x81x128xi32, #tpu.memory_space<hbm>>
      %dma_wait3A_26 = tpu.memref_squeeze %dma_wait3A_25 : memref<1x81x128xi32, #tpu.memory_space<hbm>> -> memref<81x128xi32, #tpu.memory_space<hbm>>
      tpu.wait_dma2 semaphore(%run_scoped3A : memref<!tpu.dma_semaphore, #tpu.memory_space<semaphore_mem>>) src(%dma_wait3A_26 : memref<81x128xi32, #tpu.memory_space<hbm>>) dst(%arg8 : memref<81x128xi32, #tpu.memory_space<vmem>>)
      tpu.yield
    }) : () -> ()
    %barrier3A = arith.constant 0 : index
    tpu.barrier barrier_id(%barrier3A)
    %scan3A = arith.constant 0 : i32
    %scan3A_3 = arith.constant 0 : i32
    %scan3A_4 = arith.constant 81 : i32
    %scan3A_5 = arith.addi %scan3A_3, %scan3A_4 : i32
    %scan3A_6 = arith.constant 1 : i32
    scf.for %scan3A_13 = %scan3A_3 to %scan3A_5 step %scan3A_6  : i32 {
      %dma_start3A = arith.constant 0 : i32
      %dma_start3A_14 = tpu.memref_slice %arg7[%scan3A_13, %dma_start3A] : memref<81x128xi32, #tpu.memory_space<vmem>> -> memref<1x128xi32, #tpu.memory_space<vmem>>
      %dma_start3A_15 = tpu.memref_squeeze %dma_start3A_14 : memref<1x128xi32, #tpu.memory_space<vmem>> -> memref<128xi32, #tpu.memory_space<vmem>>
      %dma_start3A_16 = arith.constant 0 : i32
      %dma_start3A_17 = arith.constant 0 : i32
      %dma_start3A_18 = tpu.memref_slice %arg2[%dma_start3A_16, %dma_start3A_17] : memref<10000x128xf32, #tpu.memory_space<hbm>> -> memref<10000x128xf32, #tpu.memory_space<hbm>>
      tpu.enqueue_indirect_dma source(%dma_start3A_18 : memref<10000x128xf32, #tpu.memory_space<hbm>>) target(%arg9 : memref<128x128xf32, #tpu.memory_space<vmem>>) offsets(%dma_start3A_15 : memref<128xi32, #tpu.memory_space<vmem>>) semaphore(%arg11 : memref<!tpu.dma_semaphore, #tpu.memory_space<semaphore_mem>>)
      %dma_wait3A = arith.constant 0 : i32
      %dma_wait3A_19 = tpu.memref_slice %arg7[%scan3A_13, %dma_wait3A] : memref<81x128xi32, #tpu.memory_space<vmem>> -> memref<1x128xi32, #tpu.memory_space<vmem>>
      %dma_wait3A_20 = tpu.memref_squeeze %dma_wait3A_19 : memref<1x128xi32, #tpu.memory_space<vmem>> -> memref<128xi32, #tpu.memory_space<vmem>>
      %dma_wait3A_21 = arith.constant 0 : i32
      %dma_wait3A_22 = arith.constant 0 : i32
      %dma_wait3A_23 = tpu.memref_slice %arg2[%dma_wait3A_21, %dma_wait3A_22] : memref<10000x128xf32, #tpu.memory_space<hbm>> -> memref<10000x128xf32, #tpu.memory_space<hbm>>
      tpu.wait_indirect_dma semaphore(%arg11 : memref<!tpu.dma_semaphore, #tpu.memory_space<semaphore_mem>>) src(%dma_wait3A_23 : memref<10000x128xf32, #tpu.memory_space<hbm>>) dst(%arg9 : memref<128x128xf32, #tpu.memory_space<vmem>>)
      "tpu.region"() ({
        %run_scoped3A = tpu.sem_alloc : memref<!tpu.dma_semaphore, #tpu.memory_space<semaphore_mem>>
        %dma_start3A_24 = arith.constant 0 : i32
        %dma_start3A_25 = tpu.memref_slice %arg8[%scan3A_13, %dma_start3A_24] : memref<81x128xi32, #tpu.memory_space<vmem>> -> memref<1x128xi32, #tpu.memory_space<vmem>>
        %dma_start3A_26 = tpu.memref_squeeze %dma_start3A_25 : memref<1x128xi32, #tpu.memory_space<vmem>> -> memref<128xi32, #tpu.memory_space<vmem>>
        %dma_start3A_27 = arith.constant 0 : i32
        %dma_start3A_28 = arith.constant 0 : i32
        %dma_start3A_29 = tpu.memref_slice %arg10[%dma_start3A_27, %dma_start3A_28] : memref<10240x128xf32, #tpu.memory_space<vmem_shared>> -> memref<10240x128xf32, #tpu.memory_space<vmem_shared>>
        tpu.enqueue_indirect_dma source(%arg9 : memref<128x128xf32, #tpu.memory_space<vmem>>) target(%dma_start3A_29 : memref<10240x128xf32, #tpu.memory_space<vmem_shared>>) offsets(%dma_start3A_26 : memref<128xi32, #tpu.memory_space<vmem>>) semaphore(%run_scoped3A : memref<!tpu.dma_semaphore, #tpu.memory_space<semaphore_mem>>) {add = true}
        %dma_wait3A_30 = arith.constant 0 : i32
        %dma_wait3A_31 = tpu.memref_slice %arg8[%scan3A_13, %dma_wait3A_30] : memref<81x128xi32, #tpu.memory_space<vmem>> -> memref<1x128xi32, #tpu.memory_space<vmem>>
        %dma_wait3A_32 = tpu.memref_squeeze %dma_wait3A_31 : memref<1x128xi32, #tpu.memory_space<vmem>> -> memref<128xi32, #tpu.memory_space<vmem>>
        %dma_wait3A_33 = arith.constant 0 : i32
        %dma_wait3A_34 = arith.constant 0 : i32
        %dma_wait3A_35 = tpu.memref_slice %arg10[%dma_wait3A_33, %dma_wait3A_34] : memref<10240x128xf32, #tpu.memory_space<vmem_shared>> -> memref<10240x128xf32, #tpu.memory_space<vmem_shared>>
        tpu.wait_indirect_dma semaphore(%run_scoped3A : memref<!tpu.dma_semaphore, #tpu.memory_space<semaphore_mem>>) src(%arg9 : memref<128x128xf32, #tpu.memory_space<vmem>>) dst(%dma_wait3A_35 : memref<10240x128xf32, #tpu.memory_space<vmem_shared>>)
        tpu.yield
      }) : () -> ()
    }
    %scan3A_7 = arith.constant 81 : i32
    %barrier3A_8 = arith.constant 0 : index
    tpu.barrier barrier_id(%barrier3A_8)
    %mul3A_9 = arith.constant 640 : i32
    %mul3A_10 = arith.muli %arg1, %mul3A_9 : i32
    %mul3A_11 = arith.constant 640 : i32
    %mul3A_12 = arith.muli %arg1, %mul3A_11 : i32
    "tpu.region"() ({
      %run_scoped3A = tpu.sem_alloc : memref<!tpu.dma_semaphore, #tpu.memory_space<semaphore_mem>>
      %dma_start3A = arith.constant 0 : i32
      %dma_start3A_13 = tpu.memref_slice %arg6[%arg0, %mul3A_12, %dma_start3A] : memref<2x10240x128xf32, #tpu.memory_space<hbm>> -> memref<1x640x128xf32, #tpu.memory_space<hbm>>
      %dma_start3A_14 = tpu.memref_squeeze %dma_start3A_13 : memref<1x640x128xf32, #tpu.memory_space<hbm>> -> memref<640x128xf32, #tpu.memory_space<hbm>>
      %dma_start3A_15 = arith.constant 0 : i32
      %dma_start3A_16 = tpu.memref_slice %arg10[%mul3A_10, %dma_start3A_15] : memref<10240x128xf32, #tpu.memory_space<vmem_shared>> -> memref<640x128xf32, #tpu.memory_space<vmem_shared>>
      tpu.enqueue_dma source(%dma_start3A_16 : memref<640x128xf32, #tpu.memory_space<vmem_shared>>) target(%dma_start3A_14 : memref<640x128xf32, #tpu.memory_space<hbm>>) target_semaphore(%run_scoped3A : memref<!tpu.dma_semaphore, #tpu.memory_space<semaphore_mem>>)
      %dma_wait3A = arith.constant 0 : i32
      %dma_wait3A_17 = tpu.memref_slice %arg6[%arg0, %mul3A_12, %dma_wait3A] : memref<2x10240x128xf32, #tpu.memory_space<hbm>> -> memref<1x640x128xf32, #tpu.memory_space<hbm>>
      %dma_wait3A_18 = tpu.memref_squeeze %dma_wait3A_17 : memref<1x640x128xf32, #tpu.memory_space<hbm>> -> memref<640x128xf32, #tpu.memory_space<hbm>>
      %dma_wait3A_19 = arith.constant 0 : i32
      %dma_wait3A_20 = tpu.memref_slice %arg10[%mul3A_10, %dma_wait3A_19] : memref<10240x128xf32, #tpu.memory_space<vmem_shared>> -> memref<640x128xf32, #tpu.memory_space<vmem_shared>>
      tpu.wait_dma2 semaphore(%run_scoped3A : memref<!tpu.dma_semaphore, #tpu.memory_space<semaphore_mem>>) src(%dma_wait3A_20 : memref<640x128xf32, #tpu.memory_space<vmem_shared>>) dst(%dma_wait3A_18 : memref<640x128xf32, #tpu.memory_space<hbm>>)
      tpu.yield
    }) : () -> ()
    return
  }
}

module attributes {stable_mosaic.version = 14 : i64} {
  func.func @_tc_mid_body(%arg0: i32, %arg1: memref<2x1000x128xf32, #tpu.memory_space<vmem>>, %arg2: memref<2x1000x128xf32, #tpu.memory_space<vmem>>, %arg3: memref<1x128xf32, #tpu.memory_space<vmem>>, %arg4: memref<128x128xf32, #tpu.memory_space<vmem>>, %arg5: memref<1000x128xf32, #tpu.memory_space<vmem>>) attributes {dimension_semantics = [#tpu.dimension_semantics<arbitrary>], iteration_bounds = array<i64: 10>, scalar_prefetch = 0 : i64, scratch_operands = 0 : i64, tpu.core_type = #tpu.core_type<tc>, window_params = [{transform_indices = @transform_0, window_bounds = array<i64: 2, 1000, 128>}, {transform_indices = @transform_1, window_bounds = array<i64: 2, 1000, 128>}, {pipeline_mode = #tpu.pipeline_mode<synchronous>, transform_indices = @transform_2, window_bounds = array<i64: 1, 128>}, {pipeline_mode = #tpu.pipeline_mode<synchronous>, transform_indices = @transform_3, window_bounds = array<i64: 128, 128>}, {transform_indices = @transform_4, window_bounds = array<i64: 1000, 128>}]} {
    %get3A = arith.constant 0 : index
    %get3A_0 = arith.constant 0 : index
    %get3A_1 = arith.constant 0 : index
    %get3A_2 = vector.load %arg1[%get3A, %get3A_0, %get3A_1] : memref<2x1000x128xf32, #tpu.memory_space<vmem>>, vector<1x1000x128xf32>
    %get3A_3 = vector.shape_cast %get3A_2 : vector<1x1000x128xf32> to vector<1000x128xf32>
    %get3A_4 = arith.constant 1 : index
    %get3A_5 = arith.constant 0 : index
    %get3A_6 = arith.constant 0 : index
    %get3A_7 = vector.load %arg1[%get3A_4, %get3A_5, %get3A_6] : memref<2x1000x128xf32, #tpu.memory_space<vmem>>, vector<1x1000x128xf32>
    %get3A_8 = vector.shape_cast %get3A_7 : vector<1x1000x128xf32> to vector<1000x128xf32>
    %add3A = arith.addf %get3A_3, %get3A_8 : vector<1000x128xf32>
    %get3A_9 = arith.constant 0 : index
    %get3A_10 = arith.constant 0 : index
    %get3A_11 = arith.constant 0 : index
    %get3A_12 = vector.load %arg2[%get3A_9, %get3A_10, %get3A_11] : memref<2x1000x128xf32, #tpu.memory_space<vmem>>, vector<2x1000x128xf32>
    %slice3A = vector.extract_strided_slice %get3A_12 {offsets = [0, 0, 0], sizes = [1, 1000, 128], strides = [1, 1, 1]} : vector<2x1000x128xf32> to vector<1x1000x128xf32>
    %squeeze3A = vector.shape_cast %slice3A : vector<1x1000x128xf32> to vector<1000x128xf32>
    %slice3A_13 = vector.extract_strided_slice %squeeze3A {offsets = [0, 0], sizes = [1000, 1], strides = [1, 1]} : vector<1000x128xf32> to vector<1000x1xf32>
    %slice3A_14 = vector.extract_strided_slice %get3A_12 {offsets = [1, 0, 0], sizes = [1, 1000, 128], strides = [1, 1, 1]} : vector<2x1000x128xf32> to vector<1x1000x128xf32>
    %squeeze3A_15 = vector.shape_cast %slice3A_14 : vector<1x1000x128xf32> to vector<1000x128xf32>
    %slice3A_16 = vector.extract_strided_slice %squeeze3A_15 {offsets = [0, 0], sizes = [1000, 1], strides = [1, 1]} : vector<1000x128xf32> to vector<1000x1xf32>
    %add3A_17 = arith.addf %slice3A_13, %slice3A_16 : vector<1000x1xf32>
    %gt3A = arith.constant 0.000000e+00 : f32
    %gt3A_18 = vector.broadcast %gt3A : f32 to vector<1000x1xf32>
    %gt3A_19 = arith.cmpf ogt, %add3A_17, %gt3A_18 : vector<1000x1xf32>
    %rsqrt3A = math.rsqrt %add3A_17 : vector<1000x1xf32>
    %jit3A = arith.constant 0.000000e+00 : f32
    %broadcast_in_dim3A = vector.broadcast %jit3A : f32 to vector<1000x1xf32>
    %select_n3A = arith.select %gt3A_19, %rsqrt3A, %broadcast_in_dim3A : vector<1000x1xi1>, vector<1000x1xf32>
    %mul3A = vector.broadcast %select_n3A : vector<1000x1xf32> to vector<1000x128xf32>
    %mul3A_20 = arith.mulf %add3A, %mul3A : vector<1000x128xf32>
    %get3A_21 = arith.constant 0 : index
    %get3A_22 = arith.constant 0 : index
    %get3A_23 = vector.load %arg3[%get3A_21, %get3A_22] : memref<1x128xf32, #tpu.memory_space<vmem>>, vector<1x128xf32>
    %add3A_24 = vector.broadcast %get3A_23 : vector<1x128xf32> to vector<1000x128xf32>
    %add3A_25 = arith.addf %mul3A_20, %add3A_24 : vector<1000x128xf32>
    %max3A = arith.constant 0.000000e+00 : f32
    %max3A_26 = vector.broadcast %max3A : f32 to vector<1000x128xf32>
    %max3A_27 = arith.maximumf %add3A_25, %max3A_26 : vector<1000x128xf32>
    %get3A_28 = arith.constant 0 : index
    %get3A_29 = arith.constant 0 : index
    %get3A_30 = vector.load %arg4[%get3A_28, %get3A_29] : memref<128x128xf32, #tpu.memory_space<vmem>>, vector<128x128xf32>
    %dot_general3A = arith.constant dense<0.000000e+00> : vector<1000x128xf32>
    %dot_general3A_31 = tpu.matmul %max3A_27, %get3A_30, %dot_general3A {dimension_numbers = #tpu.dot_dimension_numbers<[1], [0], [0], [1], [0, 0, 1, 1], [], []>, transpose_lhs_hint = false} : vector<1000x128xf32>, vector<128x128xf32>, vector<1000x128xf32> -> vector<1000x128xf32>
    %mul3A_32 = vector.broadcast %select_n3A : vector<1000x1xf32> to vector<1000x128xf32>
    %mul3A_33 = arith.mulf %dot_general3A_31, %mul3A_32 : vector<1000x128xf32>
    %swap3A = arith.constant 0 : index
    %swap3A_34 = arith.constant 0 : index
    %swap3A_35 = vector.load %arg5[%swap3A, %swap3A_34] : memref<1000x128xf32, #tpu.memory_space<vmem>>, vector<1000x128xf32>
    tpu.vector_store %arg5[%swap3A, %swap3A_34], %mul3A_33 {strides = array<i32>} : memref<1000x128xf32, #tpu.memory_space<vmem>>, vector<1000x128xf32>,
    return
  }
  func.func @transform_0(%arg0: i32) -> (i32, i32, i32) {
    %c0_i32 = arith.constant 0 : i32
    %c0_i32_0 = arith.constant 0 : i32
    %c0_i32_1 = arith.constant 0 : i32
    return %c0_i32, %arg0, %c0_i32_0 : i32, i32, i32
  }
  func.func @transform_1(%arg0: i32) -> (i32, i32, i32) {
    %c0_i32 = arith.constant 0 : i32
    %c0_i32_0 = arith.constant 0 : i32
    %c0_i32_1 = arith.constant 0 : i32
    return %c0_i32, %arg0, %c0_i32_0 : i32, i32, i32
  }
  func.func @transform_2(%arg0: i32) -> (i32, i32) {
    %c0_i32 = arith.constant 0 : i32
    %c0_i32_0 = arith.constant 0 : i32
    %c0_i32_1 = arith.constant 0 : i32
    return %c0_i32, %c0_i32_0 : i32, i32
  }
  func.func @transform_3(%arg0: i32) -> (i32, i32) {
    %c0_i32 = arith.constant 0 : i32
    %c0_i32_0 = arith.constant 0 : i32
    %c0_i32_1 = arith.constant 0 : i32
    return %c0_i32, %c0_i32_0 : i32, i32
  }
  func.func @transform_4(%arg0: i32) -> (i32, i32) {
    %c0_i32 = arith.constant 0 : i32
    %c0_i32_0 = arith.constant 0 : i32
    return %arg0, %c0_i32 : i32, i32
  }
}

module attributes {stable_mosaic.version = 14 : i64} {
  func.func @_tc_init_body(%arg0: i32, %arg1: memref<1000x128xf32, #tpu.memory_space<vmem>>, %arg2: memref<2x1000x128xf32, #tpu.memory_space<vmem>>, %arg3: memref<1x128xf32, #tpu.memory_space<vmem>>, %arg4: memref<128x128xf32, #tpu.memory_space<vmem>>, %arg5: memref<1x128xf32, #tpu.memory_space<vmem>>, %arg6: memref<128x384xf32, #tpu.memory_space<vmem>>, %arg7: memref<128x384xf32, #tpu.memory_space<vmem>>, %arg8: memref<1x384xf32, #tpu.memory_space<vmem>>, %arg9: memref<1x384xf32, #tpu.memory_space<vmem>>, %arg10: memref<128x128xf32, #tpu.memory_space<vmem>>, %arg11: memref<1000x128xf32, #tpu.memory_space<vmem>>, %arg12: memref<1000x128xf32, #tpu.memory_space<vmem>>) attributes {dimension_semantics = [#tpu.dimension_semantics<arbitrary>], iteration_bounds = array<i64: 10>, scalar_prefetch = 0 : i64, scratch_operands = 0 : i64, tpu.core_type = #tpu.core_type<tc>, window_params = [{transform_indices = @transform_0, window_bounds = array<i64: 1000, 128>}, {transform_indices = @transform_1, window_bounds = array<i64: 2, 1000, 128>}, {pipeline_mode = #tpu.pipeline_mode<synchronous>, transform_indices = @transform_2, window_bounds = array<i64: 1, 128>}, {pipeline_mode = #tpu.pipeline_mode<synchronous>, transform_indices = @transform_3, window_bounds = array<i64: 128, 128>}, {pipeline_mode = #tpu.pipeline_mode<synchronous>, transform_indices = @transform_4, window_bounds = array<i64: 1, 128>}, {pipeline_mode = #tpu.pipeline_mode<synchronous>, transform_indices = @transform_5, window_bounds = array<i64: 128, 384>}, {pipeline_mode = #tpu.pipeline_mode<synchronous>, transform_indices = @transform_6, window_bounds = array<i64: 128, 384>}, {pipeline_mode = #tpu.pipeline_mode<synchronous>, transform_indices = @transform_7, window_bounds = array<i64: 1, 384>}, {pipeline_mode = #tpu.pipeline_mode<synchronous>, transform_indices = @transform_8, window_bounds = array<i64: 1, 384>}, {pipeline_mode = #tpu.pipeline_mode<synchronous>, transform_indices = @transform_9, window_bounds = array<i64: 128, 128>}, {transform_indices = @transform_10, window_bounds = array<i64: 1000, 128>}, {transform_indices = @transform_11, window_bounds = array<i64: 1000, 128>}]} {
    %get3A = arith.constant 0 : index
    %get3A_0 = arith.constant 0 : index
    %get3A_1 = vector.load %arg1[%get3A, %get3A_0] : memref<1000x128xf32, #tpu.memory_space<vmem>>, vector<1000x128xf32>
    %get3A_2 = arith.constant 0 : index
    %get3A_3 = arith.constant 0 : index
    %get3A_4 = vector.load %arg4[%get3A_2, %get3A_3] : memref<128x128xf32, #tpu.memory_space<vmem>>, vector<128x128xf32>
    %dot_general3A = arith.constant dense<0.000000e+00> : vector<1000x128xf32>
    %dot_general3A_5 = tpu.matmul %get3A_1, %get3A_4, %dot_general3A {dimension_numbers = #tpu.dot_dimension_numbers<[1], [0], [0], [1], [0, 0, 1, 1], [], []>, transpose_lhs_hint = false} : vector<1000x128xf32>, vector<128x128xf32>, vector<1000x128xf32> -> vector<1000x128xf32>
    %get3A_6 = arith.constant 0 : index
    %get3A_7 = arith.constant 0 : index
    %get3A_8 = vector.load %arg5[%get3A_6, %get3A_7] : memref<1x128xf32, #tpu.memory_space<vmem>>, vector<1x128xf32>
    %add3A = vector.broadcast %get3A_8 : vector<1x128xf32> to vector<1000x128xf32>
    %add3A_9 = arith.addf %dot_general3A_5, %add3A : vector<1000x128xf32>
    %get3A_10 = arith.constant 0 : index
    %get3A_11 = arith.constant 0 : index
    %get3A_12 = vector.load %arg6[%get3A_10, %get3A_11] : memref<128x384xf32, #tpu.memory_space<vmem>>, vector<128x384xf32>
    %dot_general3A_13 = arith.constant dense<0.000000e+00> : vector<1000x384xf32>
    %dot_general3A_14 = tpu.matmul %add3A_9, %get3A_12, %dot_general3A_13 {dimension_numbers = #tpu.dot_dimension_numbers<[1], [0], [0], [1], [0, 0, 1, 1], [], []>, transpose_lhs_hint = false} : vector<1000x128xf32>, vector<128x384xf32>, vector<1000x384xf32> -> vector<1000x384xf32>
    %get3A_15 = arith.constant 0 : index
    %get3A_16 = arith.constant 0 : index
    %get3A_17 = vector.load %arg8[%get3A_15, %get3A_16] : memref<1x384xf32, #tpu.memory_space<vmem>>, vector<1x384xf32>
    %add3A_18 = vector.broadcast %get3A_17 : vector<1x384xf32> to vector<1000x384xf32>
    %add3A_19 = arith.addf %dot_general3A_14, %add3A_18 : vector<1000x384xf32>
    %get3A_20 = arith.constant 0 : index
    %get3A_21 = arith.constant 0 : index
    %get3A_22 = vector.load %arg3[%get3A_20, %get3A_21] : memref<1x128xf32, #tpu.memory_space<vmem>>, vector<1x128xf32>
    %get3A_23 = arith.constant 0 : index
    %get3A_24 = arith.constant 0 : index
    %get3A_25 = vector.load %arg7[%get3A_23, %get3A_24] : memref<128x384xf32, #tpu.memory_space<vmem>>, vector<128x384xf32>
    %dot_general3A_26 = arith.constant dense<0.000000e+00> : vector<1x384xf32>
    %dot_general3A_27 = tpu.matmul %get3A_22, %get3A_25, %dot_general3A_26 {dimension_numbers = #tpu.dot_dimension_numbers<[1], [0], [0], [1], [0, 0, 1, 1], [], []>, transpose_lhs_hint = false} : vector<1x128xf32>, vector<128x384xf32>, vector<1x384xf32> -> vector<1x384xf32>
    %get3A_28 = arith.constant 0 : index
    %get3A_29 = arith.constant 0 : index
    %get3A_30 = vector.load %arg9[%get3A_28, %get3A_29] : memref<1x384xf32, #tpu.memory_space<vmem>>, vector<1x384xf32>
    %add3A_31 = arith.addf %dot_general3A_27, %get3A_30 : vector<1x384xf32>
    %broadcast_in_dim3A = vector.shape_cast %get3A_22 : vector<1x128xf32> to vector<1x128xf32>
    %broadcast_in_dim3A_32 = vector.broadcast %broadcast_in_dim3A : vector<1x128xf32> to vector<1000x128xf32>
    %broadcast_in_dim3A_33 = vector.shape_cast %add3A_31 : vector<1x384xf32> to vector<1x384xf32>
    %broadcast_in_dim3A_34 = vector.broadcast %broadcast_in_dim3A_33 : vector<1x384xf32> to vector<1000x384xf32>
    %slice3A = vector.extract_strided_slice %add3A_19 {offsets = [0, 0], sizes = [1000, 128], strides = [1, 1]} : vector<1000x384xf32> to vector<1000x128xf32>
    %slice3A_35 = vector.extract_strided_slice %broadcast_in_dim3A_34 {offsets = [0, 0], sizes = [1000, 128], strides = [1, 1]} : vector<1000x384xf32> to vector<1000x128xf32>
    %add3A_36 = arith.addf %slice3A, %slice3A_35 : vector<1000x128xf32>
    %logistic3A = arith.negf %add3A_36 : vector<1000x128xf32>
    %logistic3A_37 = math.exp %logistic3A : vector<1000x128xf32>
    %logistic3A_38 = arith.constant 1.000000e+00 : f32
    %logistic3A_39 = vector.broadcast %logistic3A_38 : f32 to vector<1000x128xf32>
    %logistic3A_40 = arith.addf %logistic3A_39, %logistic3A_37 : vector<1000x128xf32>
    %logistic3A_41 = arith.divf %logistic3A_39, %logistic3A_40 : vector<1000x128xf32>
    %slice3A_42 = vector.extract_strided_slice %add3A_19 {offsets = [0, 128], sizes = [1000, 128], strides = [1, 1]} : vector<1000x384xf32> to vector<1000x128xf32>
    %slice3A_43 = vector.extract_strided_slice %broadcast_in_dim3A_34 {offsets = [0, 128], sizes = [1000, 128], strides = [1, 1]} : vector<1000x384xf32> to vector<1000x128xf32>
    %add3A_44 = arith.addf %slice3A_42, %slice3A_43 : vector<1000x128xf32>
    %logistic3A_45 = arith.negf %add3A_44 : vector<1000x128xf32>
    %logistic3A_46 = math.exp %logistic3A_45 : vector<1000x128xf32>
    %logistic3A_47 = arith.constant 1.000000e+00 : f32
    %logistic3A_48 = vector.broadcast %logistic3A_47 : f32 to vector<1000x128xf32>
    %logistic3A_49 = arith.addf %logistic3A_48, %logistic3A_46 : vector<1000x128xf32>
    %logistic3A_50 = arith.divf %logistic3A_48, %logistic3A_49 : vector<1000x128xf32>
    %slice3A_51 = vector.extract_strided_slice %add3A_19 {offsets = [0, 256], sizes = [1000, 128], strides = [1, 1]} : vector<1000x384xf32> to vector<1000x128xf32>
    %slice3A_52 = vector.extract_strided_slice %broadcast_in_dim3A_34 {offsets = [0, 256], sizes = [1000, 128], strides = [1, 1]} : vector<1000x384xf32> to vector<1000x128xf32>
    %mul3A = arith.mulf %logistic3A_41, %slice3A_52 : vector<1000x128xf32>
    %add3A_53 = arith.addf %slice3A_51, %mul3A : vector<1000x128xf32>
    %tanh3A = math.tanh %add3A_53 : vector<1000x128xf32>
    %sub3A = arith.constant 1.000000e+00 : f32
    %sub3A_54 = vector.broadcast %sub3A : f32 to vector<1000x128xf32>
    %sub3A_55 = arith.subf %sub3A_54, %logistic3A_50 : vector<1000x128xf32>
    %mul3A_56 = arith.mulf %sub3A_55, %tanh3A : vector<1000x128xf32>
    %mul3A_57 = arith.mulf %logistic3A_50, %broadcast_in_dim3A_32 : vector<1000x128xf32>
    %add3A_58 = arith.addf %mul3A_56, %mul3A_57 : vector<1000x128xf32>
    %get3A_59 = arith.constant 0 : index
    %get3A_60 = arith.constant 0 : index
    %get3A_61 = arith.constant 0 : index
    %get3A_62 = vector.load %arg2[%get3A_59, %get3A_60, %get3A_61] : memref<2x1000x128xf32, #tpu.memory_space<vmem>>, vector<2x1000x128xf32>
    %slice3A_63 = vector.extract_strided_slice %get3A_62 {offsets = [0, 0, 0], sizes = [1, 1000, 128], strides = [1, 1, 1]} : vector<2x1000x128xf32> to vector<1x1000x128xf32>
    %squeeze3A = vector.shape_cast %slice3A_63 : vector<1x1000x128xf32> to vector<1000x128xf32>
    %slice3A_64 = vector.extract_strided_slice %squeeze3A {offsets = [0, 0], sizes = [1000, 1], strides = [1, 1]} : vector<1000x128xf32> to vector<1000x1xf32>
    %slice3A_65 = vector.extract_strided_slice %get3A_62 {offsets = [1, 0, 0], sizes = [1, 1000, 128], strides = [1, 1, 1]} : vector<2x1000x128xf32> to vector<1x1000x128xf32>
    %squeeze3A_66 = vector.shape_cast %slice3A_65 : vector<1x1000x128xf32> to vector<1000x128xf32>
    %slice3A_67 = vector.extract_strided_slice %squeeze3A_66 {offsets = [0, 0], sizes = [1000, 1], strides = [1, 1]} : vector<1000x128xf32> to vector<1000x1xf32>
    %add3A_68 = arith.addf %slice3A_64, %slice3A_67 : vector<1000x1xf32>
    %gt3A = arith.constant 0.000000e+00 : f32
    %gt3A_69 = vector.broadcast %gt3A : f32 to vector<1000x1xf32>
    %gt3A_70 = arith.cmpf ogt, %add3A_68, %gt3A_69 : vector<1000x1xf32>
    %rsqrt3A = math.rsqrt %add3A_68 : vector<1000x1xf32>
    %jit3A = arith.constant 0.000000e+00 : f32
    %broadcast_in_dim3A_71 = vector.broadcast %jit3A : f32 to vector<1000x1xf32>
    %select_n3A = arith.select %gt3A_70, %rsqrt3A, %broadcast_in_dim3A_71 : vector<1000x1xi1>, vector<1000x1xf32>
    %swap3A = arith.constant 0 : index
    %swap3A_72 = arith.constant 0 : index
    %swap3A_73 = vector.load %arg11[%swap3A, %swap3A_72] : memref<1000x128xf32, #tpu.memory_space<vmem>>, vector<1000x128xf32>
    tpu.vector_store %arg11[%swap3A, %swap3A_72], %add3A_58 {strides = array<i32>} : memref<1000x128xf32, #tpu.memory_space<vmem>>, vector<1000x128xf32>,
    %get3A_74 = arith.constant 0 : index
    %get3A_75 = arith.constant 0 : index
    %get3A_76 = vector.load %arg10[%get3A_74, %get3A_75] : memref<128x128xf32, #tpu.memory_space<vmem>>, vector<128x128xf32>
    %dot_general3A_77 = arith.constant dense<0.000000e+00> : vector<1000x128xf32>
    %dot_general3A_78 = tpu.matmul %add3A_58, %get3A_76, %dot_general3A_77 {dimension_numbers = #tpu.dot_dimension_numbers<[1], [0], [0], [1], [0, 0, 1, 1], [], []>, transpose_lhs_hint = false} : vector<1000x128xf32>, vector<128x128xf32>, vector<1000x128xf32> -> vector<1000x128xf32>
    %mul3A_79 = vector.broadcast %select_n3A : vector<1000x1xf32> to vector<1000x128xf32>
    %mul3A_80 = arith.mulf %dot_general3A_78, %mul3A_79 : vector<1000x128xf32>
    %swap3A_81 = arith.constant 0 : index
    %swap3A_82 = arith.constant 0 : index
    %swap3A_83 = vector.load %arg12[%swap3A_81, %swap3A_82] : memref<1000x128xf32, #tpu.memory_space<vmem>>, vector<1000x128xf32>
    tpu.vector_store %arg12[%swap3A_81, %swap3A_82], %mul3A_80 {strides = array<i32>} : memref<1000x128xf32, #tpu.memory_space<vmem>>, vector<1000x128xf32>,
    return
  }
  func.func @transform_0(%arg0: i32) -> (i32, i32) {
    %c0_i32 = arith.constant 0 : i32
    %c0_i32_0 = arith.constant 0 : i32
    return %arg0, %c0_i32 : i32, i32
  }
  func.func @transform_1(%arg0: i32) -> (i32, i32, i32) {
    %c0_i32 = arith.constant 0 : i32
    %c0_i32_0 = arith.constant 0 : i32
    %c0_i32_1 = arith.constant 0 : i32
    return %c0_i32, %arg0, %c0_i32_0 : i32, i32, i32
  }
  func.func @transform_2(%arg0: i32) -> (i32, i32) {
    %c0_i32 = arith.constant 0 : i32
    %c0_i32_0 = arith.constant 0 : i32
    %c0_i32_1 = arith.constant 0 : i32
    return %c0_i32, %c0_i32_0 : i32, i32
  }
  func.func @transform_3(%arg0: i32) -> (i32, i32) {
    %c0_i32 = arith.constant 0 : i32
    %c0_i32_0 = arith.constant 0 : i32
    %c0_i32_1 = arith.constant 0 : i32
    return %c0_i32, %c0_i32_0 : i32, i32
  }
  func.func @transform_4(%arg0: i32) -> (i32, i32) {
    %c0_i32 = arith.constant 0 : i32
    %c0_i32_0 = arith.constant 0 : i32
    %c0_i32_1 = arith.constant 0 : i32
    return %c0_i32, %c0_i32_0 : i32, i32
  }
  func.func @transform_5(%arg0: i32) -> (i32, i32) {
    %c0_i32 = arith.constant 0 : i32
    %c0_i32_0 = arith.constant 0 : i32
    %c0_i32_1 = arith.constant 0 : i32
    return %c0_i32, %c0_i32_0 : i32, i32
  }
  func.func @transform_6(%arg0: i32) -> (i32, i32) {
    %c0_i32 = arith.constant 0 : i32
    %c0_i32_0 = arith.constant 0 : i32
    %c0_i32_1 = arith.constant 0 : i32
    return %c0_i32, %c0_i32_0 : i32, i32
  }
  func.func @transform_7(%arg0: i32) -> (i32, i32) {
    %c0_i32 = arith.constant 0 : i32
    %c0_i32_0 = arith.constant 0 : i32
    %c0_i32_1 = arith.constant 0 : i32
    return %c0_i32, %c0_i32_0 : i32, i32
  }
  func.func @transform_8(%arg0: i32) -> (i32, i32) {
    %c0_i32 = arith.constant 0 : i32
    %c0_i32_0 = arith.constant 0 : i32
    %c0_i32_1 = arith.constant 0 : i32
    return %c0_i32, %c0_i32_0 : i32, i32
  }
  func.func @transform_9(%arg0: i32) -> (i32, i32) {
    %c0_i32 = arith.constant 0 : i32
    %c0_i32_0 = arith.constant 0 : i32
    %c0_i32_1 = arith.constant 0 : i32
    return %c0_i32, %c0_i32_0 : i32, i32
  }
  func.func @transform_10(%arg0: i32) -> (i32, i32) {
    %c0_i32 = arith.constant 0 : i32
    %c0_i32_0 = arith.constant 0 : i32
    return %arg0, %c0_i32 : i32, i32
  }
  func.func @transform_11(%arg0: i32) -> (i32, i32) {
    %c0_i32 = arith.constant 0 : i32
    %c0_i32_0 = arith.constant 0 : i32
    return %arg0, %c0_i32 : i32, i32
  }
}

module attributes {stable_mosaic.version = 14 : i64} {
  func.func @_tc_gru_body(%arg0: i32, %arg1: memref<2x1000x128xf32, #tpu.memory_space<vmem>>, %arg2: memref<2x1000x128xf32, #tpu.memory_space<vmem>>, %arg3: memref<1x128xf32, #tpu.memory_space<vmem>>, %arg4: memref<1000x128xf32, #tpu.memory_space<vmem>>, %arg5: memref<128x384xf32, #tpu.memory_space<vmem>>, %arg6: memref<128x384xf32, #tpu.memory_space<vmem>>, %arg7: memref<1x384xf32, #tpu.memory_space<vmem>>, %arg8: memref<1x384xf32, #tpu.memory_space<vmem>>, %arg9: memref<128x128xf32, #tpu.memory_space<vmem>>, %arg10: memref<1000x128xf32, #tpu.memory_space<vmem>>, %arg11: memref<1000x128xf32, #tpu.memory_space<vmem>>) attributes {dimension_semantics = [#tpu.dimension_semantics<arbitrary>], iteration_bounds = array<i64: 10>, scalar_prefetch = 0 : i64, scratch_operands = 0 : i64, tpu.core_type = #tpu.core_type<tc>, window_params = [{transform_indices = @transform_0, window_bounds = array<i64: 2, 1000, 128>}, {transform_indices = @transform_1, window_bounds = array<i64: 2, 1000, 128>}, {pipeline_mode = #tpu.pipeline_mode<synchronous>, transform_indices = @transform_2, window_bounds = array<i64: 1, 128>}, {transform_indices = @transform_3, window_bounds = array<i64: 1000, 128>}, {pipeline_mode = #tpu.pipeline_mode<synchronous>, transform_indices = @transform_4, window_bounds = array<i64: 128, 384>}, {pipeline_mode = #tpu.pipeline_mode<synchronous>, transform_indices = @transform_5, window_bounds = array<i64: 128, 384>}, {pipeline_mode = #tpu.pipeline_mode<synchronous>, transform_indices = @transform_6, window_bounds = array<i64: 1, 384>}, {pipeline_mode = #tpu.pipeline_mode<synchronous>, transform_indices = @transform_7, window_bounds = array<i64: 1, 384>}, {pipeline_mode = #tpu.pipeline_mode<synchronous>, transform_indices = @transform_8, window_bounds = array<i64: 128, 128>}, {transform_indices = @transform_9, window_bounds = array<i64: 1000, 128>}, {transform_indices = @transform_10, window_bounds = array<i64: 1000, 128>}]} {
    %get3A = arith.constant 0 : index
    %get3A_0 = arith.constant 0 : index
    %get3A_1 = arith.constant 0 : index
    %get3A_2 = vector.load %arg1[%get3A, %get3A_0, %get3A_1] : memref<2x1000x128xf32, #tpu.memory_space<vmem>>, vector<1x1000x128xf32>
    %get3A_3 = vector.shape_cast %get3A_2 : vector<1x1000x128xf32> to vector<1000x128xf32>
    %get3A_4 = arith.constant 1 : index
    %get3A_5 = arith.constant 0 : index
    %get3A_6 = arith.constant 0 : index
    %get3A_7 = vector.load %arg1[%get3A_4, %get3A_5, %get3A_6] : memref<2x1000x128xf32, #tpu.memory_space<vmem>>, vector<1x1000x128xf32>
    %get3A_8 = vector.shape_cast %get3A_7 : vector<1x1000x128xf32> to vector<1000x128xf32>
    %add3A = arith.addf %get3A_3, %get3A_8 : vector<1000x128xf32>
    %get3A_9 = arith.constant 0 : index
    %get3A_10 = arith.constant 0 : index
    %get3A_11 = arith.constant 0 : index
    %get3A_12 = vector.load %arg2[%get3A_9, %get3A_10, %get3A_11] : memref<2x1000x128xf32, #tpu.memory_space<vmem>>, vector<2x1000x128xf32>
    %slice3A = vector.extract_strided_slice %get3A_12 {offsets = [0, 0, 0], sizes = [1, 1000, 128], strides = [1, 1, 1]} : vector<2x1000x128xf32> to vector<1x1000x128xf32>
    %squeeze3A = vector.shape_cast %slice3A : vector<1x1000x128xf32> to vector<1000x128xf32>
    %slice3A_13 = vector.extract_strided_slice %squeeze3A {offsets = [0, 0], sizes = [1000, 1], strides = [1, 1]} : vector<1000x128xf32> to vector<1000x1xf32>
    %slice3A_14 = vector.extract_strided_slice %get3A_12 {offsets = [1, 0, 0], sizes = [1, 1000, 128], strides = [1, 1, 1]} : vector<2x1000x128xf32> to vector<1x1000x128xf32>
    %squeeze3A_15 = vector.shape_cast %slice3A_14 : vector<1x1000x128xf32> to vector<1000x128xf32>
    %slice3A_16 = vector.extract_strided_slice %squeeze3A_15 {offsets = [0, 0], sizes = [1000, 1], strides = [1, 1]} : vector<1000x128xf32> to vector<1000x1xf32>
    %add3A_17 = arith.addf %slice3A_13, %slice3A_16 : vector<1000x1xf32>
    %gt3A = arith.constant 0.000000e+00 : f32
    %gt3A_18 = vector.broadcast %gt3A : f32 to vector<1000x1xf32>
    %gt3A_19 = arith.cmpf ogt, %add3A_17, %gt3A_18 : vector<1000x1xf32>
    %rsqrt3A = math.rsqrt %add3A_17 : vector<1000x1xf32>
    %jit3A = arith.constant 0.000000e+00 : f32
    %broadcast_in_dim3A = vector.broadcast %jit3A : f32 to vector<1000x1xf32>
    %select_n3A = arith.select %gt3A_19, %rsqrt3A, %broadcast_in_dim3A : vector<1000x1xi1>, vector<1000x1xf32>
    %mul3A = vector.broadcast %select_n3A : vector<1000x1xf32> to vector<1000x128xf32>
    %mul3A_20 = arith.mulf %add3A, %mul3A : vector<1000x128xf32>
    %get3A_21 = arith.constant 0 : index
    %get3A_22 = arith.constant 0 : index
    %get3A_23 = vector.load %arg3[%get3A_21, %get3A_22] : memref<1x128xf32, #tpu.memory_space<vmem>>, vector<1x128xf32>
    %add3A_24 = vector.broadcast %get3A_23 : vector<1x128xf32> to vector<1000x128xf32>
    %add3A_25 = arith.addf %mul3A_20, %add3A_24 : vector<1000x128xf32>
    %max3A = arith.constant 0.000000e+00 : f32
    %max3A_26 = vector.broadcast %max3A : f32 to vector<1000x128xf32>
    %max3A_27 = arith.maximumf %add3A_25, %max3A_26 : vector<1000x128xf32>
    %get3A_28 = arith.constant 0 : index
    %get3A_29 = arith.constant 0 : index
    %get3A_30 = vector.load %arg5[%get3A_28, %get3A_29] : memref<128x384xf32, #tpu.memory_space<vmem>>, vector<128x384xf32>
    %dot_general3A = arith.constant dense<0.000000e+00> : vector<1000x384xf32>
    %dot_general3A_31 = tpu.matmul %max3A_27, %get3A_30, %dot_general3A {dimension_numbers = #tpu.dot_dimension_numbers<[1], [0], [0], [1], [0, 0, 1, 1], [], []>, transpose_lhs_hint = false} : vector<1000x128xf32>, vector<128x384xf32>, vector<1000x384xf32> -> vector<1000x384xf32>
    %get3A_32 = arith.constant 0 : index
    %get3A_33 = arith.constant 0 : index
    %get3A_34 = vector.load %arg7[%get3A_32, %get3A_33] : memref<1x384xf32, #tpu.memory_space<vmem>>, vector<1x384xf32>
    %add3A_35 = vector.broadcast %get3A_34 : vector<1x384xf32> to vector<1000x384xf32>
    %add3A_36 = arith.addf %dot_general3A_31, %add3A_35 : vector<1000x384xf32>
    %get3A_37 = arith.constant 0 : index
    %get3A_38 = arith.constant 0 : index
    %get3A_39 = vector.load %arg4[%get3A_37, %get3A_38] : memref<1000x128xf32, #tpu.memory_space<vmem>>, vector<1000x128xf32>
    %get3A_40 = arith.constant 0 : index
    %get3A_41 = arith.constant 0 : index
    %get3A_42 = vector.load %arg6[%get3A_40, %get3A_41] : memref<128x384xf32, #tpu.memory_space<vmem>>, vector<128x384xf32>
    %dot_general3A_43 = arith.constant dense<0.000000e+00> : vector<1000x384xf32>
    %dot_general3A_44 = tpu.matmul %get3A_39, %get3A_42, %dot_general3A_43 {dimension_numbers = #tpu.dot_dimension_numbers<[1], [0], [0], [1], [0, 0, 1, 1], [], []>, transpose_lhs_hint = false} : vector<1000x128xf32>, vector<128x384xf32>, vector<1000x384xf32> -> vector<1000x384xf32>
    %get3A_45 = arith.constant 0 : index
    %get3A_46 = arith.constant 0 : index
    %get3A_47 = vector.load %arg8[%get3A_45, %get3A_46] : memref<1x384xf32, #tpu.memory_space<vmem>>, vector<1x384xf32>
    %add3A_48 = vector.broadcast %get3A_47 : vector<1x384xf32> to vector<1000x384xf32>
    %add3A_49 = arith.addf %dot_general3A_44, %add3A_48 : vector<1000x384xf32>
    %slice3A_50 = vector.extract_strided_slice %add3A_36 {offsets = [0, 0], sizes = [1000, 128], strides = [1, 1]} : vector<1000x384xf32> to vector<1000x128xf32>
    %slice3A_51 = vector.extract_strided_slice %add3A_49 {offsets = [0, 0], sizes = [1000, 128], strides = [1, 1]} : vector<1000x384xf32> to vector<1000x128xf32>
    %add3A_52 = arith.addf %slice3A_50, %slice3A_51 : vector<1000x128xf32>
    %logistic3A = arith.negf %add3A_52 : vector<1000x128xf32>
    %logistic3A_53 = math.exp %logistic3A : vector<1000x128xf32>
    %logistic3A_54 = arith.constant 1.000000e+00 : f32
    %logistic3A_55 = vector.broadcast %logistic3A_54 : f32 to vector<1000x128xf32>
    %logistic3A_56 = arith.addf %logistic3A_55, %logistic3A_53 : vector<1000x128xf32>
    %logistic3A_57 = arith.divf %logistic3A_55, %logistic3A_56 : vector<1000x128xf32>
    %slice3A_58 = vector.extract_strided_slice %add3A_36 {offsets = [0, 128], sizes = [1000, 128], strides = [1, 1]} : vector<1000x384xf32> to vector<1000x128xf32>
    %slice3A_59 = vector.extract_strided_slice %add3A_49 {offsets = [0, 128], sizes = [1000, 128], strides = [1, 1]} : vector<1000x384xf32> to vector<1000x128xf32>
    %add3A_60 = arith.addf %slice3A_58, %slice3A_59 : vector<1000x128xf32>
    %logistic3A_61 = arith.negf %add3A_60 : vector<1000x128xf32>
    %logistic3A_62 = math.exp %logistic3A_61 : vector<1000x128xf32>
    %logistic3A_63 = arith.constant 1.000000e+00 : f32
    %logistic3A_64 = vector.broadcast %logistic3A_63 : f32 to vector<1000x128xf32>
    %logistic3A_65 = arith.addf %logistic3A_64, %logistic3A_62 : vector<1000x128xf32>
    %logistic3A_66 = arith.divf %logistic3A_64, %logistic3A_65 : vector<1000x128xf32>
    %slice3A_67 = vector.extract_strided_slice %add3A_36 {offsets = [0, 256], sizes = [1000, 128], strides = [1, 1]} : vector<1000x384xf32> to vector<1000x128xf32>
    %slice3A_68 = vector.extract_strided_slice %add3A_49 {offsets = [0, 256], sizes = [1000, 128], strides = [1, 1]} : vector<1000x384xf32> to vector<1000x128xf32>
    %mul3A_69 = arith.mulf %logistic3A_57, %slice3A_68 : vector<1000x128xf32>
    %add3A_70 = arith.addf %slice3A_67, %mul3A_69 : vector<1000x128xf32>
    %tanh3A = math.tanh %add3A_70 : vector<1000x128xf32>
    %sub3A = arith.constant 1.000000e+00 : f32
    %sub3A_71 = vector.broadcast %sub3A : f32 to vector<1000x128xf32>
    %sub3A_72 = arith.subf %sub3A_71, %logistic3A_66 : vector<1000x128xf32>
    %mul3A_73 = arith.mulf %sub3A_72, %tanh3A : vector<1000x128xf32>
    %mul3A_74 = arith.mulf %logistic3A_66, %get3A_39 : vector<1000x128xf32>
    %add3A_75 = arith.addf %mul3A_73, %mul3A_74 : vector<1000x128xf32>
    %swap3A = arith.constant 0 : index
    %swap3A_76 = arith.constant 0 : index
    %swap3A_77 = vector.load %arg10[%swap3A, %swap3A_76] : memref<1000x128xf32, #tpu.memory_space<vmem>>, vector<1000x128xf32>
    tpu.vector_store %arg10[%swap3A, %swap3A_76], %add3A_75 {strides = array<i32>} : memref<1000x128xf32, #tpu.memory_space<vmem>>, vector<1000x128xf32>,
    %get3A_78 = arith.constant 0 : index
    %get3A_79 = arith.constant 0 : index
    %get3A_80 = vector.load %arg9[%get3A_78, %get3A_79] : memref<128x128xf32, #tpu.memory_space<vmem>>, vector<128x128xf32>
    %dot_general3A_81 = arith.constant dense<0.000000e+00> : vector<1000x128xf32>
    %dot_general3A_82 = tpu.matmul %add3A_75, %get3A_80, %dot_general3A_81 {dimension_numbers = #tpu.dot_dimension_numbers<[1], [0], [0], [1], [0, 0, 1, 1], [], []>, transpose_lhs_hint = false} : vector<1000x128xf32>, vector<128x128xf32>, vector<1000x128xf32> -> vector<1000x128xf32>
    %mul3A_83 = vector.broadcast %select_n3A : vector<1000x1xf32> to vector<1000x128xf32>
    %mul3A_84 = arith.mulf %dot_general3A_82, %mul3A_83 : vector<1000x128xf32>
    %swap3A_85 = arith.constant 0 : index
    %swap3A_86 = arith.constant 0 : index
    %swap3A_87 = vector.load %arg11[%swap3A_85, %swap3A_86] : memref<1000x128xf32, #tpu.memory_space<vmem>>, vector<1000x128xf32>
    tpu.vector_store %arg11[%swap3A_85, %swap3A_86], %mul3A_84 {strides = array<i32>} : memref<1000x128xf32, #tpu.memory_space<vmem>>, vector<1000x128xf32>,
    return
  }
  func.func @transform_0(%arg0: i32) -> (i32, i32, i32) {
    %c0_i32 = arith.constant 0 : i32
    %c0_i32_0 = arith.constant 0 : i32
    %c0_i32_1 = arith.constant 0 : i32
    return %c0_i32, %arg0, %c0_i32_0 : i32, i32, i32
  }
  func.func @transform_1(%arg0: i32) -> (i32, i32, i32) {
    %c0_i32 = arith.constant 0 : i32
    %c0_i32_0 = arith.constant 0 : i32
    %c0_i32_1 = arith.constant 0 : i32
    return %c0_i32, %arg0, %c0_i32_0 : i32, i32, i32
  }
  func.func @transform_2(%arg0: i32) -> (i32, i32) {
    %c0_i32 = arith.constant 0 : i32
    %c0_i32_0 = arith.constant 0 : i32
    %c0_i32_1 = arith.constant 0 : i32
    return %c0_i32, %c0_i32_0 : i32, i32
  }
  func.func @transform_3(%arg0: i32) -> (i32, i32) {
    %c0_i32 = arith.constant 0 : i32
    %c0_i32_0 = arith.constant 0 : i32
    return %arg0, %c0_i32 : i32, i32
  }
  func.func @transform_4(%arg0: i32) -> (i32, i32) {
    %c0_i32 = arith.constant 0 : i32
    %c0_i32_0 = arith.constant 0 : i32
    %c0_i32_1 = arith.constant 0 : i32
    return %c0_i32, %c0_i32_0 : i32, i32
  }
  func.func @transform_5(%arg0: i32) -> (i32, i32) {
    %c0_i32 = arith.constant 0 : i32
    %c0_i32_0 = arith.constant 0 : i32
    %c0_i32_1 = arith.constant 0 : i32
    return %c0_i32, %c0_i32_0 : i32, i32
  }
  func.func @transform_6(%arg0: i32) -> (i32, i32) {
    %c0_i32 = arith.constant 0 : i32
    %c0_i32_0 = arith.constant 0 : i32
    %c0_i32_1 = arith.constant 0 : i32
    return %c0_i32, %c0_i32_0 : i32, i32
  }
  func.func @transform_7(%arg0: i32) -> (i32, i32) {
    %c0_i32 = arith.constant 0 : i32
    %c0_i32_0 = arith.constant 0 : i32
    %c0_i32_1 = arith.constant 0 : i32
    return %c0_i32, %c0_i32_0 : i32, i32
  }
  func.func @transform_8(%arg0: i32) -> (i32, i32) {
    %c0_i32 = arith.constant 0 : i32
    %c0_i32_0 = arith.constant 0 : i32
    %c0_i32_1 = arith.constant 0 : i32
    return %c0_i32, %c0_i32_0 : i32, i32
  }
  func.func @transform_9(%arg0: i32) -> (i32, i32) {
    %c0_i32 = arith.constant 0 : i32
    %c0_i32_0 = arith.constant 0 : i32
    return %arg0, %c0_i32 : i32, i32
  }
  func.func @transform_10(%arg0: i32) -> (i32, i32) {
    %c0_i32 = arith.constant 0 : i32
    %c0_i32_0 = arith.constant 0 : i32
    return %arg0, %c0_i32 : i32, i32
  }
}

module attributes {stable_mosaic.version = 14 : i64} {
  func.func @_tc_gru_body(%arg0: i32, %arg1: memref<2x1000x128xf32, #tpu.memory_space<vmem>>, %arg2: memref<2x1000x128xf32, #tpu.memory_space<vmem>>, %arg3: memref<1x128xf32, #tpu.memory_space<vmem>>, %arg4: memref<1000x128xf32, #tpu.memory_space<vmem>>, %arg5: memref<128x384xf32, #tpu.memory_space<vmem>>, %arg6: memref<128x384xf32, #tpu.memory_space<vmem>>, %arg7: memref<1x384xf32, #tpu.memory_space<vmem>>, %arg8: memref<1x384xf32, #tpu.memory_space<vmem>>, %arg9: memref<128x128xf32, #tpu.memory_space<vmem>>, %arg10: memref<1000x128xf32, #tpu.memory_space<vmem>>, %arg11: memref<1000x128xf32, #tpu.memory_space<vmem>>) attributes {dimension_semantics = [#tpu.dimension_semantics<arbitrary>], iteration_bounds = array<i64: 10>, scalar_prefetch = 0 : i64, scratch_operands = 0 : i64, tpu.core_type = #tpu.core_type<tc>, window_params = [{transform_indices = @transform_0, window_bounds = array<i64: 2, 1000, 128>}, {transform_indices = @transform_1, window_bounds = array<i64: 2, 1000, 128>}, {pipeline_mode = #tpu.pipeline_mode<synchronous>, transform_indices = @transform_2, window_bounds = array<i64: 1, 128>}, {transform_indices = @transform_3, window_bounds = array<i64: 1000, 128>}, {pipeline_mode = #tpu.pipeline_mode<synchronous>, transform_indices = @transform_4, window_bounds = array<i64: 128, 384>}, {pipeline_mode = #tpu.pipeline_mode<synchronous>, transform_indices = @transform_5, window_bounds = array<i64: 128, 384>}, {pipeline_mode = #tpu.pipeline_mode<synchronous>, transform_indices = @transform_6, window_bounds = array<i64: 1, 384>}, {pipeline_mode = #tpu.pipeline_mode<synchronous>, transform_indices = @transform_7, window_bounds = array<i64: 1, 384>}, {pipeline_mode = #tpu.pipeline_mode<synchronous>, transform_indices = @transform_8, window_bounds = array<i64: 128, 128>}, {transform_indices = @transform_9, window_bounds = array<i64: 1000, 128>}, {transform_indices = @transform_10, window_bounds = array<i64: 1000, 128>}]} {
    %get3A = arith.constant 0 : index
    %get3A_0 = arith.constant 0 : index
    %get3A_1 = arith.constant 0 : index
    %get3A_2 = vector.load %arg1[%get3A, %get3A_0, %get3A_1] : memref<2x1000x128xf32, #tpu.memory_space<vmem>>, vector<1x1000x128xf32>
    %get3A_3 = vector.shape_cast %get3A_2 : vector<1x1000x128xf32> to vector<1000x128xf32>
    %get3A_4 = arith.constant 1 : index
    %get3A_5 = arith.constant 0 : index
    %get3A_6 = arith.constant 0 : index
    %get3A_7 = vector.load %arg1[%get3A_4, %get3A_5, %get3A_6] : memref<2x1000x128xf32, #tpu.memory_space<vmem>>, vector<1x1000x128xf32>
    %get3A_8 = vector.shape_cast %get3A_7 : vector<1x1000x128xf32> to vector<1000x128xf32>
    %add3A = arith.addf %get3A_3, %get3A_8 : vector<1000x128xf32>
    %get3A_9 = arith.constant 0 : index
    %get3A_10 = arith.constant 0 : index
    %get3A_11 = arith.constant 0 : index
    %get3A_12 = vector.load %arg2[%get3A_9, %get3A_10, %get3A_11] : memref<2x1000x128xf32, #tpu.memory_space<vmem>>, vector<2x1000x128xf32>
    %slice3A = vector.extract_strided_slice %get3A_12 {offsets = [0, 0, 0], sizes = [1, 1000, 128], strides = [1, 1, 1]} : vector<2x1000x128xf32> to vector<1x1000x128xf32>
    %squeeze3A = vector.shape_cast %slice3A : vector<1x1000x128xf32> to vector<1000x128xf32>
    %slice3A_13 = vector.extract_strided_slice %squeeze3A {offsets = [0, 0], sizes = [1000, 1], strides = [1, 1]} : vector<1000x128xf32> to vector<1000x1xf32>
    %slice3A_14 = vector.extract_strided_slice %get3A_12 {offsets = [1, 0, 0], sizes = [1, 1000, 128], strides = [1, 1, 1]} : vector<2x1000x128xf32> to vector<1x1000x128xf32>
    %squeeze3A_15 = vector.shape_cast %slice3A_14 : vector<1x1000x128xf32> to vector<1000x128xf32>
    %slice3A_16 = vector.extract_strided_slice %squeeze3A_15 {offsets = [0, 0], sizes = [1000, 1], strides = [1, 1]} : vector<1000x128xf32> to vector<1000x1xf32>
    %add3A_17 = arith.addf %slice3A_13, %slice3A_16 : vector<1000x1xf32>
    %gt3A = arith.constant 0.000000e+00 : f32
    %gt3A_18 = vector.broadcast %gt3A : f32 to vector<1000x1xf32>
    %gt3A_19 = arith.cmpf ogt, %add3A_17, %gt3A_18 : vector<1000x1xf32>
    %rsqrt3A = math.rsqrt %add3A_17 : vector<1000x1xf32>
    %jit3A = arith.constant 0.000000e+00 : f32
    %broadcast_in_dim3A = vector.broadcast %jit3A : f32 to vector<1000x1xf32>
    %select_n3A = arith.select %gt3A_19, %rsqrt3A, %broadcast_in_dim3A : vector<1000x1xi1>, vector<1000x1xf32>
    %mul3A = vector.broadcast %select_n3A : vector<1000x1xf32> to vector<1000x128xf32>
    %mul3A_20 = arith.mulf %add3A, %mul3A : vector<1000x128xf32>
    %get3A_21 = arith.constant 0 : index
    %get3A_22 = arith.constant 0 : index
    %get3A_23 = vector.load %arg3[%get3A_21, %get3A_22] : memref<1x128xf32, #tpu.memory_space<vmem>>, vector<1x128xf32>
    %add3A_24 = vector.broadcast %get3A_23 : vector<1x128xf32> to vector<1000x128xf32>
    %add3A_25 = arith.addf %mul3A_20, %add3A_24 : vector<1000x128xf32>
    %max3A = arith.constant 0.000000e+00 : f32
    %max3A_26 = vector.broadcast %max3A : f32 to vector<1000x128xf32>
    %max3A_27 = arith.maximumf %add3A_25, %max3A_26 : vector<1000x128xf32>
    %get3A_28 = arith.constant 0 : index
    %get3A_29 = arith.constant 0 : index
    %get3A_30 = vector.load %arg5[%get3A_28, %get3A_29] : memref<128x384xf32, #tpu.memory_space<vmem>>, vector<128x384xf32>
    %dot_general3A = arith.constant dense<0.000000e+00> : vector<1000x384xf32>
    %dot_general3A_31 = tpu.matmul %max3A_27, %get3A_30, %dot_general3A {dimension_numbers = #tpu.dot_dimension_numbers<[1], [0], [0], [1], [0, 0, 1, 1], [], []>, transpose_lhs_hint = false} : vector<1000x128xf32>, vector<128x384xf32>, vector<1000x384xf32> -> vector<1000x384xf32>
    %get3A_32 = arith.constant 0 : index
    %get3A_33 = arith.constant 0 : index
    %get3A_34 = vector.load %arg7[%get3A_32, %get3A_33] : memref<1x384xf32, #tpu.memory_space<vmem>>, vector<1x384xf32>
    %add3A_35 = vector.broadcast %get3A_34 : vector<1x384xf32> to vector<1000x384xf32>
    %add3A_36 = arith.addf %dot_general3A_31, %add3A_35 : vector<1000x384xf32>
    %get3A_37 = arith.constant 0 : index
    %get3A_38 = arith.constant 0 : index
    %get3A_39 = vector.load %arg4[%get3A_37, %get3A_38] : memref<1000x128xf32, #tpu.memory_space<vmem>>, vector<1000x128xf32>
    %get3A_40 = arith.constant 0 : index
    %get3A_41 = arith.constant 0 : index
    %get3A_42 = vector.load %arg6[%get3A_40, %get3A_41] : memref<128x384xf32, #tpu.memory_space<vmem>>, vector<128x384xf32>
    %dot_general3A_43 = arith.constant dense<0.000000e+00> : vector<1000x384xf32>
    %dot_general3A_44 = tpu.matmul %get3A_39, %get3A_42, %dot_general3A_43 {dimension_numbers = #tpu.dot_dimension_numbers<[1], [0], [0], [1], [0, 0, 1, 1], [], []>, transpose_lhs_hint = false} : vector<1000x128xf32>, vector<128x384xf32>, vector<1000x384xf32> -> vector<1000x384xf32>
    %get3A_45 = arith.constant 0 : index
    %get3A_46 = arith.constant 0 : index
    %get3A_47 = vector.load %arg8[%get3A_45, %get3A_46] : memref<1x384xf32, #tpu.memory_space<vmem>>, vector<1x384xf32>
    %add3A_48 = vector.broadcast %get3A_47 : vector<1x384xf32> to vector<1000x384xf32>
    %add3A_49 = arith.addf %dot_general3A_44, %add3A_48 : vector<1000x384xf32>
    %slice3A_50 = vector.extract_strided_slice %add3A_36 {offsets = [0, 0], sizes = [1000, 128], strides = [1, 1]} : vector<1000x384xf32> to vector<1000x128xf32>
    %slice3A_51 = vector.extract_strided_slice %add3A_49 {offsets = [0, 0], sizes = [1000, 128], strides = [1, 1]} : vector<1000x384xf32> to vector<1000x128xf32>
    %add3A_52 = arith.addf %slice3A_50, %slice3A_51 : vector<1000x128xf32>
    %logistic3A = arith.negf %add3A_52 : vector<1000x128xf32>
    %logistic3A_53 = math.exp %logistic3A : vector<1000x128xf32>
    %logistic3A_54 = arith.constant 1.000000e+00 : f32
    %logistic3A_55 = vector.broadcast %logistic3A_54 : f32 to vector<1000x128xf32>
    %logistic3A_56 = arith.addf %logistic3A_55, %logistic3A_53 : vector<1000x128xf32>
    %logistic3A_57 = arith.divf %logistic3A_55, %logistic3A_56 : vector<1000x128xf32>
    %slice3A_58 = vector.extract_strided_slice %add3A_36 {offsets = [0, 128], sizes = [1000, 128], strides = [1, 1]} : vector<1000x384xf32> to vector<1000x128xf32>
    %slice3A_59 = vector.extract_strided_slice %add3A_49 {offsets = [0, 128], sizes = [1000, 128], strides = [1, 1]} : vector<1000x384xf32> to vector<1000x128xf32>
    %add3A_60 = arith.addf %slice3A_58, %slice3A_59 : vector<1000x128xf32>
    %logistic3A_61 = arith.negf %add3A_60 : vector<1000x128xf32>
    %logistic3A_62 = math.exp %logistic3A_61 : vector<1000x128xf32>
    %logistic3A_63 = arith.constant 1.000000e+00 : f32
    %logistic3A_64 = vector.broadcast %logistic3A_63 : f32 to vector<1000x128xf32>
    %logistic3A_65 = arith.addf %logistic3A_64, %logistic3A_62 : vector<1000x128xf32>
    %logistic3A_66 = arith.divf %logistic3A_64, %logistic3A_65 : vector<1000x128xf32>
    %slice3A_67 = vector.extract_strided_slice %add3A_36 {offsets = [0, 256], sizes = [1000, 128], strides = [1, 1]} : vector<1000x384xf32> to vector<1000x128xf32>
    %slice3A_68 = vector.extract_strided_slice %add3A_49 {offsets = [0, 256], sizes = [1000, 128], strides = [1, 1]} : vector<1000x384xf32> to vector<1000x128xf32>
    %mul3A_69 = arith.mulf %logistic3A_57, %slice3A_68 : vector<1000x128xf32>
    %add3A_70 = arith.addf %slice3A_67, %mul3A_69 : vector<1000x128xf32>
    %tanh3A = math.tanh %add3A_70 : vector<1000x128xf32>
    %sub3A = arith.constant 1.000000e+00 : f32
    %sub3A_71 = vector.broadcast %sub3A : f32 to vector<1000x128xf32>
    %sub3A_72 = arith.subf %sub3A_71, %logistic3A_66 : vector<1000x128xf32>
    %mul3A_73 = arith.mulf %sub3A_72, %tanh3A : vector<1000x128xf32>
    %mul3A_74 = arith.mulf %logistic3A_66, %get3A_39 : vector<1000x128xf32>
    %add3A_75 = arith.addf %mul3A_73, %mul3A_74 : vector<1000x128xf32>
    %swap3A = arith.constant 0 : index
    %swap3A_76 = arith.constant 0 : index
    %swap3A_77 = vector.load %arg10[%swap3A, %swap3A_76] : memref<1000x128xf32, #tpu.memory_space<vmem>>, vector<1000x128xf32>
    tpu.vector_store %arg10[%swap3A, %swap3A_76], %add3A_75 {strides = array<i32>} : memref<1000x128xf32, #tpu.memory_space<vmem>>, vector<1000x128xf32>,
    %get3A_78 = arith.constant 0 : index
    %get3A_79 = arith.constant 0 : index
    %get3A_80 = vector.load %arg9[%get3A_78, %get3A_79] : memref<128x128xf32, #tpu.memory_space<vmem>>, vector<128x128xf32>
    %dot_general3A_81 = arith.constant dense<0.000000e+00> : vector<1000x128xf32>
    %dot_general3A_82 = tpu.matmul %add3A_75, %get3A_80, %dot_general3A_81 {dimension_numbers = #tpu.dot_dimension_numbers<[1], [0], [0], [1], [0, 0, 1, 1], [], []>, transpose_lhs_hint = false} : vector<1000x128xf32>, vector<128x128xf32>, vector<1000x128xf32> -> vector<1000x128xf32>
    %mul3A_83 = vector.broadcast %select_n3A : vector<1000x1xf32> to vector<1000x128xf32>
    %mul3A_84 = arith.mulf %dot_general3A_82, %mul3A_83 : vector<1000x128xf32>
    %swap3A_85 = arith.constant 0 : index
    %swap3A_86 = arith.constant 0 : index
    %swap3A_87 = vector.load %arg11[%swap3A_85, %swap3A_86] : memref<1000x128xf32, #tpu.memory_space<vmem>>, vector<1000x128xf32>
    tpu.vector_store %arg11[%swap3A_85, %swap3A_86], %mul3A_84 {strides = array<i32>} : memref<1000x128xf32, #tpu.memory_space<vmem>>, vector<1000x128xf32>,
    return
  }
  func.func @transform_0(%arg0: i32) -> (i32, i32, i32) {
    %c0_i32 = arith.constant 0 : i32
    %c0_i32_0 = arith.constant 0 : i32
    %c0_i32_1 = arith.constant 0 : i32
    return %c0_i32, %arg0, %c0_i32_0 : i32, i32, i32
  }
  func.func @transform_1(%arg0: i32) -> (i32, i32, i32) {
    %c0_i32 = arith.constant 0 : i32
    %c0_i32_0 = arith.constant 0 : i32
    %c0_i32_1 = arith.constant 0 : i32
    return %c0_i32, %arg0, %c0_i32_0 : i32, i32, i32
  }
  func.func @transform_2(%arg0: i32) -> (i32, i32) {
    %c0_i32 = arith.constant 0 : i32
    %c0_i32_0 = arith.constant 0 : i32
    %c0_i32_1 = arith.constant 0 : i32
    return %c0_i32, %c0_i32_0 : i32, i32
  }
  func.func @transform_3(%arg0: i32) -> (i32, i32) {
    %c0_i32 = arith.constant 0 : i32
    %c0_i32_0 = arith.constant 0 : i32
    return %arg0, %c0_i32 : i32, i32
  }
  func.func @transform_4(%arg0: i32) -> (i32, i32) {
    %c0_i32 = arith.constant 0 : i32
    %c0_i32_0 = arith.constant 0 : i32
    %c0_i32_1 = arith.constant 0 : i32
    return %c0_i32, %c0_i32_0 : i32, i32
  }
  func.func @transform_5(%arg0: i32) -> (i32, i32) {
    %c0_i32 = arith.constant 0 : i32
    %c0_i32_0 = arith.constant 0 : i32
    %c0_i32_1 = arith.constant 0 : i32
    return %c0_i32, %c0_i32_0 : i32, i32
  }
  func.func @transform_6(%arg0: i32) -> (i32, i32) {
    %c0_i32 = arith.constant 0 : i32
    %c0_i32_0 = arith.constant 0 : i32
    %c0_i32_1 = arith.constant 0 : i32
    return %c0_i32, %c0_i32_0 : i32, i32
  }
  func.func @transform_7(%arg0: i32) -> (i32, i32) {
    %c0_i32 = arith.constant 0 : i32
    %c0_i32_0 = arith.constant 0 : i32
    %c0_i32_1 = arith.constant 0 : i32
    return %c0_i32, %c0_i32_0 : i32, i32
  }
  func.func @transform_8(%arg0: i32) -> (i32, i32) {
    %c0_i32 = arith.constant 0 : i32
    %c0_i32_0 = arith.constant 0 : i32
    %c0_i32_1 = arith.constant 0 : i32
    return %c0_i32, %c0_i32_0 : i32, i32
  }
  func.func @transform_9(%arg0: i32) -> (i32, i32) {
    %c0_i32 = arith.constant 0 : i32
    %c0_i32_0 = arith.constant 0 : i32
    return %arg0, %c0_i32 : i32, i32
  }
  func.func @transform_10(%arg0: i32) -> (i32, i32) {
    %c0_i32 = arith.constant 0 : i32
    %c0_i32_0 = arith.constant 0 : i32
    return %arg0, %c0_i32 : i32, i32
  }
}

module attributes {stable_mosaic.version = 14 : i64} {
  func.func @_tc_out_body(%arg0: i32, %arg1: memref<1000x128xf32, #tpu.memory_space<vmem>>, %arg2: memref<128x128xf32, #tpu.memory_space<vmem>>, %arg3: memref<1x128xf32, #tpu.memory_space<vmem>>, %arg4: memref<1000x128xf32, #tpu.memory_space<vmem>>) attributes {dimension_semantics = [#tpu.dimension_semantics<arbitrary>], iteration_bounds = array<i64: 10>, scalar_prefetch = 0 : i64, scratch_operands = 0 : i64, tpu.core_type = #tpu.core_type<tc>, window_params = [{transform_indices = @transform_0, window_bounds = array<i64: 1000, 128>}, {pipeline_mode = #tpu.pipeline_mode<synchronous>, transform_indices = @transform_1, window_bounds = array<i64: 128, 128>}, {pipeline_mode = #tpu.pipeline_mode<synchronous>, transform_indices = @transform_2, window_bounds = array<i64: 1, 128>}, {transform_indices = @transform_3, window_bounds = array<i64: 1000, 128>}]} {
    %get3A = arith.constant 0 : index
    %get3A_0 = arith.constant 0 : index
    %get3A_1 = vector.load %arg1[%get3A, %get3A_0] : memref<1000x128xf32, #tpu.memory_space<vmem>>, vector<1000x128xf32>
    %get3A_2 = arith.constant 0 : index
    %get3A_3 = arith.constant 0 : index
    %get3A_4 = vector.load %arg2[%get3A_2, %get3A_3] : memref<128x128xf32, #tpu.memory_space<vmem>>, vector<128x128xf32>
    %dot_general3A = arith.constant dense<0.000000e+00> : vector<1000x128xf32>
    %dot_general3A_5 = tpu.matmul %get3A_1, %get3A_4, %dot_general3A {dimension_numbers = #tpu.dot_dimension_numbers<[1], [0], [0], [1], [0, 0, 1, 1], [], []>, transpose_lhs_hint = false} : vector<1000x128xf32>, vector<128x128xf32>, vector<1000x128xf32> -> vector<1000x128xf32>
    %get3A_6 = arith.constant 0 : index
    %get3A_7 = arith.constant 0 : index
    %get3A_8 = vector.load %arg3[%get3A_6, %get3A_7] : memref<1x128xf32, #tpu.memory_space<vmem>>, vector<1x128xf32>
    %add3A = vector.broadcast %get3A_8 : vector<1x128xf32> to vector<1000x128xf32>
    %add3A_9 = arith.addf %dot_general3A_5, %add3A : vector<1000x128xf32>
    %reduce_max3A = arith.constant dense<0xFF800000> : vector<1000xf32>
    %reduce_max3A_10 = vector.multi_reduction <maximumf>, %add3A_9, %reduce_max3A [1] : vector<1000x128xf32> to vector<1000xf32>
    %broadcast_in_dim3A = vector.shape_cast %reduce_max3A_10 : vector<1000xf32> to vector<1000x1xf32>
    %sub3A = vector.broadcast %broadcast_in_dim3A : vector<1000x1xf32> to vector<1000x128xf32>
    %sub3A_11 = arith.subf %add3A_9, %sub3A : vector<1000x128xf32>
    %exp3A = math.exp %sub3A_11 : vector<1000x128xf32>
    %reduce_sum3A = arith.constant dense<0.000000e+00> : vector<1000xf32>
    %reduce_sum3A_12 = vector.multi_reduction <add>, %exp3A, %reduce_sum3A [1] : vector<1000x128xf32> to vector<1000xf32>
    %broadcast_in_dim3A_13 = vector.shape_cast %reduce_sum3A_12 : vector<1000xf32> to vector<1000x1xf32>
    %div3A = vector.broadcast %broadcast_in_dim3A_13 : vector<1000x1xf32> to vector<1000x128xf32>
    %div3A_14 = arith.divf %exp3A, %div3A : vector<1000x128xf32>
    %swap3A = arith.constant 0 : index
    %swap3A_15 = arith.constant 0 : index
    %swap3A_16 = vector.load %arg4[%swap3A, %swap3A_15] : memref<1000x128xf32, #tpu.memory_space<vmem>>, vector<1000x128xf32>
    tpu.vector_store %arg4[%swap3A, %swap3A_15], %div3A_14 {strides = array<i32>} : memref<1000x128xf32, #tpu.memory_space<vmem>>, vector<1000x128xf32>,
    return
  }
  func.func @transform_0(%arg0: i32) -> (i32, i32) {
    %c0_i32 = arith.constant 0 : i32
    %c0_i32_0 = arith.constant 0 : i32
    return %arg0, %c0_i32 : i32, i32
  }
  func.func @transform_1(%arg0: i32) -> (i32, i32) {
    %c0_i32 = arith.constant 0 : i32
    %c0_i32_0 = arith.constant 0 : i32
    %c0_i32_1 = arith.constant 0 : i32
    return %c0_i32, %c0_i32_0 : i32, i32
  }
  func.func @transform_2(%arg0: i32) -> (i32, i32) {
    %c0_i32 = arith.constant 0 : i32
    %c0_i32_0 = arith.constant 0 : i32
    %c0_i32_1 = arith.constant 0 : i32
    return %c0_i32, %c0_i32_0 : i32, i32
  }
  func.func @transform_3(%arg0: i32) -> (i32, i32) {
    %c0_i32 = arith.constant 0 : i32
    %c0_i32_0 = arith.constant 0 : i32
    return %arg0, %c0_i32 : i32, i32
  }
}

</mosaic_0001>

<sc_bundles>
// kernel: kernel.17.cloned.1.call-start
scs
__scs_entry_jumppad:
0x0: {  	(pc) =	sbr.rel $0x88, $3  }
0x1: {  	(tag) =	ssettag $0x0;
	lr =	simm.s32 $0x1  }
0x2: {  	[smem:$0x3F92] =	sst lr;
	_ =	strace $0xD0000000  }
0x3: {  	_ = 	snop  }
0x4: {  	_ = 	snop  }
0x5: {  	_ = 	snop  }
0x6: {  	_ = 	snop  }
0x7: {  	_ = 	snop  }
__scs_overlays_trampoline_lowered:
0x8: {  	[smem:$0x3FA1] =	sst s0  }
0x9: {  	[smem:$0x3FA2] =	sst s1  }
0xa: {  	[smem:$0x3FA3] =	sst s2  }
0xb: {  	[smem:$0x3FA4] =	sst s3  }
0xc: {  	[smem:$0x3FA5] =	sst s4  }
0xd: {  	[smem:$0x3FA6] =	sst s5  }
0xe: {  	[smem:$0x3FA7] =	sst s6  }
0xf: {  	[smem:$0x3FA8] =	sst s7  }
0x10: {  	[smem:$0x3FA9] =	sst s8  }
0x11: {  	[smem:$0x3FAA] =	sst s9;
	s0 =	simm.s32 @!p0 $0x0  }
0x12: {  	s1 =	sld [smem:$0x3F90];
	s0 =	simm.s32 @p0 $0x1  }
0x13: {  	[smem:$0x3FAB] =	sst s0;
	s0 =	simm.s32 @!p1 $0x0  }
0x14: {  	s2 =	sld [smem:$0x3F8F];
	s0 =	simm.s32 @p1 $0x1  }
0x15: {  	[smem:$0x3FAC] =	sst s0;
	s0 =	simm.s32 @!p2 $0x0  }
0x16: {  	s3 =	sld [smem:$0x3FDB];
	s0 =	simm.s32 @p2 $0x1  }
0x17: {  	s4 =	simm.s32 $0x1BF5;
	[smem:$0x3FAE] =	sst s0  }
0x18: {  	s0 =	sld [smem:$0x3F91];
	_ =	swait.ge [sflag:s4], $0x0  }
0x19: {  	s7 =	sld [smem:$0x3F92]  }
0x1a: {  	s8 =	sadd.s32 $0xFFFFE003, lr  }
0x1b: {  	s9 =	sadd.s32 $0xFFFFFEF7, lr;
	s5 =	simm.s32 $0xFFFFFFFF;
	p2 =	slt.u32 s8, $0xFFFFF086  }
0x1c: {  	p1 =	slt.u32 s9, $0xF7A;
	s5 =	simm.s32 @!p2 $0x0  }
0x1d: {  	s5 =	simm.s32 @p1 $0x1;
	p0 =	seq.s32 s7, s2  }
0x1e: {  	s7 =	smul.u32 @!p0 $0xF7A, s2;
	p2 =	seq.s32 @!p0 s5, $0x0  }
0x1f: {  	s9 =	smul.u32 $0xF7A, s1;
	s8 =	simm.s32 @!p0 $0x1BF5;
	p2 =	por !p2, p0  }
0x20: {  	[sflag:s8] =	ssyncset.s32 @!p0 $0xFFFFF086;
	s6 =	sadd.s32 @!p0 s3, s7;
	s7 =	simm.s32 @!p0 $0x108  }
0x21: {  	s3 =	sadd.s32 s3, s9;
	s6 =	sadd.s32 @!p0 $0x88, s6;
	s7 =	simm.s32 @p2 $0x1082  }
0x22: {  	[simem:s7], [sflag:s8] =	dma.local @!p0 [hbm:s6], $0xF7A  }
0x23: {  	s9 =	sor.u32 $0xD0000000, s2;
	s6 =	simm.s32 $0x108;
	_ =	swait.ge @!p0 [sflag:s8], $0x0  }
0x24: {  	s3 =	sadd.s32 $0x88, s3;
	s6 =	simm.s32 @!p1 $0x1082;
	[sflag:s4] =	ssyncset.s32 $0xFFFFF086  }
0x25: {  	[simem:s6], [sflag:s4] =	dma.local [hbm:s3], $0xF7A  }
0x26: {  	[smem:$0x3F92] =	sst s1;
	(tag) =	ssettag s2;
	_ =	strace s9  }
0x27: {  	s1 =	sld [smem:$0x3FA2]  }
0x28: {  	s2 =	sld [smem:$0x3FA3]  }
0x29: {  	s4 =	sld [smem:$0x3FA5]  }
0x2a: {  	p0 =	seq.s32 s5, $0x0;
	s5 =	sld [smem:$0x3FA6]  }
0x2b: {  	s6 =	sld [smem:$0x3FA7]  }
0x2c: {  	s7 =	sld [smem:$0x3FA8]  }
0x2d: {  	s3 =	simm.s32 $0x108;
	s8 =	sld [smem:$0x3FA9]  }
0x2e: {  	s3 =	simm.s32 @!p0 $0x1082;
	s9 =	sld [smem:$0x3FAA]  }
0x2f: {  	lr =	sadd.s32 s0, s3;
	s0 =	sld [smem:$0x3FA1]  }
0x30: {  	s3 =	sld [smem:$0x3FA4]  }
0x31: {  	[smem:$0x3FAD] =	sst s10  }
0x32: {  	s10 =	sld [smem:$0x3FAB];
	_ =	sdelay $0x3  }
0x33: {  	p0 =	seq.s32 s10, $0x1;
	s10 =	sld [smem:$0x3FAD];
	_ =	sdelay $0x3  }
0x34: {  	[smem:$0x3FAD] =	sst s10  }
0x35: {  	s10 =	sld [smem:$0x3FAC];
	_ =	sdelay $0x3  }
0x36: {  	p1 =	seq.s32 s10, $0x1;
	s10 =	sld [smem:$0x3FAD];
	_ =	sdelay $0x3  }
0x37: {  	[smem:$0x3FAD] =	sst s10  }
0x38: {  	s10 =	sld [smem:$0x3FAE]  }
0x39: {  	_ = 	snop;
	(pc) =	sbr.ind lr, $3  }
0x3a: {  	_ = 	snop  }
0x3b: {  	_ = 	snop  }
0x3c: {  	p2 =	seq.s32 s10, $0x1;
	s10 =	sld [smem:$0x3FAD]  }
0x3d: {  	_ =	shalt  }
0x3e: {  	_ =	shalt  }
0x3f: {  	_ =	shalt  }
0x40: {  	_ =	shalt  }
0x41: {  	_ =	shalt  }
0x42: {  	_ =	shalt  }
0x43: {  	_ =	shalt  }
0x44: {  	_ =	shalt  }
0x45: {  	_ =	shalt  }
0x46: {  	_ =	shalt  }
0x47: {  	_ =	shalt  }
0x48: {  	_ =	shalt  }
0x49: {  	_ =	shalt  }
0x4a: {  	_ =	shalt  }
0x4b: {  	_ =	shalt  }
0x4c: {  	_ =	shalt  }
0x4d: {  	_ =	shalt  }
0x4e: {  	_ =	shalt  }
0x4f: {  	_ =	shalt  }
0x50: {  	_ =	shalt  }
0x51: {  	_ =	shalt  }
0x52: {  	_ =	shalt  }
0x53: {  	_ =	shalt  }
0x54: {  	_ =	shalt  }
0x55: {  	_ =	shalt  }
0x56: {  	_ =	shalt  }
0x57: {  	_ =	shalt  }
0x58: {  	_ =	shalt  }
0x59: {  	_ =	shalt  }
0x5a: {  	_ =	shalt  }
0x5b: {  	_ =	shalt  }
0x5c: {  	_ =	shalt  }
0x5d: {  	_ =	shalt  }
0x5e: {  	_ =	shalt  }
0x5f: {  	_ =	shalt  }
0x60: {  	_ =	shalt  }
0x61: {  	_ =	shalt  }
0x62: {  	_ =	shalt  }
0x63: {  	_ =	shalt  }
0x64: {  	_ =	shalt  }
0x65: {  	_ =	shalt  }
0x66: {  	_ =	shalt  }
0x67: {  	_ =	shalt  }
0x68: {  	_ =	shalt  }
0x69: {  	_ =	shalt  }
0x6a: {  	_ =	shalt  }
0x6b: {  	_ =	shalt  }
0x6c: {  	_ =	shalt  }
0x6d: {  	_ =	shalt  }
0x6e: {  	_ =	shalt  }
0x6f: {  	_ =	shalt  }
0x70: {  	_ =	shalt  }
0x71: {  	_ =	shalt  }
0x72: {  	_ =	shalt  }
0x73: {  	_ =	shalt  }
0x74: {  	_ =	shalt  }
0x75: {  	_ =	shalt  }
0x76: {  	_ =	shalt  }
0x77: {  	_ =	shalt  }
0x78: {  	_ =	shalt  }
0x79: {  	_ =	shalt  }
0x7a: {  	_ =	shalt  }
0x7b: {  	_ =	shalt  }
0x7c: {  	_ =	shalt  }
0x7d: {  	_ =	shalt  }
0x7e: {  	_ =	shalt  }
0x7f: {  	_ =	shalt  }
0x80: {  	_ =	shalt  }
0x81: {  	_ =	shalt  }
0x82: {  	_ =	shalt  }
0x83: {  	_ =	shalt  }
0x84: {  	_ =	shalt  }
0x85: {  	_ =	shalt  }
0x86: {  	_ =	shalt  }
0x87: {  	_ =	shalt  }
.Lfunc_end0:
.L_simem_size_0:
called_computation_lowered:
.L_overlay_start_0:
0x88: {  	s2 =	sld [smem:$0x3FD9]  }
0x89: {  	s3 =	sld [smem:$0x3FFE];
	_ =	sdelay $0x1  }
0x8a: {  	s1 =	srdreg.scid  }
0x8b: {  	s0 =	sand.u32 $0x1, s1  }
0x8c: {  	s17 =	sshll.u32 s0, $0xA;
	s2 =	sadd.s32 s3, s2  }
0x8d: {  	s2 =	sadd.s32 s2, s17  }
0x8e: {  	[smem:$0x3FB9] =	sst s2  }
0x8f: {  	_ = 	snop  }
0x90: {  	s2 =	sld [smem:$0x3FD0];
	(tm) =	ssettm $0x1  }
0x91: {  	s18 =	sld [smem:$0x3FFB];
	_ =	sdelay $0x3  }
0x92: {  	_ =	strace s18  }
0x93: {  	s3 =	sld [smem:$0x3FFC];
	_ =	sdelay $0x3  }
0x94: {  	_ =	strace s3  }
0x95: {  	s3 =	sld [smem:$0x3FFD];
	_ =	sdelay $0x3  }
0x96: {  	_ =	strace s3  }
0x97: {  	_ =	strace $0x8FFFFFFF  }
0x98: {  	s19 =	sld [smem:$0x3FDB];
	_ =	sdelay $0x1  }
0x99: {  	s4 =	simm.s32 $_scs_section_size  }
0x9a: {  	s5 =	simm.s32 $_size__tile_overlayer_lowered;
	s6 =	simm.s32 $_tile_overlayer_lowered  }
0x9b: {  	s22 =	simm.s32 $0x1BFF;
	s21 =	sshll.u32 s6, $0x1;
	s3 =	sadd.s32 s4, s19  }
0x9c: {  	s7 =	simm.s32 $0x0;
	s20 =	sshll.u32 s5, $0x1;
	s5 =	sadd.s32 s21, s3  }
0x9d: {  	[timem:s7], [sflag:s22] =	dma.local [hbm:s5], s20  }
0x9e: {  	_ =	swait.ge [sflag:s22], s20  }
0x9f: {  	s4 =	ssub.s32 $0x0, s20;
	[sflag:s22] =	ssyncset.done $0x0  }
0xa0: {  	[sflag:s22] =	ssyncadd.s32 s4;
	_ =	sdelay $0x1  }
0xa1: {  	s23 =	simm.s32 $0x1B8B  }
0xa2: {  	_ =	swait.ge [sflag:s23], $0x1  }
0xa3: {  	[sflag:s23] =	ssyncset.done $0x0  }
0xa4: {  	s25 =	simm.s32 $0x1B8E;
	s24 =	sld [smem:$0x3FFE];
	[sflag:s23] =	ssyncadd.s32 $0xFFFFFFFF  }
0xa5: {  	s26 =	simm.s32 $execute0_lowered;
	[smem:$0x3FD2] =	sst s25  }
0xa6: {  	s5 =	sshll.u32 s26, $0x1;
	_ =	strace $0x80000046;
	[dreg:$0x1] =	wrdreg $0xFFFFFFFF  }
0xa7: {  	s28 =	simm.s32 $_size_execute0_lowered;
	s3 =	sadd.s32 s3, s5;
	[dreg:$0x0] =	wrdreg $0x0  }
0xa8: {  	s5 =	sshll.u32 s28, $0x1;
	[dreg:$0x2] =	wrdreg s3  }
0xa9: {  	[dreg:$0x3] =	wrdreg s5  }
0xaa: {  	[dreg:$0x4] =	wrdreg $0xC0  }
0xab: {  	_ =	task [dreg:s7], $0x5FFFF  }
0xac: {  	[dreg:$0x1] =	wrdreg $0xFFFFFFFF  }
0xad: {  	[dreg:$0x0] =	wrdreg $0x60  }
0xae: {  	[dreg:$0x2] =	wrdreg s24  }
0xaf: {  	[dreg:$0x3] =	wrdreg s2  }
0xb0: {  	[dreg:$0x4] =	wrdreg $0x6C000  }
0xb1: {  	[dreg:$0x5] =	wrdreg $0x9  }
0xb2: {  	_ =	task.clear_ibuf [dreg:s7], $0x6FFFF;
	_ =	strace $0x90000046  }
0xb3: {  	s29 =	simm.s32 $0x9;
	_ =	strace $0x80000048  }
0xb4: {  	_ =	swait.ge [sflag:s29], $0x1  }
0xb5: {  	[sflag:s29] =	ssyncadd.s32 $0xFFFFFFFF  }
0xb6: {  	_ =	strace $0x90000048  }
0xb7: {  	_ =	sfence  }
0xb8: {  	s30 =	sld [smem:$0x0];
	_ =	sdelay $0x2  }
0xb9: {  	s31 =	sshll.u32 s1, $0xD;
	s1 =	sshrl.u32 s1, $0x2  }
0xba: {  	s3 =	sand.u32 $0x4000, s31;
	s1 =	sadd.s32 s1, s30  }
0xbb: {  	s0 =	sor.u32 s3, s0;
	s1 =	sshll.u32 s1, $0x11  }
0xbc: {  	s0 =	sor.u32 s1, s0  }
0xbd: {  	s0 =	sadd.s32 $0x8F2B, s0  }
0xbe: {  	[sflag:s0] =	ssyncadd.remote.s32 $0x1  }
0xbf: {  	_ =	sfence.sel $0xFFFF  }
0xc0: {  	[dreg:$0x0] =	wrdreg $0xFFFFFFFF;
	(pc) =	sbr.abs _section_cstart, $3  }
0xc1: {  	[dreg:$0x1] =	wrdreg $0xFFFFFFFF  }
0xc2: {  	_ =	task.clear_ibuf [dreg:s7], $0x2FFFF;
	_ =	strace $0x9FFFFFFF  }
0xc3: {  	(tm) =	ssettm $0x7FFFFFFF  }
tec
execute0_lowered:
.L_overlay_start_1:
0x0: {  	(tag) =	ssettag $0x1  }
0x1: {  	s7 =	rddreg [dreg:$0x0]  }
0x2: {  	s0 =	srdreg.scid;
	s2 =	rddreg [dreg:$0x1]  }
0x3: {  	s3 =	rddreg [dreg:$0x2];
	s4 =	simm.s32 $0x0;
	s6 =	sand.u32 $0x1, s0  }
0x4: {  	s13 =	simm.s32 $0x80;
	s0 =	stileid.u32;
	s8 =	smul.u32 $0x140000, s6  }
0x5: {  	s14 =	simm.s32 $0x0;
	[smem:$0x7FF] =	sst s4;
	s9 =	smul.u32 $0x14000, s0  }
0x6: {  	s1 =	sshll.u32 s6, $0x4;
	s29 =	smul.u32 $0x50000, s0;
	s6 =	ssub.s32 $0x2, s6  }
0x7: {  	s31 =	sshll.u32 s0, $0x6;
	s1 =	sor.u32 s0, s1;
	s30 =	sshrl.u32 s6, $0x1  }
0x8: {  	s5 =	smul.u32 $0x580, s1;
	s1 =	rddreg [dreg:$0x3];
	_ =	strace $0x80000047  }
0x9: {  	s8 =	sadd.s32 s9, s8;
	s9 =	sshrl.u32 s29, $0x2;
	s11 =	ssub.s32 s6, s30  }
0xa: {  	s6 =	sor.u32 $0x1C01, s31;
	s8 =	sshrl.u32 s8, $0x3;
	s12 =	sadd.s32 s9, s3  }
0xb: {  	s9 =	smax.u32 s11, $0x1;
	s11 =	simm.s32 $0x1;
	s10 =	sadd.s32 s5, s7  }
0xc: {  	s5 =	sadd.s32 $0xFA00, s7;
	s8 =	sadd.s32 s8, s7;
	s7 =	sadd.s32 $0x4A00, s10  }
0xd: {  	s8 =	sadd.s32 $0x12200, s8;
	s10 =	sshrl.u32 s12, $0x3;
	s12 =	simm.s32 $0x2C00  }
.LBB2_1:
0xe: {  	[spmem:s10], [sflag:s6] =	dma.local [hbm:s5], $0x2800  }
0xf: {  	_ =	swait.ge [sflag:s11], $0x2800  }
0x10: {  	[sflag:s11] =	ssyncset.done $0x0  }
0x11: {  	[sflag:s11] =	ssyncadd.s32 $0xFFFFD800  }
0x12: {  	[tilespmem:s4], [sflag:$0x1] =	stream.linear.gather [hbm4b:s7+s4], $0x2880, $0x38;
	[tilespmem:$0x1AC00] =	vst v63  }
0x13: {  	_ =	swait.ge [sflag:s11], $0x2880  }
0x14: {  	[sflag:s11] =	ssyncset.done $0x0  }
0x15: {  	[sflag:s11] =	ssyncadd.s32 $0xFFFFD780  }
0x16: {  	[tilespmem:s12], [sflag:$0x1] =	stream.linear.gather [hbm4b:s2+s4], $0x4000, $0x38;
	[tilespmem:$0x1AC00] =	vst v63  }
0x17: {  	_ =	swait.ge [sflag:s11], $0x4000  }
0x18: {  	[sflag:s11] =	ssyncset.done $0x0  }
0x19: {  	[sflag:s11] =	ssyncadd.s32 $0xFFFFC000  }
0x1a: {  	s15 =	simm.s32 $0x0;
	[bflag:$0x0] =	sbarrier.arrive $0xFFFF  }
0x1b: {  	[spmem:s3] =	stream.indirect.scatter.add.f32 [tilespmem:s12], [sflag:$0x1], $0x80, s15, s13, $0xb8;
	[tilespmem:$0x1AC00] =	vst v63  }
0x1c: {  	_ =	swait.ge [sflag:s11], $0x4000  }
0x1d: {  	s15 =	simm.s32 $0x200;
	[sflag:s11] =	ssyncset.done $0x0  }
.LBB2_2:
0x1e: {  	s16 =	sshra.s32 s15, $0x2;
	[sflag:s11] =	ssyncadd.s32 $0xFFFFC000;
	p0 =	sne.s32 s15, $0xA000  }
0x1f: {  	[spmem:s3] =	stream.indirect.scatter.add.f32 [tilespmem:s12], [sflag:$0x1], $0x80, s16, s13, $0xb8;
	[tilespmem:$0x1AC00] =	vst v63  }
.Ltmp0:
0x20: {  	_ = 	snop;
	(pc) =	sbr.rel @p0 .LBB2_2-.Ltmp0, $4  }
0x21: {  	_ = 	snop  }
0x22: {  	s15 =	sadd.s32 $0x200, s15  }
0x23: {  	_ =	swait.ge [sflag:s11], $0x4000  }
0x24: {  	[sflag:s11] =	ssyncset.done $0x0  }
0x25: {  	s14 =	sadd.s32 $0x1, s14  }
0x26: {  	[sflag:s11] =	ssyncadd.s32 $0xFFFFC000;
	p0 =	sne.s32 s14, s9  }
.Ltmp1:
0x27: {  	[bflag:$0x0] =	sbarrier.arrive $0xFFFF;
	(pc) =	sbr.rel @p0 .LBB2_1-.Ltmp1, $4  }
0x28: {  	[hbm:s8], [sflag:s6] =	dma.local [spmem:s10], $0x2800  }
0x29: {  	_ =	swait.ge [sflag:s11], $0x2800  }
0x2a: {  	[sflag:s11] =	ssyncset.done $0x0  }
0x2b: {  	[sflag:s11] =	ssyncadd.s32 $0xFFFFD800  }
0x2c: {  	_ =	sfence.sel $0x180000  }
0x2d: {  	[bflag:$0x0] =	sbarrier.arrive $0xFFFF  }
0x2e: {  	p0 =	sne.s32 s0, $0x0;
	_ =	strace $0x90000047  }
0x2f: {  	s0 =	sadd.s32 @!p0 $0x100000, s1;
	[bflag:$0x2] =	sbarrier.arrive $0xFFFF  }
0x30: {  	[sflag:s0] =	ssyncadd.tile.s32 @!p0 $0x1;
	_ =	shalt  }
.Lfunc_end2:
_tile_overlayer_lowered:
.L_overlay_start_2:
0x31: {  	(tag) =	ssettag $0x2  }
0x32: {  	s0 =	rddreg [dreg:$0x0];
	s2 =	stileid.u32  }
0x33: {  	s1 =	rddreg [dreg:$0x1];
	p0 =	sne.s32 s2, $0x0  }
0x34: {  	s3 =	rddreg [dreg:$0x2];
	[bflag:$0x3] =	sbarrier.arrive $0xFFFF;
	s2 =	simm.s32 @!p0 $0x1C01  }
0x35: {  	[timem:s3], [sflag:s2] =	dma.local @!p0 [hbm:s0], s1  }
0x36: {  	s0 =	simm.s32 @!p0 $0x1  }
0x37: {  	_ =	swait.ge @!p0 [sflag:s0], s1  }
0x38: {  	s1 =	ssub.s32 @!p0 $0x0, s1;
	[sflag:s0] =	ssyncset.done @!p0 $0x0  }
0x39: {  	[sflag:s0] =	ssyncadd.s32 @!p0 s1  }
0x3a: {  	[bflag:$0x3] =	sbarrier.arrive $0xFFFF  }
0x3b: {  	_ =	shalt  }

// kernel: kernel.20.cloned.1.call-start
scs
__scs_entry_jumppad:
0x0: {  	(pc) =	sbr.rel $0x88, $3  }
0x1: {  	(tag) =	ssettag $0x0;
	lr =	simm.s32 $0x1  }
0x2: {  	[smem:$0x3F92] =	sst lr;
	_ =	strace $0xD0000000  }
0x3: {  	_ = 	snop  }
0x4: {  	_ = 	snop  }
0x5: {  	_ = 	snop  }
0x6: {  	_ = 	snop  }
0x7: {  	_ = 	snop  }
__scs_overlays_trampoline_lowered:
0x8: {  	[smem:$0x3FA1] =	sst s0  }
0x9: {  	[smem:$0x3FA2] =	sst s1  }
0xa: {  	[smem:$0x3FA3] =	sst s2  }
0xb: {  	[smem:$0x3FA4] =	sst s3  }
0xc: {  	[smem:$0x3FA5] =	sst s4  }
0xd: {  	[smem:$0x3FA6] =	sst s5  }
0xe: {  	[smem:$0x3FA7] =	sst s6  }
0xf: {  	[smem:$0x3FA8] =	sst s7  }
0x10: {  	[smem:$0x3FA9] =	sst s8  }
0x11: {  	[smem:$0x3FAA] =	sst s9;
	s0 =	simm.s32 @!p0 $0x0  }
0x12: {  	s1 =	sld [smem:$0x3F90];
	s0 =	simm.s32 @p0 $0x1  }
0x13: {  	[smem:$0x3FAB] =	sst s0;
	s0 =	simm.s32 @!p1 $0x0  }
0x14: {  	s2 =	sld [smem:$0x3F8F];
	s0 =	simm.s32 @p1 $0x1  }
0x15: {  	[smem:$0x3FAC] =	sst s0;
	s0 =	simm.s32 @!p2 $0x0  }
0x16: {  	s3 =	sld [smem:$0x3FDB];
	s0 =	simm.s32 @p2 $0x1  }
0x17: {  	s4 =	simm.s32 $0x1BF5;
	[smem:$0x3FAE] =	sst s0  }
0x18: {  	s0 =	sld [smem:$0x3F91];
	_ =	swait.ge [sflag:s4], $0x0  }
0x19: {  	s7 =	sld [smem:$0x3F92]  }
0x1a: {  	s8 =	sadd.s32 $0xFFFFE003, lr  }
0x1b: {  	s9 =	sadd.s32 $0xFFFFFEF7, lr;
	s5 =	simm.s32 $0xFFFFFFFF;
	p2 =	slt.u32 s8, $0xFFFFF086  }
0x1c: {  	p1 =	slt.u32 s9, $0xF7A;
	s5 =	simm.s32 @!p2 $0x0  }
0x1d: {  	s5 =	simm.s32 @p1 $0x1;
	p0 =	seq.s32 s7, s2  }
0x1e: {  	s7 =	smul.u32 @!p0 $0xF7A, s2;
	p2 =	seq.s32 @!p0 s5, $0x0  }
0x1f: {  	s9 =	smul.u32 $0xF7A, s1;
	s8 =	simm.s32 @!p0 $0x1BF5;
	p2 =	por !p2, p0  }
0x20: {  	[sflag:s8] =	ssyncset.s32 @!p0 $0xFFFFF086;
	s6 =	sadd.s32 @!p0 s3, s7;
	s7 =	simm.s32 @!p0 $0x108  }
0x21: {  	s3 =	sadd.s32 s3, s9;
	s6 =	sadd.s32 @!p0 $0x88, s6;
	s7 =	simm.s32 @p2 $0x1082  }
0x22: {  	[simem:s7], [sflag:s8] =	dma.local @!p0 [hbm:s6], $0xF7A  }
0x23: {  	s9 =	sor.u32 $0xD0000000, s2;
	s6 =	simm.s32 $0x108;
	_ =	swait.ge @!p0 [sflag:s8], $0x0  }
0x24: {  	s3 =	sadd.s32 $0x88, s3;
	s6 =	simm.s32 @!p1 $0x1082;
	[sflag:s4] =	ssyncset.s32 $0xFFFFF086  }
0x25: {  	[simem:s6], [sflag:s4] =	dma.local [hbm:s3], $0xF7A  }
0x26: {  	[smem:$0x3F92] =	sst s1;
	(tag) =	ssettag s2;
	_ =	strace s9  }
0x27: {  	s1 =	sld [smem:$0x3FA2]  }
0x28: {  	s2 =	sld [smem:$0x3FA3]  }
0x29: {  	s4 =	sld [smem:$0x3FA5]  }
0x2a: {  	p0 =	seq.s32 s5, $0x0;
	s5 =	sld [smem:$0x3FA6]  }
0x2b: {  	s6 =	sld [smem:$0x3FA7]  }
0x2c: {  	s7 =	sld [smem:$0x3FA8]  }
0x2d: {  	s3 =	simm.s32 $0x108;
	s8 =	sld [smem:$0x3FA9]  }
0x2e: {  	s3 =	simm.s32 @!p0 $0x1082;
	s9 =	sld [smem:$0x3FAA]  }
0x2f: {  	lr =	sadd.s32 s0, s3;
	s0 =	sld [smem:$0x3FA1]  }
0x30: {  	s3 =	sld [smem:$0x3FA4]  }
0x31: {  	[smem:$0x3FAD] =	sst s10  }
0x32: {  	s10 =	sld [smem:$0x3FAB];
	_ =	sdelay $0x3  }
0x33: {  	p0 =	seq.s32 s10, $0x1;
	s10 =	sld [smem:$0x3FAD];
	_ =	sdelay $0x3  }
0x34: {  	[smem:$0x3FAD] =	sst s10  }
0x35: {  	s10 =	sld [smem:$0x3FAC];
	_ =	sdelay $0x3  }
0x36: {  	p1 =	seq.s32 s10, $0x1;
	s10 =	sld [smem:$0x3FAD];
	_ =	sdelay $0x3  }
0x37: {  	[smem:$0x3FAD] =	sst s10  }
0x38: {  	s10 =	sld [smem:$0x3FAE]  }
0x39: {  	_ = 	snop;
	(pc) =	sbr.ind lr, $3  }
0x3a: {  	_ = 	snop  }
0x3b: {  	_ = 	snop  }
0x3c: {  	p2 =	seq.s32 s10, $0x1;
	s10 =	sld [smem:$0x3FAD]  }
0x3d: {  	_ =	shalt  }
0x3e: {  	_ =	shalt  }
0x3f: {  	_ =	shalt  }
0x40: {  	_ =	shalt  }
0x41: {  	_ =	shalt  }
0x42: {  	_ =	shalt  }
0x43: {  	_ =	shalt  }
0x44: {  	_ =	shalt  }
0x45: {  	_ =	shalt  }
0x46: {  	_ =	shalt  }
0x47: {  	_ =	shalt  }
0x48: {  	_ =	shalt  }
0x49: {  	_ =	shalt  }
0x4a: {  	_ =	shalt  }
0x4b: {  	_ =	shalt  }
0x4c: {  	_ =	shalt  }
0x4d: {  	_ =	shalt  }
0x4e: {  	_ =	shalt  }
0x4f: {  	_ =	shalt  }
0x50: {  	_ =	shalt  }
0x51: {  	_ =	shalt  }
0x52: {  	_ =	shalt  }
0x53: {  	_ =	shalt  }
0x54: {  	_ =	shalt  }
0x55: {  	_ =	shalt  }
0x56: {  	_ =	shalt  }
0x57: {  	_ =	shalt  }
0x58: {  	_ =	shalt  }
0x59: {  	_ =	shalt  }
0x5a: {  	_ =	shalt  }
0x5b: {  	_ =	shalt  }
0x5c: {  	_ =	shalt  }
0x5d: {  	_ =	shalt  }
0x5e: {  	_ =	shalt  }
0x5f: {  	_ =	shalt  }
0x60: {  	_ =	shalt  }
0x61: {  	_ =	shalt  }
0x62: {  	_ =	shalt  }
0x63: {  	_ =	shalt  }
0x64: {  	_ =	shalt  }
0x65: {  	_ =	shalt  }
0x66: {  	_ =	shalt  }
0x67: {  	_ =	shalt  }
0x68: {  	_ =	shalt  }
0x69: {  	_ =	shalt  }
0x6a: {  	_ =	shalt  }
0x6b: {  	_ =	shalt  }
0x6c: {  	_ =	shalt  }
0x6d: {  	_ =	shalt  }
0x6e: {  	_ =	shalt  }
0x6f: {  	_ =	shalt  }
0x70: {  	_ =	shalt  }
0x71: {  	_ =	shalt  }
0x72: {  	_ =	shalt  }
0x73: {  	_ =	shalt  }
0x74: {  	_ =	shalt  }
0x75: {  	_ =	shalt  }
0x76: {  	_ =	shalt  }
0x77: {  	_ =	shalt  }
0x78: {  	_ =	shalt  }
0x79: {  	_ =	shalt  }
0x7a: {  	_ =	shalt  }
0x7b: {  	_ =	shalt  }
0x7c: {  	_ =	shalt  }
0x7d: {  	_ =	shalt  }
0x7e: {  	_ =	shalt  }
0x7f: {  	_ =	shalt  }
0x80: {  	_ =	shalt  }
0x81: {  	_ =	shalt  }
0x82: {  	_ =	shalt  }
0x83: {  	_ =	shalt  }
0x84: {  	_ =	shalt  }
0x85: {  	_ =	shalt  }
0x86: {  	_ =	shalt  }
0x87: {  	_ =	shalt  }
.Lfunc_end0:
.L_simem_size_0:
called_computation.1_lowered:
.L_overlay_start_0:
0x88: {  	s2 =	sld [smem:$0x3FD9]  }
0x89: {  	s3 =	sld [smem:$0x3FFE];
	_ =	sdelay $0x1  }
0x8a: {  	s1 =	srdreg.scid  }
0x8b: {  	s0 =	sand.u32 $0x1, s1  }
0x8c: {  	s16 =	sshll.u32 s0, $0xA;
	s2 =	sadd.s32 s3, s2  }
0x8d: {  	s2 =	sadd.s32 s2, s16  }
0x8e: {  	[smem:$0x3FB9] =	sst s2  }
0x8f: {  	_ = 	snop  }
0x90: {  	(tm) =	ssettm $0x1  }
0x91: {  	s17 =	sld [smem:$0x3FFB];
	_ =	sdelay $0x3  }
0x92: {  	_ =	strace s17  }
0x93: {  	s2 =	sld [smem:$0x3FFC];
	_ =	sdelay $0x3  }
0x94: {  	_ =	strace s2  }
0x95: {  	s2 =	sld [smem:$0x3FFD];
	_ =	sdelay $0x3  }
0x96: {  	_ =	strace s2  }
0x97: {  	_ =	strace $0x8FFFFFFF  }
0x98: {  	s18 =	sld [smem:$0x3FDB];
	_ =	sdelay $0x1  }
0x99: {  	s19 =	simm.s32 $_scs_section_size  }
0x9a: {  	s4 =	simm.s32 $_size__tile_overlayer_lowered;
	s5 =	simm.s32 $_tile_overlayer_lowered  }
0x9b: {  	s22 =	simm.s32 $0x1BFF;
	s21 =	sshll.u32 s5, $0x1;
	s2 =	sadd.s32 s19, s18  }
0x9c: {  	s6 =	simm.s32 $0x0;
	s20 =	sshll.u32 s4, $0x1;
	s4 =	sadd.s32 s21, s2  }
0x9d: {  	[timem:s6], [sflag:s22] =	dma.local [hbm:s4], s20  }
0x9e: {  	_ =	swait.ge [sflag:s22], s20  }
0x9f: {  	s3 =	ssub.s32 $0x0, s20;
	[sflag:s22] =	ssyncset.done $0x0  }
0xa0: {  	[sflag:s22] =	ssyncadd.s32 s3;
	_ =	sdelay $0x1  }
0xa1: {  	s23 =	simm.s32 $0x1B8B  }
0xa2: {  	_ =	swait.ge [sflag:s23], $0x1  }
0xa3: {  	[sflag:s23] =	ssyncset.done $0x0  }
0xa4: {  	s25 =	simm.s32 $0x1B8E;
	s24 =	sld [smem:$0x3FFE];
	[sflag:s23] =	ssyncadd.s32 $0xFFFFFFFF  }
0xa5: {  	s26 =	simm.s32 $execute0_lowered;
	[smem:$0x3FD2] =	sst s25  }
0xa6: {  	s4 =	sshll.u32 s26, $0x1;
	_ =	strace $0x80000049;
	[dreg:$0x1] =	wrdreg $0xFFFFFFFF  }
0xa7: {  	s28 =	simm.s32 $_size_execute0_lowered;
	s2 =	sadd.s32 s2, s4;
	[dreg:$0x0] =	wrdreg $0x0  }
0xa8: {  	s4 =	sshll.u32 s28, $0x1;
	[dreg:$0x2] =	wrdreg s2  }
0xa9: {  	[dreg:$0x3] =	wrdreg s4  }
0xaa: {  	[dreg:$0x4] =	wrdreg $0xC0  }
0xab: {  	_ =	task [dreg:s6], $0x5FFFF  }
0xac: {  	[dreg:$0x1] =	wrdreg $0xFFFFFFFF  }
0xad: {  	[dreg:$0x0] =	wrdreg $0x60  }
0xae: {  	[dreg:$0x2] =	wrdreg s24  }
0xaf: {  	[dreg:$0x3] =	wrdreg $0x98000  }
0xb0: {  	[dreg:$0x4] =	wrdreg $0x9  }
0xb1: {  	_ =	task.clear_ibuf [dreg:s6], $0x5FFFF;
	_ =	strace $0x90000049  }
0xb2: {  	s29 =	simm.s32 $0x9;
	_ =	strace $0x8000004B  }
0xb3: {  	_ =	swait.ge [sflag:s29], $0x1  }
0xb4: {  	[sflag:s29] =	ssyncadd.s32 $0xFFFFFFFF  }
0xb5: {  	_ =	strace $0x9000004B  }
0xb6: {  	_ =	sfence  }
0xb7: {  	s30 =	sld [smem:$0x0];
	_ =	sdelay $0x2  }
0xb8: {  	s31 =	sshll.u32 s1, $0xD;
	s1 =	sshrl.u32 s1, $0x2  }
0xb9: {  	s3 =	sand.u32 $0x4000, s31;
	s1 =	sadd.s32 s1, s30  }
0xba: {  	s0 =	sor.u32 s3, s0;
	s1 =	sshll.u32 s1, $0x11  }
0xbb: {  	s0 =	sor.u32 s1, s0  }
0xbc: {  	s0 =	sadd.s32 $0x8F2B, s0  }
0xbd: {  	[sflag:s0] =	ssyncadd.remote.s32 $0x1  }
0xbe: {  	_ =	sfence.sel $0xFFFF  }
0xbf: {  	[dreg:$0x0] =	wrdreg $0xFFFFFFFF;
	(pc) =	sbr.abs _section_cstart, $3  }
0xc0: {  	[dreg:$0x1] =	wrdreg $0xFFFFFFFF  }
0xc1: {  	_ =	task.clear_ibuf [dreg:s6], $0x2FFFF;
	_ =	strace $0x9FFFFFFF  }
0xc2: {  	(tm) =	ssettm $0x7FFFFFFF  }
0xc3: {  	_ =	shalt  }
tec
execute0_lowered:
.L_overlay_start_1:
0x0: {  	(tag) =	ssettag $0x1  }
0x1: {  	s7 =	rddreg [dreg:$0x0]  }
0x2: {  	s0 =	srdreg.scid;
	s2 =	rddreg [dreg:$0x1]  }
0x3: {  	s3 =	simm.s32 $0x0;
	s14 =	simm.s32 $0x80;
	s15 =	simm.s32 $0x5800  }
0x4: {  	s16 =	simm.s32 $0x1;
	s6 =	sand.u32 $0x1, s0;
	s0 =	stileid.u32  }
0x5: {  	s17 =	simm.s32 $0x0;
	[smem:$0x7FF] =	sst s3;
	s8 =	smul.u32 $0x140000, s6  }
0x6: {  	s4 =	sadd.s32 $0x6D200, s7;
	s1 =	sshll.u32 s6, $0x4;
	s9 =	smul.u32 $0x14000, s0  }
0x7: {  	s28 =	smul.u32 $0x50000, s0;
	s6 =	ssub.s32 $0x2, s6;
	s1 =	sor.u32 s0, s1  }
0x8: {  	s31 =	sshll.u32 s0, $0x6;
	s29 =	sshrl.u32 s6, $0x1;
	s5 =	smul.u32 $0x580, s1  }
0x9: {  	s1 =	rddreg [dreg:$0x2];
	_ =	strace $0x8000004A;
	s8 =	sadd.s32 s9, s8  }
0xa: {  	s30 =	sshrl.u32 s28, $0x2;
	s12 =	ssub.s32 s6, s29;
	s6 =	sor.u32 $0x1C02, s31  }
0xb: {  	s8 =	sshrl.u32 s8, $0x3;
	s13 =	sadd.s32 s30, s2;
	s10 =	sadd.s32 s5, s7  }
0xc: {  	s5 =	sadd.s32 $0xFA00, s7;
	s11 =	sadd.s32 s8, s7;
	s7 =	sadd.s32 $0x62200, s10  }
0xd: {  	s8 =	sadd.s32 $0x4A00, s10;
	s9 =	sadd.s32 $0x94400, s11;
	s10 =	smax.u32 s12, $0x1  }
0xe: {  	s11 =	sshrl.u32 s13, $0x3;
	s12 =	simm.s32 $0x2;
	s13 =	simm.s32 $0x2C00  }
.LBB2_1:
0xf: {  	[spmem:s11], [sflag:s6] =	dma.local [hbm:s5], $0x2800  }
0x10: {  	_ =	swait.ge [sflag:s12], $0x2800  }
0x11: {  	[sflag:s12] =	ssyncset.done $0x0  }
0x12: {  	[sflag:s12] =	ssyncadd.s32 $0xFFFFD800  }
0x13: {  	[tilespmem:s3], [sflag:$0x2] =	stream.linear.gather [hbm4b:s7+s3], $0x2880, $0x38;
	[tilespmem:$0x1D800] =	vst v63  }
0x14: {  	_ =	swait.ge [sflag:s12], $0x2880  }
0x15: {  	[sflag:s12] =	ssyncset.done $0x0  }
0x16: {  	[sflag:s12] =	ssyncadd.s32 $0xFFFFD780  }
0x17: {  	[tilespmem:s13], [sflag:$0x2] =	stream.linear.gather [hbm4b:s8+s3], $0x2880, $0x38;
	[tilespmem:$0x1D800] =	vst v63  }
0x18: {  	_ =	swait.ge [sflag:s12], $0x2880  }
0x19: {  	[sflag:s12] =	ssyncset.done $0x0  }
0x1a: {  	[sflag:s12] =	ssyncadd.s32 $0xFFFFD780  }
0x1b: {  	s18 =	simm.s32 $0x0;
	[bflag:$0x0] =	sbarrier.arrive $0xFFFF  }
0x1c: {  	[tilespmem:s15], [sflag:$0x1] =	stream.indirect.gather [hbm4b:s4+s14], $0x80, s18, s14, $0xb8;
	[tilespmem:$0x1D800] =	vst v63  }
0x1d: {  	_ =	swait.ge [sflag:s16], $0x4000  }
0x1e: {  	[sflag:s16] =	ssyncset.done $0x0  }
0x1f: {  	s31 =	simm.s32 $0x2C00;
	[sflag:s16] =	ssyncadd.s32 $0xFFFFC000  }
0x20: {  	[spmem:s2] =	stream.indirect.scatter.add.f32 [tilespmem:s15], [sflag:$0x2], $0x80, s31, s14, $0xb8;
	[tilespmem:$0x1D800] =	vst v63  }
0x21: {  	_ =	swait.ge [sflag:s12], $0x4000  }
0x22: {  	s19 =	simm.s32 $0x400;
	s18 =	simm.s32 $0x200;
	[sflag:s12] =	ssyncset.done $0x0  }
.LBB2_2:
0x23: {  	s20 =	sshra.s32 s18, $0x2  }
0x24: {  	[sflag:s12] =	ssyncadd.s32 $0xFFFFC000;
	s18 =	smov.u32 s19;
	s21 =	sadd.s32 $0x200, s19  }
0x25: {  	[tilespmem:s15], [sflag:$0x1] =	stream.indirect.gather [hbm4b:s4+s14], $0x80, s20, s14, $0xb8;
	[tilespmem:$0x1D800] =	vst v63  }
0x26: {  	p0 =	sne.s32 s19, $0xA000;
	_ =	swait.ge [sflag:s16], $0x4000  }
.Ltmp0:
0x27: {  	[sflag:s16] =	ssyncset.done $0x0;
	(pc) =	sbr.rel @p0 .LBB2_2-.Ltmp0, $4  }
0x28: {  	s19 =	sadd.s32 $0x2C00, s20;
	[sflag:s16] =	ssyncadd.s32 $0xFFFFC000  }
0x29: {  	[spmem:s2] =	stream.indirect.scatter.add.f32 [tilespmem:s15], [sflag:$0x2], $0x80, s19, s14, $0xb8;
	[tilespmem:$0x1D800] =	vst v63  }
0x2a: {  	_ =	swait.ge [sflag:s12], $0x4000  }
0x2b: {  	s19 =	smov.u32 s21;
	[sflag:s12] =	ssyncset.done $0x0  }
0x2c: {  	s18 =	sshra.s32 s18, $0x2;
	[sflag:s12] =	ssyncadd.s32 $0xFFFFC000  }
0x2d: {  	[tilespmem:s15], [sflag:$0x1] =	stream.indirect.gather [hbm4b:s4+s14], $0x80, s18, s14, $0xb8;
	[tilespmem:$0x1D800] =	vst v63  }
0x2e: {  	_ =	swait.ge [sflag:s16], $0x4000  }
0x2f: {  	[sflag:s16] =	ssyncset.done $0x0  }
0x30: {  	s18 =	sadd.s32 $0x2C00, s18;
	[sflag:s16] =	ssyncadd.s32 $0xFFFFC000  }
0x31: {  	[spmem:s2] =	stream.indirect.scatter.add.f32 [tilespmem:s15], [sflag:$0x2], $0x80, s18, s14, $0xb8;
	[tilespmem:$0x1D800] =	vst v63  }
0x32: {  	_ =	swait.ge [sflag:s12], $0x4000  }
0x33: {  	s17 =	sadd.s32 $0x1, s17;
	[sflag:s12] =	ssyncset.done $0x0  }
0x34: {  	p0 =	sne.s32 s17, s10;
	[sflag:s12] =	ssyncadd.s32 $0xFFFFC000  }
.Ltmp1:
0x35: {  	[bflag:$0x0] =	sbarrier.arrive $0xFFFF;
	(pc) =	sbr.rel @p0 .LBB2_1-.Ltmp1, $4  }
0x36: {  	[hbm:s9], [sflag:s6] =	dma.local [spmem:s11], $0x2800  }
0x37: {  	_ =	swait.ge [sflag:s12], $0x2800  }
0x38: {  	[sflag:s12] =	ssyncset.done $0x0  }
0x39: {  	[sflag:s12] =	ssyncadd.s32 $0xFFFFD800  }
0x3a: {  	_ =	sfence.sel $0x180000  }
0x3b: {  	[bflag:$0x0] =	sbarrier.arrive $0xFFFF  }
0x3c: {  	p0 =	sne.s32 s0, $0x0;
	_ =	strace $0x9000004A  }
0x3d: {  	s0 =	sadd.s32 @!p0 $0x100000, s1;
	[bflag:$0x2] =	sbarrier.arrive $0xFFFF  }
0x3e: {  	[sflag:s0] =	ssyncadd.tile.s32 @!p0 $0x1;
	_ =	shalt  }
.Lfunc_end2:
_tile_overlayer_lowered:
.L_overlay_start_2:
0x3f: {  	(tag) =	ssettag $0x2  }
0x40: {  	s0 =	rddreg [dreg:$0x0];
	s2 =	stileid.u32  }
0x41: {  	s1 =	rddreg [dreg:$0x1];
	p0 =	sne.s32 s2, $0x0  }
0x42: {  	s3 =	rddreg [dreg:$0x2];
	[bflag:$0x3] =	sbarrier.arrive $0xFFFF;
	s2 =	simm.s32 @!p0 $0x1C02  }
0x43: {  	[timem:s3], [sflag:s2] =	dma.local @!p0 [hbm:s0], s1  }
0x44: {  	s0 =	simm.s32 @!p0 $0x2  }
0x45: {  	_ =	swait.ge @!p0 [sflag:s0], s1  }
0x46: {  	s1 =	ssub.s32 @!p0 $0x0, s1;
	[sflag:s0] =	ssyncset.done @!p0 $0x0  }
0x47: {  	[sflag:s0] =	ssyncadd.s32 @!p0 s1  }
0x48: {  	[bflag:$0x3] =	sbarrier.arrive $0xFFFF  }
0x49: {  	_ =	shalt  }

// kernel: kernel.23.cloned.1.call-start
scs
__scs_entry_jumppad:
0x0: {  	(pc) =	sbr.rel $0x88, $3  }
0x1: {  	(tag) =	ssettag $0x0;
	lr =	simm.s32 $0x1  }
0x2: {  	[smem:$0x3F92] =	sst lr;
	_ =	strace $0xD0000000  }
0x3: {  	_ = 	snop  }
0x4: {  	_ = 	snop  }
0x5: {  	_ = 	snop  }
0x6: {  	_ = 	snop  }
0x7: {  	_ = 	snop  }
__scs_overlays_trampoline_lowered:
0x8: {  	[smem:$0x3FA1] =	sst s0  }
0x9: {  	[smem:$0x3FA2] =	sst s1  }
0xa: {  	[smem:$0x3FA3] =	sst s2  }
0xb: {  	[smem:$0x3FA4] =	sst s3  }
0xc: {  	[smem:$0x3FA5] =	sst s4  }
0xd: {  	[smem:$0x3FA6] =	sst s5  }
0xe: {  	[smem:$0x3FA7] =	sst s6  }
0xf: {  	[smem:$0x3FA8] =	sst s7  }
0x10: {  	[smem:$0x3FA9] =	sst s8  }
0x11: {  	[smem:$0x3FAA] =	sst s9;
	s0 =	simm.s32 @!p0 $0x0  }
0x12: {  	s1 =	sld [smem:$0x3F90];
	s0 =	simm.s32 @p0 $0x1  }
0x13: {  	[smem:$0x3FAB] =	sst s0;
	s0 =	simm.s32 @!p1 $0x0  }
0x14: {  	s2 =	sld [smem:$0x3F8F];
	s0 =	simm.s32 @p1 $0x1  }
0x15: {  	[smem:$0x3FAC] =	sst s0;
	s0 =	simm.s32 @!p2 $0x0  }
0x16: {  	s3 =	sld [smem:$0x3FDB];
	s0 =	simm.s32 @p2 $0x1  }
0x17: {  	s4 =	simm.s32 $0x1BF5;
	[smem:$0x3FAE] =	sst s0  }
0x18: {  	s0 =	sld [smem:$0x3F91];
	_ =	swait.ge [sflag:s4], $0x0  }
0x19: {  	s7 =	sld [smem:$0x3F92]  }
0x1a: {  	s8 =	sadd.s32 $0xFFFFE003, lr  }
0x1b: {  	s9 =	sadd.s32 $0xFFFFFEF7, lr;
	s5 =	simm.s32 $0xFFFFFFFF;
	p2 =	slt.u32 s8, $0xFFFFF086  }
0x1c: {  	p1 =	slt.u32 s9, $0xF7A;
	s5 =	simm.s32 @!p2 $0x0  }
0x1d: {  	s5 =	simm.s32 @p1 $0x1;
	p0 =	seq.s32 s7, s2  }
0x1e: {  	s7 =	smul.u32 @!p0 $0xF7A, s2;
	p2 =	seq.s32 @!p0 s5, $0x0  }
0x1f: {  	s9 =	smul.u32 $0xF7A, s1;
	s8 =	simm.s32 @!p0 $0x1BF5;
	p2 =	por !p2, p0  }
0x20: {  	[sflag:s8] =	ssyncset.s32 @!p0 $0xFFFFF086;
	s6 =	sadd.s32 @!p0 s3, s7;
	s7 =	simm.s32 @!p0 $0x108  }
0x21: {  	s3 =	sadd.s32 s3, s9;
	s6 =	sadd.s32 @!p0 $0x88, s6;
	s7 =	simm.s32 @p2 $0x1082  }
0x22: {  	[simem:s7], [sflag:s8] =	dma.local @!p0 [hbm:s6], $0xF7A  }
0x23: {  	s9 =	sor.u32 $0xD0000000, s2;
	s6 =	simm.s32 $0x108;
	_ =	swait.ge @!p0 [sflag:s8], $0x0  }
0x24: {  	s3 =	sadd.s32 $0x88, s3;
	s6 =	simm.s32 @!p1 $0x1082;
	[sflag:s4] =	ssyncset.s32 $0xFFFFF086  }
0x25: {  	[simem:s6], [sflag:s4] =	dma.local [hbm:s3], $0xF7A  }
0x26: {  	[smem:$0x3F92] =	sst s1;
	(tag) =	ssettag s2;
	_ =	strace s9  }
0x27: {  	s1 =	sld [smem:$0x3FA2]  }
0x28: {  	s2 =	sld [smem:$0x3FA3]  }
0x29: {  	s4 =	sld [smem:$0x3FA5]  }
0x2a: {  	p0 =	seq.s32 s5, $0x0;
	s5 =	sld [smem:$0x3FA6]  }
0x2b: {  	s6 =	sld [smem:$0x3FA7]  }
0x2c: {  	s7 =	sld [smem:$0x3FA8]  }
0x2d: {  	s3 =	simm.s32 $0x108;
	s8 =	sld [smem:$0x3FA9]  }
0x2e: {  	s3 =	simm.s32 @!p0 $0x1082;
	s9 =	sld [smem:$0x3FAA]  }
0x2f: {  	lr =	sadd.s32 s0, s3;
	s0 =	sld [smem:$0x3FA1]  }
0x30: {  	s3 =	sld [smem:$0x3FA4]  }
0x31: {  	[smem:$0x3FAD] =	sst s10  }
0x32: {  	s10 =	sld [smem:$0x3FAB];
	_ =	sdelay $0x3  }
0x33: {  	p0 =	seq.s32 s10, $0x1;
	s10 =	sld [smem:$0x3FAD];
	_ =	sdelay $0x3  }
0x34: {  	[smem:$0x3FAD] =	sst s10  }
0x35: {  	s10 =	sld [smem:$0x3FAC];
	_ =	sdelay $0x3  }
0x36: {  	p1 =	seq.s32 s10, $0x1;
	s10 =	sld [smem:$0x3FAD];
	_ =	sdelay $0x3  }
0x37: {  	[smem:$0x3FAD] =	sst s10  }
0x38: {  	s10 =	sld [smem:$0x3FAE]  }
0x39: {  	_ = 	snop;
	(pc) =	sbr.ind lr, $3  }
0x3a: {  	_ = 	snop  }
0x3b: {  	_ = 	snop  }
0x3c: {  	p2 =	seq.s32 s10, $0x1;
	s10 =	sld [smem:$0x3FAD]  }
0x3d: {  	_ =	shalt  }
0x3e: {  	_ =	shalt  }
0x3f: {  	_ =	shalt  }
0x40: {  	_ =	shalt  }
0x41: {  	_ =	shalt  }
0x42: {  	_ =	shalt  }
0x43: {  	_ =	shalt  }
0x44: {  	_ =	shalt  }
0x45: {  	_ =	shalt  }
0x46: {  	_ =	shalt  }
0x47: {  	_ =	shalt  }
0x48: {  	_ =	shalt  }
0x49: {  	_ =	shalt  }
0x4a: {  	_ =	shalt  }
0x4b: {  	_ =	shalt  }
0x4c: {  	_ =	shalt  }
0x4d: {  	_ =	shalt  }
0x4e: {  	_ =	shalt  }
0x4f: {  	_ =	shalt  }
0x50: {  	_ =	shalt  }
0x51: {  	_ =	shalt  }
0x52: {  	_ =	shalt  }
0x53: {  	_ =	shalt  }
0x54: {  	_ =	shalt  }
0x55: {  	_ =	shalt  }
0x56: {  	_ =	shalt  }
0x57: {  	_ =	shalt  }
0x58: {  	_ =	shalt  }
0x59: {  	_ =	shalt  }
0x5a: {  	_ =	shalt  }
0x5b: {  	_ =	shalt  }
0x5c: {  	_ =	shalt  }
0x5d: {  	_ =	shalt  }
0x5e: {  	_ =	shalt  }
0x5f: {  	_ =	shalt  }
0x60: {  	_ =	shalt  }
0x61: {  	_ =	shalt  }
0x62: {  	_ =	shalt  }
0x63: {  	_ =	shalt  }
0x64: {  	_ =	shalt  }
0x65: {  	_ =	shalt  }
0x66: {  	_ =	shalt  }
0x67: {  	_ =	shalt  }
0x68: {  	_ =	shalt  }
0x69: {  	_ =	shalt  }
0x6a: {  	_ =	shalt  }
0x6b: {  	_ =	shalt  }
0x6c: {  	_ =	shalt  }
0x6d: {  	_ =	shalt  }
0x6e: {  	_ =	shalt  }
0x6f: {  	_ =	shalt  }
0x70: {  	_ =	shalt  }
0x71: {  	_ =	shalt  }
0x72: {  	_ =	shalt  }
0x73: {  	_ =	shalt  }
0x74: {  	_ =	shalt  }
0x75: {  	_ =	shalt  }
0x76: {  	_ =	shalt  }
0x77: {  	_ =	shalt  }
0x78: {  	_ =	shalt  }
0x79: {  	_ =	shalt  }
0x7a: {  	_ =	shalt  }
0x7b: {  	_ =	shalt  }
0x7c: {  	_ =	shalt  }
0x7d: {  	_ =	shalt  }
0x7e: {  	_ =	shalt  }
0x7f: {  	_ =	shalt  }
0x80: {  	_ =	shalt  }
0x81: {  	_ =	shalt  }
0x82: {  	_ =	shalt  }
0x83: {  	_ =	shalt  }
0x84: {  	_ =	shalt  }
0x85: {  	_ =	shalt  }
0x86: {  	_ =	shalt  }
0x87: {  	_ =	shalt  }
.Lfunc_end0:
.L_simem_size_0:
called_computation.2_lowered:
.L_overlay_start_0:
0x88: {  	s2 =	sld [smem:$0x3FD9]  }
0x89: {  	s3 =	sld [smem:$0x3FFE];
	_ =	sdelay $0x1  }
0x8a: {  	s1 =	srdreg.scid  }
0x8b: {  	s0 =	sand.u32 $0x1, s1  }
0x8c: {  	s16 =	sshll.u32 s0, $0xA;
	s2 =	sadd.s32 s3, s2  }
0x8d: {  	s2 =	sadd.s32 s2, s16  }
0x8e: {  	[smem:$0x3FB9] =	sst s2  }
0x8f: {  	_ = 	snop  }
0x90: {  	(tm) =	ssettm $0x1  }
0x91: {  	s17 =	sld [smem:$0x3FFB];
	_ =	sdelay $0x3  }
0x92: {  	_ =	strace s17  }
0x93: {  	s2 =	sld [smem:$0x3FFC];
	_ =	sdelay $0x3  }
0x94: {  	_ =	strace s2  }
0x95: {  	s2 =	sld [smem:$0x3FFD];
	_ =	sdelay $0x3  }
0x96: {  	_ =	strace s2  }
0x97: {  	_ =	strace $0x8FFFFFFF  }
0x98: {  	s18 =	sld [smem:$0x3FDB];
	_ =	sdelay $0x1  }
0x99: {  	s19 =	simm.s32 $_scs_section_size  }
0x9a: {  	s4 =	simm.s32 $_size__tile_overlayer_lowered;
	s5 =	simm.s32 $_tile_overlayer_lowered  }
0x9b: {  	s22 =	simm.s32 $0x1BFF;
	s21 =	sshll.u32 s5, $0x1;
	s2 =	sadd.s32 s19, s18  }
0x9c: {  	s6 =	simm.s32 $0x0;
	s20 =	sshll.u32 s4, $0x1;
	s4 =	sadd.s32 s21, s2  }
0x9d: {  	[timem:s6], [sflag:s22] =	dma.local [hbm:s4], s20  }
0x9e: {  	_ =	swait.ge [sflag:s22], s20  }
0x9f: {  	s3 =	ssub.s32 $0x0, s20;
	[sflag:s22] =	ssyncset.done $0x0  }
0xa0: {  	[sflag:s22] =	ssyncadd.s32 s3;
	_ =	sdelay $0x1  }
0xa1: {  	s23 =	simm.s32 $0x1B8B  }
0xa2: {  	_ =	swait.ge [sflag:s23], $0x1  }
0xa3: {  	[sflag:s23] =	ssyncset.done $0x0  }
0xa4: {  	s25 =	simm.s32 $0x1B8E;
	s24 =	sld [smem:$0x3FFE];
	[sflag:s23] =	ssyncadd.s32 $0xFFFFFFFF  }
0xa5: {  	s26 =	simm.s32 $execute0_lowered;
	[smem:$0x3FD2] =	sst s25  }
0xa6: {  	s4 =	sshll.u32 s26, $0x1;
	_ =	strace $0x8000004C;
	[dreg:$0x1] =	wrdreg $0xFFFFFFFF  }
0xa7: {  	s28 =	simm.s32 $_size_execute0_lowered;
	s2 =	sadd.s32 s2, s4;
	[dreg:$0x0] =	wrdreg $0x0  }
0xa8: {  	s4 =	sshll.u32 s28, $0x1;
	[dreg:$0x2] =	wrdreg s2  }
0xa9: {  	[dreg:$0x3] =	wrdreg s4  }
0xaa: {  	[dreg:$0x4] =	wrdreg $0xC0  }
0xab: {  	_ =	task [dreg:s6], $0x5FFFF  }
0xac: {  	[dreg:$0x1] =	wrdreg $0xFFFFFFFF  }
0xad: {  	[dreg:$0x0] =	wrdreg $0x60  }
0xae: {  	[dreg:$0x2] =	wrdreg s24  }
0xaf: {  	[dreg:$0x3] =	wrdreg $0x98000  }
0xb0: {  	[dreg:$0x4] =	wrdreg $0x9  }
0xb1: {  	_ =	task.clear_ibuf [dreg:s6], $0x5FFFF;
	_ =	strace $0x9000004C  }
0xb2: {  	s29 =	simm.s32 $0x9;
	_ =	strace $0x8000004E  }
0xb3: {  	_ =	swait.ge [sflag:s29], $0x1  }
0xb4: {  	[sflag:s29] =	ssyncadd.s32 $0xFFFFFFFF  }
0xb5: {  	_ =	strace $0x9000004E  }
0xb6: {  	_ =	sfence  }
0xb7: {  	s30 =	sld [smem:$0x0];
	_ =	sdelay $0x2  }
0xb8: {  	s31 =	sshll.u32 s1, $0xD;
	s1 =	sshrl.u32 s1, $0x2  }
0xb9: {  	s3 =	sand.u32 $0x4000, s31;
	s1 =	sadd.s32 s1, s30  }
0xba: {  	s0 =	sor.u32 s3, s0;
	s1 =	sshll.u32 s1, $0x11  }
0xbb: {  	s0 =	sor.u32 s1, s0  }
0xbc: {  	s0 =	sadd.s32 $0x8F2B, s0  }
0xbd: {  	[sflag:s0] =	ssyncadd.remote.s32 $0x1  }
0xbe: {  	_ =	sfence.sel $0xFFFF  }
0xbf: {  	[dreg:$0x0] =	wrdreg $0xFFFFFFFF;
	(pc) =	sbr.abs _section_cstart, $3  }
0xc0: {  	[dreg:$0x1] =	wrdreg $0xFFFFFFFF  }
0xc1: {  	_ =	task.clear_ibuf [dreg:s6], $0x2FFFF;
	_ =	strace $0x9FFFFFFF  }
0xc2: {  	(tm) =	ssettm $0x7FFFFFFF  }
0xc3: {  	_ =	shalt  }
tec
execute0_lowered:
.L_overlay_start_1:
0x0: {  	(tag) =	ssettag $0x1  }
0x1: {  	s7 =	rddreg [dreg:$0x0]  }
0x2: {  	s0 =	srdreg.scid;
	s2 =	rddreg [dreg:$0x1]  }
0x3: {  	s3 =	simm.s32 $0x0;
	s14 =	simm.s32 $0x80;
	s15 =	simm.s32 $0x5800  }
0x4: {  	s16 =	simm.s32 $0x1;
	s6 =	sand.u32 $0x1, s0;
	s0 =	stileid.u32  }
0x5: {  	s17 =	simm.s32 $0x0;
	[smem:$0x7FF] =	sst s3;
	s8 =	smul.u32 $0x140000, s6  }
0x6: {  	s4 =	sadd.s32 $0x6D200, s7;
	s1 =	sshll.u32 s6, $0x4;
	s9 =	smul.u32 $0x14000, s0  }
0x7: {  	s28 =	smul.u32 $0x50000, s0;
	s6 =	ssub.s32 $0x2, s6;
	s1 =	sor.u32 s0, s1  }
0x8: {  	s31 =	sshll.u32 s0, $0x6;
	s29 =	sshrl.u32 s6, $0x1;
	s5 =	smul.u32 $0x580, s1  }
0x9: {  	s1 =	rddreg [dreg:$0x2];
	_ =	strace $0x8000004D;
	s8 =	sadd.s32 s9, s8  }
0xa: {  	s30 =	sshrl.u32 s28, $0x2;
	s12 =	ssub.s32 s6, s29;
	s6 =	sor.u32 $0x1C02, s31  }
0xb: {  	s8 =	sshrl.u32 s8, $0x3;
	s13 =	sadd.s32 s30, s2;
	s10 =	sadd.s32 s5, s7  }
0xc: {  	s5 =	sadd.s32 $0xFA00, s7;
	s11 =	sadd.s32 s8, s7;
	s7 =	sadd.s32 $0x62200, s10  }
0xd: {  	s8 =	sadd.s32 $0x4A00, s10;
	s9 =	sadd.s32 $0x94400, s11;
	s10 =	smax.u32 s12, $0x1  }
0xe: {  	s11 =	sshrl.u32 s13, $0x3;
	s12 =	simm.s32 $0x2;
	s13 =	simm.s32 $0x2C00  }
.LBB2_1:
0xf: {  	[spmem:s11], [sflag:s6] =	dma.local [hbm:s5], $0x2800  }
0x10: {  	_ =	swait.ge [sflag:s12], $0x2800  }
0x11: {  	[sflag:s12] =	ssyncset.done $0x0  }
0x12: {  	[sflag:s12] =	ssyncadd.s32 $0xFFFFD800  }
0x13: {  	[tilespmem:s3], [sflag:$0x2] =	stream.linear.gather [hbm4b:s7+s3], $0x2880, $0x38;
	[tilespmem:$0x1D800] =	vst v63  }
0x14: {  	_ =	swait.ge [sflag:s12], $0x2880  }
0x15: {  	[sflag:s12] =	ssyncset.done $0x0  }
0x16: {  	[sflag:s12] =	ssyncadd.s32 $0xFFFFD780  }
0x17: {  	[tilespmem:s13], [sflag:$0x2] =	stream.linear.gather [hbm4b:s8+s3], $0x2880, $0x38;
	[tilespmem:$0x1D800] =	vst v63  }
0x18: {  	_ =	swait.ge [sflag:s12], $0x2880  }
0x19: {  	[sflag:s12] =	ssyncset.done $0x0  }
0x1a: {  	[sflag:s12] =	ssyncadd.s32 $0xFFFFD780  }
0x1b: {  	s18 =	simm.s32 $0x0;
	[bflag:$0x0] =	sbarrier.arrive $0xFFFF  }
0x1c: {  	[tilespmem:s15], [sflag:$0x1] =	stream.indirect.gather [hbm4b:s4+s14], $0x80, s18, s14, $0xb8;
	[tilespmem:$0x1D800] =	vst v63  }
0x1d: {  	_ =	swait.ge [sflag:s16], $0x4000  }
0x1e: {  	[sflag:s16] =	ssyncset.done $0x0  }
0x1f: {  	s31 =	simm.s32 $0x2C00;
	[sflag:s16] =	ssyncadd.s32 $0xFFFFC000  }
0x20: {  	[spmem:s2] =	stream.indirect.scatter.add.f32 [tilespmem:s15], [sflag:$0x2], $0x80, s31, s14, $0xb8;
	[tilespmem:$0x1D800] =	vst v63  }
0x21: {  	_ =	swait.ge [sflag:s12], $0x4000  }
0x22: {  	s19 =	simm.s32 $0x400;
	s18 =	simm.s32 $0x200;
	[sflag:s12] =	ssyncset.done $0x0  }
.LBB2_2:
0x23: {  	s20 =	sshra.s32 s18, $0x2  }
0x24: {  	[sflag:s12] =	ssyncadd.s32 $0xFFFFC000;
	s18 =	smov.u32 s19;
	s21 =	sadd.s32 $0x200, s19  }
0x25: {  	[tilespmem:s15], [sflag:$0x1] =	stream.indirect.gather [hbm4b:s4+s14], $0x80, s20, s14, $0xb8;
	[tilespmem:$0x1D800] =	vst v63  }
0x26: {  	p0 =	sne.s32 s19, $0xA000;
	_ =	swait.ge [sflag:s16], $0x4000  }
.Ltmp0:
0x27: {  	[sflag:s16] =	ssyncset.done $0x0;
	(pc) =	sbr.rel @p0 .LBB2_2-.Ltmp0, $4  }
0x28: {  	s19 =	sadd.s32 $0x2C00, s20;
	[sflag:s16] =	ssyncadd.s32 $0xFFFFC000  }
0x29: {  	[spmem:s2] =	stream.indirect.scatter.add.f32 [tilespmem:s15], [sflag:$0x2], $0x80, s19, s14, $0xb8;
	[tilespmem:$0x1D800] =	vst v63  }
0x2a: {  	_ =	swait.ge [sflag:s12], $0x4000  }
0x2b: {  	s19 =	smov.u32 s21;
	[sflag:s12] =	ssyncset.done $0x0  }
0x2c: {  	s18 =	sshra.s32 s18, $0x2;
	[sflag:s12] =	ssyncadd.s32 $0xFFFFC000  }
0x2d: {  	[tilespmem:s15], [sflag:$0x1] =	stream.indirect.gather [hbm4b:s4+s14], $0x80, s18, s14, $0xb8;
	[tilespmem:$0x1D800] =	vst v63  }
0x2e: {  	_ =	swait.ge [sflag:s16], $0x4000  }
0x2f: {  	[sflag:s16] =	ssyncset.done $0x0  }
0x30: {  	s18 =	sadd.s32 $0x2C00, s18;
	[sflag:s16] =	ssyncadd.s32 $0xFFFFC000  }
0x31: {  	[spmem:s2] =	stream.indirect.scatter.add.f32 [tilespmem:s15], [sflag:$0x2], $0x80, s18, s14, $0xb8;
	[tilespmem:$0x1D800] =	vst v63  }
0x32: {  	_ =	swait.ge [sflag:s12], $0x4000  }
0x33: {  	s17 =	sadd.s32 $0x1, s17;
	[sflag:s12] =	ssyncset.done $0x0  }
0x34: {  	p0 =	sne.s32 s17, s10;
	[sflag:s12] =	ssyncadd.s32 $0xFFFFC000  }
.Ltmp1:
0x35: {  	[bflag:$0x0] =	sbarrier.arrive $0xFFFF;
	(pc) =	sbr.rel @p0 .LBB2_1-.Ltmp1, $4  }
0x36: {  	[hbm:s9], [sflag:s6] =	dma.local [spmem:s11], $0x2800  }
0x37: {  	_ =	swait.ge [sflag:s12], $0x2800  }
0x38: {  	[sflag:s12] =	ssyncset.done $0x0  }
0x39: {  	[sflag:s12] =	ssyncadd.s32 $0xFFFFD800  }
0x3a: {  	_ =	sfence.sel $0x180000  }
0x3b: {  	[bflag:$0x0] =	sbarrier.arrive $0xFFFF  }
0x3c: {  	p0 =	sne.s32 s0, $0x0;
	_ =	strace $0x9000004D  }
0x3d: {  	s0 =	sadd.s32 @!p0 $0x100000, s1;
	[bflag:$0x2] =	sbarrier.arrive $0xFFFF  }
0x3e: {  	[sflag:s0] =	ssyncadd.tile.s32 @!p0 $0x1;
	_ =	shalt  }
.Lfunc_end2:
_tile_overlayer_lowered:
.L_overlay_start_2:
0x3f: {  	(tag) =	ssettag $0x2  }
0x40: {  	s0 =	rddreg [dreg:$0x0];
	s2 =	stileid.u32  }
0x41: {  	s1 =	rddreg [dreg:$0x1];
	p0 =	sne.s32 s2, $0x0  }
0x42: {  	s3 =	rddreg [dreg:$0x2];
	[bflag:$0x3] =	sbarrier.arrive $0xFFFF;
	s2 =	simm.s32 @!p0 $0x1C02  }
0x43: {  	[timem:s3], [sflag:s2] =	dma.local @!p0 [hbm:s0], s1  }
0x44: {  	s0 =	simm.s32 @!p0 $0x2  }
0x45: {  	_ =	swait.ge @!p0 [sflag:s0], s1  }
0x46: {  	s1 =	ssub.s32 @!p0 $0x0, s1;
	[sflag:s0] =	ssyncset.done @!p0 $0x0  }
0x47: {  	[sflag:s0] =	ssyncadd.s32 @!p0 s1  }
0x48: {  	[bflag:$0x3] =	sbarrier.arrive $0xFFFF  }
0x49: {  	_ =	shalt  }

// kernel: kernel.26.cloned.1.call-start
scs
__scs_entry_jumppad:
0x0: {  	(pc) =	sbr.rel $0x88, $3  }
0x1: {  	(tag) =	ssettag $0x0;
	lr =	simm.s32 $0x1  }
0x2: {  	[smem:$0x3F92] =	sst lr;
	_ =	strace $0xD0000000  }
0x3: {  	_ = 	snop  }
0x4: {  	_ = 	snop  }
0x5: {  	_ = 	snop  }
0x6: {  	_ = 	snop  }
0x7: {  	_ = 	snop  }
__scs_overlays_trampoline_lowered:
0x8: {  	[smem:$0x3FA1] =	sst s0  }
0x9: {  	[smem:$0x3FA2] =	sst s1  }
0xa: {  	[smem:$0x3FA3] =	sst s2  }
0xb: {  	[smem:$0x3FA4] =	sst s3  }
0xc: {  	[smem:$0x3FA5] =	sst s4  }
0xd: {  	[smem:$0x3FA6] =	sst s5  }
0xe: {  	[smem:$0x3FA7] =	sst s6  }
0xf: {  	[smem:$0x3FA8] =	sst s7  }
0x10: {  	[smem:$0x3FA9] =	sst s8  }
0x11: {  	[smem:$0x3FAA] =	sst s9;
	s0 =	simm.s32 @!p0 $0x0  }
0x12: {  	s1 =	sld [smem:$0x3F90];
	s0 =	simm.s32 @p0 $0x1  }
0x13: {  	[smem:$0x3FAB] =	sst s0;
	s0 =	simm.s32 @!p1 $0x0  }
0x14: {  	s2 =	sld [smem:$0x3F8F];
	s0 =	simm.s32 @p1 $0x1  }
0x15: {  	[smem:$0x3FAC] =	sst s0;
	s0 =	simm.s32 @!p2 $0x0  }
0x16: {  	s3 =	sld [smem:$0x3FDB];
	s0 =	simm.s32 @p2 $0x1  }
0x17: {  	s4 =	simm.s32 $0x1BF5;
	[smem:$0x3FAE] =	sst s0  }
0x18: {  	s0 =	sld [smem:$0x3F91];
	_ =	swait.ge [sflag:s4], $0x0  }
0x19: {  	s7 =	sld [smem:$0x3F92]  }
0x1a: {  	s8 =	sadd.s32 $0xFFFFE003, lr  }
0x1b: {  	s9 =	sadd.s32 $0xFFFFFEF7, lr;
	s5 =	simm.s32 $0xFFFFFFFF;
	p2 =	slt.u32 s8, $0xFFFFF086  }
0x1c: {  	p1 =	slt.u32 s9, $0xF7A;
	s5 =	simm.s32 @!p2 $0x0  }
0x1d: {  	s5 =	simm.s32 @p1 $0x1;
	p0 =	seq.s32 s7, s2  }
0x1e: {  	s7 =	smul.u32 @!p0 $0xF7A, s2;
	p2 =	seq.s32 @!p0 s5, $0x0  }
0x1f: {  	s9 =	smul.u32 $0xF7A, s1;
	s8 =	simm.s32 @!p0 $0x1BF5;
	p2 =	por !p2, p0  }
0x20: {  	[sflag:s8] =	ssyncset.s32 @!p0 $0xFFFFF086;
	s6 =	sadd.s32 @!p0 s3, s7;
	s7 =	simm.s32 @!p0 $0x108  }
0x21: {  	s3 =	sadd.s32 s3, s9;
	s6 =	sadd.s32 @!p0 $0x88, s6;
	s7 =	simm.s32 @p2 $0x1082  }
0x22: {  	[simem:s7], [sflag:s8] =	dma.local @!p0 [hbm:s6], $0xF7A  }
0x23: {  	s9 =	sor.u32 $0xD0000000, s2;
	s6 =	simm.s32 $0x108;
	_ =	swait.ge @!p0 [sflag:s8], $0x0  }
0x24: {  	s3 =	sadd.s32 $0x88, s3;
	s6 =	simm.s32 @!p1 $0x1082;
	[sflag:s4] =	ssyncset.s32 $0xFFFFF086  }
0x25: {  	[simem:s6], [sflag:s4] =	dma.local [hbm:s3], $0xF7A  }
0x26: {  	[smem:$0x3F92] =	sst s1;
	(tag) =	ssettag s2;
	_ =	strace s9  }
0x27: {  	s1 =	sld [smem:$0x3FA2]  }
0x28: {  	s2 =	sld [smem:$0x3FA3]  }
0x29: {  	s4 =	sld [smem:$0x3FA5]  }
0x2a: {  	p0 =	seq.s32 s5, $0x0;
	s5 =	sld [smem:$0x3FA6]  }
0x2b: {  	s6 =	sld [smem:$0x3FA7]  }
0x2c: {  	s7 =	sld [smem:$0x3FA8]  }
0x2d: {  	s3 =	simm.s32 $0x108;
	s8 =	sld [smem:$0x3FA9]  }
0x2e: {  	s3 =	simm.s32 @!p0 $0x1082;
	s9 =	sld [smem:$0x3FAA]  }
0x2f: {  	lr =	sadd.s32 s0, s3;
	s0 =	sld [smem:$0x3FA1]  }
0x30: {  	s3 =	sld [smem:$0x3FA4]  }
0x31: {  	[smem:$0x3FAD] =	sst s10  }
0x32: {  	s10 =	sld [smem:$0x3FAB];
	_ =	sdelay $0x3  }
0x33: {  	p0 =	seq.s32 s10, $0x1;
	s10 =	sld [smem:$0x3FAD];
	_ =	sdelay $0x3  }
0x34: {  	[smem:$0x3FAD] =	sst s10  }
0x35: {  	s10 =	sld [smem:$0x3FAC];
	_ =	sdelay $0x3  }
0x36: {  	p1 =	seq.s32 s10, $0x1;
	s10 =	sld [smem:$0x3FAD];
	_ =	sdelay $0x3  }
0x37: {  	[smem:$0x3FAD] =	sst s10  }
0x38: {  	s10 =	sld [smem:$0x3FAE]  }
0x39: {  	_ = 	snop;
	(pc) =	sbr.ind lr, $3  }
0x3a: {  	_ = 	snop  }
0x3b: {  	_ = 	snop  }
0x3c: {  	p2 =	seq.s32 s10, $0x1;
	s10 =	sld [smem:$0x3FAD]  }
0x3d: {  	_ =	shalt  }
0x3e: {  	_ =	shalt  }
0x3f: {  	_ =	shalt  }
0x40: {  	_ =	shalt  }
0x41: {  	_ =	shalt  }
0x42: {  	_ =	shalt  }
0x43: {  	_ =	shalt  }
0x44: {  	_ =	shalt  }
0x45: {  	_ =	shalt  }
0x46: {  	_ =	shalt  }
0x47: {  	_ =	shalt  }
0x48: {  	_ =	shalt  }
0x49: {  	_ =	shalt  }
0x4a: {  	_ =	shalt  }
0x4b: {  	_ =	shalt  }
0x4c: {  	_ =	shalt  }
0x4d: {  	_ =	shalt  }
0x4e: {  	_ =	shalt  }
0x4f: {  	_ =	shalt  }
0x50: {  	_ =	shalt  }
0x51: {  	_ =	shalt  }
0x52: {  	_ =	shalt  }
0x53: {  	_ =	shalt  }
0x54: {  	_ =	shalt  }
0x55: {  	_ =	shalt  }
0x56: {  	_ =	shalt  }
0x57: {  	_ =	shalt  }
0x58: {  	_ =	shalt  }
0x59: {  	_ =	shalt  }
0x5a: {  	_ =	shalt  }
0x5b: {  	_ =	shalt  }
0x5c: {  	_ =	shalt  }
0x5d: {  	_ =	shalt  }
0x5e: {  	_ =	shalt  }
0x5f: {  	_ =	shalt  }
0x60: {  	_ =	shalt  }
0x61: {  	_ =	shalt  }
0x62: {  	_ =	shalt  }
0x63: {  	_ =	shalt  }
0x64: {  	_ =	shalt  }
0x65: {  	_ =	shalt  }
0x66: {  	_ =	shalt  }
0x67: {  	_ =	shalt  }
0x68: {  	_ =	shalt  }
0x69: {  	_ =	shalt  }
0x6a: {  	_ =	shalt  }
0x6b: {  	_ =	shalt  }
0x6c: {  	_ =	shalt  }
0x6d: {  	_ =	shalt  }
0x6e: {  	_ =	shalt  }
0x6f: {  	_ =	shalt  }
0x70: {  	_ =	shalt  }
0x71: {  	_ =	shalt  }
0x72: {  	_ =	shalt  }
0x73: {  	_ =	shalt  }
0x74: {  	_ =	shalt  }
0x75: {  	_ =	shalt  }
0x76: {  	_ =	shalt  }
0x77: {  	_ =	shalt  }
0x78: {  	_ =	shalt  }
0x79: {  	_ =	shalt  }
0x7a: {  	_ =	shalt  }
0x7b: {  	_ =	shalt  }
0x7c: {  	_ =	shalt  }
0x7d: {  	_ =	shalt  }
0x7e: {  	_ =	shalt  }
0x7f: {  	_ =	shalt  }
0x80: {  	_ =	shalt  }
0x81: {  	_ =	shalt  }
0x82: {  	_ =	shalt  }
0x83: {  	_ =	shalt  }
0x84: {  	_ =	shalt  }
0x85: {  	_ =	shalt  }
0x86: {  	_ =	shalt  }
0x87: {  	_ =	shalt  }
.Lfunc_end0:
.L_simem_size_0:
called_computation.3_lowered:
.L_overlay_start_0:
0x88: {  	s2 =	sld [smem:$0x3FD9]  }
0x89: {  	s3 =	sld [smem:$0x3FFE];
	_ =	sdelay $0x1  }
0x8a: {  	s1 =	srdreg.scid  }
0x8b: {  	s0 =	sand.u32 $0x1, s1  }
0x8c: {  	s16 =	sshll.u32 s0, $0xA;
	s2 =	sadd.s32 s3, s2  }
0x8d: {  	s2 =	sadd.s32 s2, s16  }
0x8e: {  	[smem:$0x3FB9] =	sst s2  }
0x8f: {  	_ = 	snop  }
0x90: {  	(tm) =	ssettm $0x1  }
0x91: {  	s17 =	sld [smem:$0x3FFB];
	_ =	sdelay $0x3  }
0x92: {  	_ =	strace s17  }
0x93: {  	s2 =	sld [smem:$0x3FFC];
	_ =	sdelay $0x3  }
0x94: {  	_ =	strace s2  }
0x95: {  	s2 =	sld [smem:$0x3FFD];
	_ =	sdelay $0x3  }
0x96: {  	_ =	strace s2  }
0x97: {  	_ =	strace $0x8FFFFFFF  }
0x98: {  	s18 =	sld [smem:$0x3FDB];
	_ =	sdelay $0x1  }
0x99: {  	s19 =	simm.s32 $_scs_section_size  }
0x9a: {  	s4 =	simm.s32 $_size__tile_overlayer_lowered;
	s5 =	simm.s32 $_tile_overlayer_lowered  }
0x9b: {  	s22 =	simm.s32 $0x1BFF;
	s21 =	sshll.u32 s5, $0x1;
	s2 =	sadd.s32 s19, s18  }
0x9c: {  	s6 =	simm.s32 $0x0;
	s20 =	sshll.u32 s4, $0x1;
	s4 =	sadd.s32 s21, s2  }
0x9d: {  	[timem:s6], [sflag:s22] =	dma.local [hbm:s4], s20  }
0x9e: {  	_ =	swait.ge [sflag:s22], s20  }
0x9f: {  	s3 =	ssub.s32 $0x0, s20;
	[sflag:s22] =	ssyncset.done $0x0  }
0xa0: {  	[sflag:s22] =	ssyncadd.s32 s3;
	_ =	sdelay $0x1  }
0xa1: {  	s23 =	simm.s32 $0x1B8B  }
0xa2: {  	_ =	swait.ge [sflag:s23], $0x1  }
0xa3: {  	[sflag:s23] =	ssyncset.done $0x0  }
0xa4: {  	s25 =	simm.s32 $0x1B8E;
	s24 =	sld [smem:$0x3FFE];
	[sflag:s23] =	ssyncadd.s32 $0xFFFFFFFF  }
0xa5: {  	s26 =	simm.s32 $execute0_lowered;
	[smem:$0x3FD2] =	sst s25  }
0xa6: {  	s4 =	sshll.u32 s26, $0x1;
	_ =	strace $0x8000004F;
	[dreg:$0x1] =	wrdreg $0xFFFFFFFF  }
0xa7: {  	s28 =	simm.s32 $_size_execute0_lowered;
	s2 =	sadd.s32 s2, s4;
	[dreg:$0x0] =	wrdreg $0x0  }
0xa8: {  	s4 =	sshll.u32 s28, $0x1;
	[dreg:$0x2] =	wrdreg s2  }
0xa9: {  	[dreg:$0x3] =	wrdreg s4  }
0xaa: {  	[dreg:$0x4] =	wrdreg $0xC0  }
0xab: {  	_ =	task [dreg:s6], $0x5FFFF  }
0xac: {  	[dreg:$0x1] =	wrdreg $0xFFFFFFFF  }
0xad: {  	[dreg:$0x0] =	wrdreg $0x60  }
0xae: {  	[dreg:$0x2] =	wrdreg s24  }
0xaf: {  	[dreg:$0x3] =	wrdreg $0x98000  }
0xb0: {  	[dreg:$0x4] =	wrdreg $0x9  }
0xb1: {  	_ =	task.clear_ibuf [dreg:s6], $0x5FFFF;
	_ =	strace $0x9000004F  }
0xb2: {  	s29 =	simm.s32 $0x9;
	_ =	strace $0x80000051  }
0xb3: {  	_ =	swait.ge [sflag:s29], $0x1  }
0xb4: {  	[sflag:s29] =	ssyncadd.s32 $0xFFFFFFFF  }
0xb5: {  	_ =	strace $0x90000051  }
0xb6: {  	_ =	sfence  }
0xb7: {  	s30 =	sld [smem:$0x0];
	_ =	sdelay $0x2  }
0xb8: {  	s31 =	sshll.u32 s1, $0xD;
	s1 =	sshrl.u32 s1, $0x2  }
0xb9: {  	s3 =	sand.u32 $0x4000, s31;
	s1 =	sadd.s32 s1, s30  }
0xba: {  	s0 =	sor.u32 s3, s0;
	s1 =	sshll.u32 s1, $0x11  }
0xbb: {  	s0 =	sor.u32 s1, s0  }
0xbc: {  	s0 =	sadd.s32 $0x8F2B, s0  }
0xbd: {  	[sflag:s0] =	ssyncadd.remote.s32 $0x1  }
0xbe: {  	_ =	sfence.sel $0xFFFF  }
0xbf: {  	[dreg:$0x0] =	wrdreg $0xFFFFFFFF;
	(pc) =	sbr.abs _section_cstart, $3  }
0xc0: {  	[dreg:$0x1] =	wrdreg $0xFFFFFFFF  }
0xc1: {  	_ =	task.clear_ibuf [dreg:s6], $0x2FFFF;
	_ =	strace $0x9FFFFFFF  }
0xc2: {  	(tm) =	ssettm $0x7FFFFFFF  }
0xc3: {  	_ =	shalt  }
tec
execute0_lowered:
.L_overlay_start_1:
0x0: {  	(tag) =	ssettag $0x1  }
0x1: {  	s7 =	rddreg [dreg:$0x0]  }
0x2: {  	s0 =	srdreg.scid;
	s2 =	rddreg [dreg:$0x1]  }
0x3: {  	s3 =	simm.s32 $0x0;
	s14 =	simm.s32 $0x80;
	s15 =	simm.s32 $0x5800  }
0x4: {  	s16 =	simm.s32 $0x1;
	s6 =	sand.u32 $0x1, s0;
	s0 =	stileid.u32  }
0x5: {  	s17 =	simm.s32 $0x0;
	[smem:$0x7FF] =	sst s3;
	s8 =	smul.u32 $0x140000, s6  }
0x6: {  	s4 =	sadd.s32 $0x6D200, s7;
	s1 =	sshll.u32 s6, $0x4;
	s9 =	smul.u32 $0x14000, s0  }
0x7: {  	s28 =	smul.u32 $0x50000, s0;
	s6 =	ssub.s32 $0x2, s6;
	s1 =	sor.u32 s0, s1  }
0x8: {  	s31 =	sshll.u32 s0, $0x6;
	s29 =	sshrl.u32 s6, $0x1;
	s5 =	smul.u32 $0x580, s1  }
0x9: {  	s1 =	rddreg [dreg:$0x2];
	_ =	strace $0x80000050;
	s8 =	sadd.s32 s9, s8  }
0xa: {  	s30 =	sshrl.u32 s28, $0x2;
	s12 =	ssub.s32 s6, s29;
	s6 =	sor.u32 $0x1C02, s31  }
0xb: {  	s8 =	sshrl.u32 s8, $0x3;
	s13 =	sadd.s32 s30, s2;
	s10 =	sadd.s32 s5, s7  }
0xc: {  	s5 =	sadd.s32 $0xFA00, s7;
	s11 =	sadd.s32 s8, s7;
	s7 =	sadd.s32 $0x62200, s10  }
0xd: {  	s8 =	sadd.s32 $0x4A00, s10;
	s9 =	sadd.s32 $0x94400, s11;
	s10 =	smax.u32 s12, $0x1  }
0xe: {  	s11 =	sshrl.u32 s13, $0x3;
	s12 =	simm.s32 $0x2;
	s13 =	simm.s32 $0x2C00  }
.LBB2_1:
0xf: {  	[spmem:s11], [sflag:s6] =	dma.local [hbm:s5], $0x2800  }
0x10: {  	_ =	swait.ge [sflag:s12], $0x2800  }
0x11: {  	[sflag:s12] =	ssyncset.done $0x0  }
0x12: {  	[sflag:s12] =	ssyncadd.s32 $0xFFFFD800  }
0x13: {  	[tilespmem:s3], [sflag:$0x2] =	stream.linear.gather [hbm4b:s7+s3], $0x2880, $0x38;
	[tilespmem:$0x1D800] =	vst v63  }
0x14: {  	_ =	swait.ge [sflag:s12], $0x2880  }
0x15: {  	[sflag:s12] =	ssyncset.done $0x0  }
0x16: {  	[sflag:s12] =	ssyncadd.s32 $0xFFFFD780  }
0x17: {  	[tilespmem:s13], [sflag:$0x2] =	stream.linear.gather [hbm4b:s8+s3], $0x2880, $0x38;
	[tilespmem:$0x1D800] =	vst v63  }
0x18: {  	_ =	swait.ge [sflag:s12], $0x2880  }
0x19: {  	[sflag:s12] =	ssyncset.done $0x0  }
0x1a: {  	[sflag:s12] =	ssyncadd.s32 $0xFFFFD780  }
0x1b: {  	s18 =	simm.s32 $0x0;
	[bflag:$0x0] =	sbarrier.arrive $0xFFFF  }
0x1c: {  	[tilespmem:s15], [sflag:$0x1] =	stream.indirect.gather [hbm4b:s4+s14], $0x80, s18, s14, $0xb8;
	[tilespmem:$0x1D800] =	vst v63  }
0x1d: {  	_ =	swait.ge [sflag:s16], $0x4000  }
0x1e: {  	[sflag:s16] =	ssyncset.done $0x0  }
0x1f: {  	s31 =	simm.s32 $0x2C00;
	[sflag:s16] =	ssyncadd.s32 $0xFFFFC000  }
0x20: {  	[spmem:s2] =	stream.indirect.scatter.add.f32 [tilespmem:s15], [sflag:$0x2], $0x80, s31, s14, $0xb8;
	[tilespmem:$0x1D800] =	vst v63  }
0x21: {  	_ =	swait.ge [sflag:s12], $0x4000  }
0x22: {  	s19 =	simm.s32 $0x400;
	s18 =	simm.s32 $0x200;
	[sflag:s12] =	ssyncset.done $0x0  }
.LBB2_2:
0x23: {  	s20 =	sshra.s32 s18, $0x2  }
0x24: {  	[sflag:s12] =	ssyncadd.s32 $0xFFFFC000;
	s18 =	smov.u32 s19;
	s21 =	sadd.s32 $0x200, s19  }
0x25: {  	[tilespmem:s15], [sflag:$0x1] =	stream.indirect.gather [hbm4b:s4+s14], $0x80, s20, s14, $0xb8;
	[tilespmem:$0x1D800] =	vst v63  }
0x26: {  	p0 =	sne.s32 s19, $0xA000;
	_ =	swait.ge [sflag:s16], $0x4000  }
.Ltmp0:
0x27: {  	[sflag:s16] =	ssyncset.done $0x0;
	(pc) =	sbr.rel @p0 .LBB2_2-.Ltmp0, $4  }
0x28: {  	s19 =	sadd.s32 $0x2C00, s20;
	[sflag:s16] =	ssyncadd.s32 $0xFFFFC000  }
0x29: {  	[spmem:s2] =	stream.indirect.scatter.add.f32 [tilespmem:s15], [sflag:$0x2], $0x80, s19, s14, $0xb8;
	[tilespmem:$0x1D800] =	vst v63  }
0x2a: {  	_ =	swait.ge [sflag:s12], $0x4000  }
0x2b: {  	s19 =	smov.u32 s21;
	[sflag:s12] =	ssyncset.done $0x0  }
0x2c: {  	s18 =	sshra.s32 s18, $0x2;
	[sflag:s12] =	ssyncadd.s32 $0xFFFFC000  }
0x2d: {  	[tilespmem:s15], [sflag:$0x1] =	stream.indirect.gather [hbm4b:s4+s14], $0x80, s18, s14, $0xb8;
	[tilespmem:$0x1D800] =	vst v63  }
0x2e: {  	_ =	swait.ge [sflag:s16], $0x4000  }
0x2f: {  	[sflag:s16] =	ssyncset.done $0x0  }
0x30: {  	s18 =	sadd.s32 $0x2C00, s18;
	[sflag:s16] =	ssyncadd.s32 $0xFFFFC000  }
0x31: {  	[spmem:s2] =	stream.indirect.scatter.add.f32 [tilespmem:s15], [sflag:$0x2], $0x80, s18, s14, $0xb8;
	[tilespmem:$0x1D800] =	vst v63  }
0x32: {  	_ =	swait.ge [sflag:s12], $0x4000  }
0x33: {  	s17 =	sadd.s32 $0x1, s17;
	[sflag:s12] =	ssyncset.done $0x0  }
0x34: {  	p0 =	sne.s32 s17, s10;
	[sflag:s12] =	ssyncadd.s32 $0xFFFFC000  }
.Ltmp1:
0x35: {  	[bflag:$0x0] =	sbarrier.arrive $0xFFFF;
	(pc) =	sbr.rel @p0 .LBB2_1-.Ltmp1, $4  }
0x36: {  	[hbm:s9], [sflag:s6] =	dma.local [spmem:s11], $0x2800  }
0x37: {  	_ =	swait.ge [sflag:s12], $0x2800  }
0x38: {  	[sflag:s12] =	ssyncset.done $0x0  }
0x39: {  	[sflag:s12] =	ssyncadd.s32 $0xFFFFD800  }
0x3a: {  	_ =	sfence.sel $0x180000  }
0x3b: {  	[bflag:$0x0] =	sbarrier.arrive $0xFFFF  }
0x3c: {  	p0 =	sne.s32 s0, $0x0;
	_ =	strace $0x90000050  }
0x3d: {  	s0 =	sadd.s32 @!p0 $0x100000, s1;
	[bflag:$0x2] =	sbarrier.arrive $0xFFFF  }
0x3e: {  	[sflag:s0] =	ssyncadd.tile.s32 @!p0 $0x1;
	_ =	shalt  }
.Lfunc_end2:
_tile_overlayer_lowered:
.L_overlay_start_2:
0x3f: {  	(tag) =	ssettag $0x2  }
0x40: {  	s0 =	rddreg [dreg:$0x0];
	s2 =	stileid.u32  }
0x41: {  	s1 =	rddreg [dreg:$0x1];
	p0 =	sne.s32 s2, $0x0  }
0x42: {  	s3 =	rddreg [dreg:$0x2];
	[bflag:$0x3] =	sbarrier.arrive $0xFFFF;
	s2 =	simm.s32 @!p0 $0x1C02  }
0x43: {  	[timem:s3], [sflag:s2] =	dma.local @!p0 [hbm:s0], s1  }
0x44: {  	s0 =	simm.s32 @!p0 $0x2  }
0x45: {  	_ =	swait.ge @!p0 [sflag:s0], s1  }
0x46: {  	s1 =	ssub.s32 @!p0 $0x0, s1;
	[sflag:s0] =	ssyncset.done @!p0 $0x0  }
0x47: {  	[sflag:s0] =	ssyncadd.s32 @!p0 s1  }
0x48: {  	[bflag:$0x3] =	sbarrier.arrive $0xFFFF  }
0x49: {  	_ =	shalt  }

// kernel: kernel.29.cloned.1.call-start
scs
__scs_entry_jumppad:
0x0: {  	(pc) =	sbr.rel $0x88, $3  }
0x1: {  	(tag) =	ssettag $0x0;
	lr =	simm.s32 $0x1  }
0x2: {  	[smem:$0x3F92] =	sst lr;
	_ =	strace $0xD0000000  }
0x3: {  	_ = 	snop  }
0x4: {  	_ = 	snop  }
0x5: {  	_ = 	snop  }
0x6: {  	_ = 	snop  }
0x7: {  	_ = 	snop  }
__scs_overlays_trampoline_lowered:
0x8: {  	[smem:$0x3FA1] =	sst s0  }
0x9: {  	[smem:$0x3FA2] =	sst s1  }
0xa: {  	[smem:$0x3FA3] =	sst s2  }
0xb: {  	[smem:$0x3FA4] =	sst s3  }
0xc: {  	[smem:$0x3FA5] =	sst s4  }
0xd: {  	[smem:$0x3FA6] =	sst s5  }
0xe: {  	[smem:$0x3FA7] =	sst s6  }
0xf: {  	[smem:$0x3FA8] =	sst s7  }
0x10: {  	[smem:$0x3FA9] =	sst s8  }
0x11: {  	[smem:$0x3FAA] =	sst s9;
	s0 =	simm.s32 @!p0 $0x0  }
0x12: {  	s1 =	sld [smem:$0x3F90];
	s0 =	simm.s32 @p0 $0x1  }
0x13: {  	[smem:$0x3FAB] =	sst s0;
	s0 =	simm.s32 @!p1 $0x0  }
0x14: {  	s2 =	sld [smem:$0x3F8F];
	s0 =	simm.s32 @p1 $0x1  }
0x15: {  	[smem:$0x3FAC] =	sst s0;
	s0 =	simm.s32 @!p2 $0x0  }
0x16: {  	s3 =	sld [smem:$0x3FDB];
	s0 =	simm.s32 @p2 $0x1  }
0x17: {  	s4 =	simm.s32 $0x1BF5;
	[smem:$0x3FAE] =	sst s0  }
0x18: {  	s0 =	sld [smem:$0x3F91];
	_ =	swait.ge [sflag:s4], $0x0  }
0x19: {  	s7 =	sld [smem:$0x3F92]  }
0x1a: {  	s8 =	sadd.s32 $0xFFFFE003, lr  }
0x1b: {  	s9 =	sadd.s32 $0xFFFFFEF7, lr;
	s5 =	simm.s32 $0xFFFFFFFF;
	p2 =	slt.u32 s8, $0xFFFFF086  }
0x1c: {  	p1 =	slt.u32 s9, $0xF7A;
	s5 =	simm.s32 @!p2 $0x0  }
0x1d: {  	s5 =	simm.s32 @p1 $0x1;
	p0 =	seq.s32 s7, s2  }
0x1e: {  	s7 =	smul.u32 @!p0 $0xF7A, s2;
	p2 =	seq.s32 @!p0 s5, $0x0  }
0x1f: {  	s9 =	smul.u32 $0xF7A, s1;
	s8 =	simm.s32 @!p0 $0x1BF5;
	p2 =	por !p2, p0  }
0x20: {  	[sflag:s8] =	ssyncset.s32 @!p0 $0xFFFFF086;
	s6 =	sadd.s32 @!p0 s3, s7;
	s7 =	simm.s32 @!p0 $0x108  }
0x21: {  	s3 =	sadd.s32 s3, s9;
	s6 =	sadd.s32 @!p0 $0x88, s6;
	s7 =	simm.s32 @p2 $0x1082  }
0x22: {  	[simem:s7], [sflag:s8] =	dma.local @!p0 [hbm:s6], $0xF7A  }
0x23: {  	s9 =	sor.u32 $0xD0000000, s2;
	s6 =	simm.s32 $0x108;
	_ =	swait.ge @!p0 [sflag:s8], $0x0  }
0x24: {  	s3 =	sadd.s32 $0x88, s3;
	s6 =	simm.s32 @!p1 $0x1082;
	[sflag:s4] =	ssyncset.s32 $0xFFFFF086  }
0x25: {  	[simem:s6], [sflag:s4] =	dma.local [hbm:s3], $0xF7A  }
0x26: {  	[smem:$0x3F92] =	sst s1;
	(tag) =	ssettag s2;
	_ =	strace s9  }
0x27: {  	s1 =	sld [smem:$0x3FA2]  }
0x28: {  	s2 =	sld [smem:$0x3FA3]  }
0x29: {  	s4 =	sld [smem:$0x3FA5]  }
0x2a: {  	p0 =	seq.s32 s5, $0x0;
	s5 =	sld [smem:$0x3FA6]  }
0x2b: {  	s6 =	sld [smem:$0x3FA7]  }
0x2c: {  	s7 =	sld [smem:$0x3FA8]  }
0x2d: {  	s3 =	simm.s32 $0x108;
	s8 =	sld [smem:$0x3FA9]  }
0x2e: {  	s3 =	simm.s32 @!p0 $0x1082;
	s9 =	sld [smem:$0x3FAA]  }
0x2f: {  	lr =	sadd.s32 s0, s3;
	s0 =	sld [smem:$0x3FA1]  }
0x30: {  	s3 =	sld [smem:$0x3FA4]  }
0x31: {  	[smem:$0x3FAD] =	sst s10  }
0x32: {  	s10 =	sld [smem:$0x3FAB];
	_ =	sdelay $0x3  }
0x33: {  	p0 =	seq.s32 s10, $0x1;
	s10 =	sld [smem:$0x3FAD];
	_ =	sdelay $0x3  }
0x34: {  	[smem:$0x3FAD] =	sst s10  }
0x35: {  	s10 =	sld [smem:$0x3FAC];
	_ =	sdelay $0x3  }
0x36: {  	p1 =	seq.s32 s10, $0x1;
	s10 =	sld [smem:$0x3FAD];
	_ =	sdelay $0x3  }
0x37: {  	[smem:$0x3FAD] =	sst s10  }
0x38: {  	s10 =	sld [smem:$0x3FAE]  }
0x39: {  	_ = 	snop;
	(pc) =	sbr.ind lr, $3  }
0x3a: {  	_ = 	snop  }
0x3b: {  	_ = 	snop  }
0x3c: {  	p2 =	seq.s32 s10, $0x1;
	s10 =	sld [smem:$0x3FAD]  }
0x3d: {  	_ =	shalt  }
0x3e: {  	_ =	shalt  }
0x3f: {  	_ =	shalt  }
0x40: {  	_ =	shalt  }
0x41: {  	_ =	shalt  }
0x42: {  	_ =	shalt  }
0x43: {  	_ =	shalt  }
0x44: {  	_ =	shalt  }
0x45: {  	_ =	shalt  }
0x46: {  	_ =	shalt  }
0x47: {  	_ =	shalt  }
0x48: {  	_ =	shalt  }
0x49: {  	_ =	shalt  }
0x4a: {  	_ =	shalt  }
0x4b: {  	_ =	shalt  }
0x4c: {  	_ =	shalt  }
0x4d: {  	_ =	shalt  }
0x4e: {  	_ =	shalt  }
0x4f: {  	_ =	shalt  }
0x50: {  	_ =	shalt  }
0x51: {  	_ =	shalt  }
0x52: {  	_ =	shalt  }
0x53: {  	_ =	shalt  }
0x54: {  	_ =	shalt  }
0x55: {  	_ =	shalt  }
0x56: {  	_ =	shalt  }
0x57: {  	_ =	shalt  }
0x58: {  	_ =	shalt  }
0x59: {  	_ =	shalt  }
0x5a: {  	_ =	shalt  }
0x5b: {  	_ =	shalt  }
0x5c: {  	_ =	shalt  }
0x5d: {  	_ =	shalt  }
0x5e: {  	_ =	shalt  }
0x5f: {  	_ =	shalt  }
0x60: {  	_ =	shalt  }
0x61: {  	_ =	shalt  }
0x62: {  	_ =	shalt  }
0x63: {  	_ =	shalt  }
0x64: {  	_ =	shalt  }
0x65: {  	_ =	shalt  }
0x66: {  	_ =	shalt  }
0x67: {  	_ =	shalt  }
0x68: {  	_ =	shalt  }
0x69: {  	_ =	shalt  }
0x6a: {  	_ =	shalt  }
0x6b: {  	_ =	shalt  }
0x6c: {  	_ =	shalt  }
0x6d: {  	_ =	shalt  }
0x6e: {  	_ =	shalt  }
0x6f: {  	_ =	shalt  }
0x70: {  	_ =	shalt  }
0x71: {  	_ =	shalt  }
0x72: {  	_ =	shalt  }
0x73: {  	_ =	shalt  }
0x74: {  	_ =	shalt  }
0x75: {  	_ =	shalt  }
0x76: {  	_ =	shalt  }
0x77: {  	_ =	shalt  }
0x78: {  	_ =	shalt  }
0x79: {  	_ =	shalt  }
0x7a: {  	_ =	shalt  }
0x7b: {  	_ =	shalt  }
0x7c: {  	_ =	shalt  }
0x7d: {  	_ =	shalt  }
0x7e: {  	_ =	shalt  }
0x7f: {  	_ =	shalt  }
0x80: {  	_ =	shalt  }
0x81: {  	_ =	shalt  }
0x82: {  	_ =	shalt  }
0x83: {  	_ =	shalt  }
0x84: {  	_ =	shalt  }
0x85: {  	_ =	shalt  }
0x86: {  	_ =	shalt  }
0x87: {  	_ =	shalt  }
.Lfunc_end0:
.L_simem_size_0:
called_computation.4_lowered:
.L_overlay_start_0:
0x88: {  	s2 =	sld [smem:$0x3FD9]  }
0x89: {  	s3 =	sld [smem:$0x3FFE];
	_ =	sdelay $0x1  }
0x8a: {  	s1 =	srdreg.scid  }
0x8b: {  	s0 =	sand.u32 $0x1, s1  }
0x8c: {  	s16 =	sshll.u32 s0, $0xA;
	s2 =	sadd.s32 s3, s2  }
0x8d: {  	s2 =	sadd.s32 s2, s16  }
0x8e: {  	[smem:$0x3FB9] =	sst s2  }
0x8f: {  	_ = 	snop  }
0x90: {  	(tm) =	ssettm $0x1  }
0x91: {  	s17 =	sld [smem:$0x3FFB];
	_ =	sdelay $0x3  }
0x92: {  	_ =	strace s17  }
0x93: {  	s2 =	sld [smem:$0x3FFC];
	_ =	sdelay $0x3  }
0x94: {  	_ =	strace s2  }
0x95: {  	s2 =	sld [smem:$0x3FFD];
	_ =	sdelay $0x3  }
0x96: {  	_ =	strace s2  }
0x97: {  	_ =	strace $0x8FFFFFFF  }
0x98: {  	s18 =	sld [smem:$0x3FDB];
	_ =	sdelay $0x1  }
0x99: {  	s19 =	simm.s32 $_scs_section_size  }
0x9a: {  	s4 =	simm.s32 $_size__tile_overlayer_lowered;
	s5 =	simm.s32 $_tile_overlayer_lowered  }
0x9b: {  	s22 =	simm.s32 $0x1BFF;
	s21 =	sshll.u32 s5, $0x1;
	s2 =	sadd.s32 s19, s18  }
0x9c: {  	s6 =	simm.s32 $0x0;
	s20 =	sshll.u32 s4, $0x1;
	s4 =	sadd.s32 s21, s2  }
0x9d: {  	[timem:s6], [sflag:s22] =	dma.local [hbm:s4], s20  }
0x9e: {  	_ =	swait.ge [sflag:s22], s20  }
0x9f: {  	s3 =	ssub.s32 $0x0, s20;
	[sflag:s22] =	ssyncset.done $0x0  }
0xa0: {  	[sflag:s22] =	ssyncadd.s32 s3;
	_ =	sdelay $0x1  }
0xa1: {  	s23 =	simm.s32 $0x1B8B  }
0xa2: {  	_ =	swait.ge [sflag:s23], $0x1  }
0xa3: {  	[sflag:s23] =	ssyncset.done $0x0  }
0xa4: {  	s25 =	simm.s32 $0x1B8E;
	s24 =	sld [smem:$0x3FFE];
	[sflag:s23] =	ssyncadd.s32 $0xFFFFFFFF  }
0xa5: {  	s26 =	simm.s32 $execute0_lowered;
	[smem:$0x3FD2] =	sst s25  }
0xa6: {  	s4 =	sshll.u32 s26, $0x1;
	_ =	strace $0x80000052;
	[dreg:$0x1] =	wrdreg $0xFFFFFFFF  }
0xa7: {  	s28 =	simm.s32 $_size_execute0_lowered;
	s2 =	sadd.s32 s2, s4;
	[dreg:$0x0] =	wrdreg $0x0  }
0xa8: {  	s4 =	sshll.u32 s28, $0x1;
	[dreg:$0x2] =	wrdreg s2  }
0xa9: {  	[dreg:$0x3] =	wrdreg s4  }
0xaa: {  	[dreg:$0x4] =	wrdreg $0xC0  }
0xab: {  	_ =	task [dreg:s6], $0x5FFFF  }
0xac: {  	[dreg:$0x1] =	wrdreg $0xFFFFFFFF  }
0xad: {  	[dreg:$0x0] =	wrdreg $0x60  }
0xae: {  	[dreg:$0x2] =	wrdreg s24  }
0xaf: {  	[dreg:$0x3] =	wrdreg $0x98000  }
0xb0: {  	[dreg:$0x4] =	wrdreg $0x9  }
0xb1: {  	_ =	task.clear_ibuf [dreg:s6], $0x5FFFF;
	_ =	strace $0x90000052  }
0xb2: {  	s29 =	simm.s32 $0x9;
	_ =	strace $0x80000054  }
0xb3: {  	_ =	swait.ge [sflag:s29], $0x1  }
0xb4: {  	[sflag:s29] =	ssyncadd.s32 $0xFFFFFFFF  }
0xb5: {  	_ =	strace $0x90000054  }
0xb6: {  	_ =	sfence  }
0xb7: {  	s30 =	sld [smem:$0x0];
	_ =	sdelay $0x2  }
0xb8: {  	s31 =	sshll.u32 s1, $0xD;
	s1 =	sshrl.u32 s1, $0x2  }
0xb9: {  	s3 =	sand.u32 $0x4000, s31;
	s1 =	sadd.s32 s1, s30  }
0xba: {  	s0 =	sor.u32 s3, s0;
	s1 =	sshll.u32 s1, $0x11  }
0xbb: {  	s0 =	sor.u32 s1, s0  }
0xbc: {  	s0 =	sadd.s32 $0x8F2B, s0  }
0xbd: {  	[sflag:s0] =	ssyncadd.remote.s32 $0x1  }
0xbe: {  	_ =	sfence.sel $0xFFFF  }
0xbf: {  	[dreg:$0x0] =	wrdreg $0xFFFFFFFF;
	(pc) =	sbr.abs _section_cstart, $3  }
0xc0: {  	[dreg:$0x1] =	wrdreg $0xFFFFFFFF  }
0xc1: {  	_ =	task.clear_ibuf [dreg:s6], $0x2FFFF;
	_ =	strace $0x9FFFFFFF  }
0xc2: {  	(tm) =	ssettm $0x7FFFFFFF  }
0xc3: {  	_ =	shalt  }
tec
execute0_lowered:
.L_overlay_start_1:
0x0: {  	(tag) =	ssettag $0x1  }
0x1: {  	s7 =	rddreg [dreg:$0x0]  }
0x2: {  	s0 =	srdreg.scid;
	s2 =	rddreg [dreg:$0x1]  }
0x3: {  	s3 =	simm.s32 $0x0;
	s14 =	simm.s32 $0x80;
	s15 =	simm.s32 $0x5800  }
0x4: {  	s16 =	simm.s32 $0x1;
	s6 =	sand.u32 $0x1, s0;
	s0 =	stileid.u32  }
0x5: {  	s17 =	simm.s32 $0x0;
	[smem:$0x7FF] =	sst s3;
	s8 =	smul.u32 $0x140000, s6  }
0x6: {  	s4 =	sadd.s32 $0x6D200, s7;
	s1 =	sshll.u32 s6, $0x4;
	s9 =	smul.u32 $0x14000, s0  }
0x7: {  	s28 =	smul.u32 $0x50000, s0;
	s6 =	ssub.s32 $0x2, s6;
	s1 =	sor.u32 s0, s1  }
0x8: {  	s31 =	sshll.u32 s0, $0x6;
	s29 =	sshrl.u32 s6, $0x1;
	s5 =	smul.u32 $0x580, s1  }
0x9: {  	s1 =	rddreg [dreg:$0x2];
	_ =	strace $0x80000053;
	s8 =	sadd.s32 s9, s8  }
0xa: {  	s30 =	sshrl.u32 s28, $0x2;
	s12 =	ssub.s32 s6, s29;
	s6 =	sor.u32 $0x1C02, s31  }
0xb: {  	s8 =	sshrl.u32 s8, $0x3;
	s13 =	sadd.s32 s30, s2;
	s10 =	sadd.s32 s5, s7  }
0xc: {  	s5 =	sadd.s32 $0xFA00, s7;
	s11 =	sadd.s32 s8, s7;
	s7 =	sadd.s32 $0x62200, s10  }
0xd: {  	s8 =	sadd.s32 $0x4A00, s10;
	s9 =	sadd.s32 $0x94400, s11;
	s10 =	smax.u32 s12, $0x1  }
0xe: {  	s11 =	sshrl.u32 s13, $0x3;
	s12 =	simm.s32 $0x2;
	s13 =	simm.s32 $0x2C00  }
.LBB2_1:
0xf: {  	[spmem:s11], [sflag:s6] =	dma.local [hbm:s5], $0x2800  }
0x10: {  	_ =	swait.ge [sflag:s12], $0x2800  }
0x11: {  	[sflag:s12] =	ssyncset.done $0x0  }
0x12: {  	[sflag:s12] =	ssyncadd.s32 $0xFFFFD800  }
0x13: {  	[tilespmem:s3], [sflag:$0x2] =	stream.linear.gather [hbm4b:s7+s3], $0x2880, $0x38;
	[tilespmem:$0x1D800] =	vst v63  }
0x14: {  	_ =	swait.ge [sflag:s12], $0x2880  }
0x15: {  	[sflag:s12] =	ssyncset.done $0x0  }
0x16: {  	[sflag:s12] =	ssyncadd.s32 $0xFFFFD780  }
0x17: {  	[tilespmem:s13], [sflag:$0x2] =	stream.linear.gather [hbm4b:s8+s3], $0x2880, $0x38;
	[tilespmem:$0x1D800] =	vst v63  }
0x18: {  	_ =	swait.ge [sflag:s12], $0x2880  }
0x19: {  	[sflag:s12] =	ssyncset.done $0x0  }
0x1a: {  	[sflag:s12] =	ssyncadd.s32 $0xFFFFD780  }
0x1b: {  	s18 =	simm.s32 $0x0;
	[bflag:$0x0] =	sbarrier.arrive $0xFFFF  }
0x1c: {  	[tilespmem:s15], [sflag:$0x1] =	stream.indirect.gather [hbm4b:s4+s14], $0x80, s18, s14, $0xb8;
	[tilespmem:$0x1D800] =	vst v63  }
0x1d: {  	_ =	swait.ge [sflag:s16], $0x4000  }
0x1e: {  	[sflag:s16] =	ssyncset.done $0x0  }
0x1f: {  	s31 =	simm.s32 $0x2C00;
	[sflag:s16] =	ssyncadd.s32 $0xFFFFC000  }
0x20: {  	[spmem:s2] =	stream.indirect.scatter.add.f32 [tilespmem:s15], [sflag:$0x2], $0x80, s31, s14, $0xb8;
	[tilespmem:$0x1D800] =	vst v63  }
0x21: {  	_ =	swait.ge [sflag:s12], $0x4000  }
0x22: {  	s19 =	simm.s32 $0x400;
	s18 =	simm.s32 $0x200;
	[sflag:s12] =	ssyncset.done $0x0  }
.LBB2_2:
0x23: {  	s20 =	sshra.s32 s18, $0x2  }
0x24: {  	[sflag:s12] =	ssyncadd.s32 $0xFFFFC000;
	s18 =	smov.u32 s19;
	s21 =	sadd.s32 $0x200, s19  }
0x25: {  	[tilespmem:s15], [sflag:$0x1] =	stream.indirect.gather [hbm4b:s4+s14], $0x80, s20, s14, $0xb8;
	[tilespmem:$0x1D800] =	vst v63  }
0x26: {  	p0 =	sne.s32 s19, $0xA000;
	_ =	swait.ge [sflag:s16], $0x4000  }
.Ltmp0:
0x27: {  	[sflag:s16] =	ssyncset.done $0x0;
	(pc) =	sbr.rel @p0 .LBB2_2-.Ltmp0, $4  }
0x28: {  	s19 =	sadd.s32 $0x2C00, s20;
	[sflag:s16] =	ssyncadd.s32 $0xFFFFC000  }
0x29: {  	[spmem:s2] =	stream.indirect.scatter.add.f32 [tilespmem:s15], [sflag:$0x2], $0x80, s19, s14, $0xb8;
	[tilespmem:$0x1D800] =	vst v63  }
0x2a: {  	_ =	swait.ge [sflag:s12], $0x4000  }
0x2b: {  	s19 =	smov.u32 s21;
	[sflag:s12] =	ssyncset.done $0x0  }
0x2c: {  	s18 =	sshra.s32 s18, $0x2;
	[sflag:s12] =	ssyncadd.s32 $0xFFFFC000  }
0x2d: {  	[tilespmem:s15], [sflag:$0x1] =	stream.indirect.gather [hbm4b:s4+s14], $0x80, s18, s14, $0xb8;
	[tilespmem:$0x1D800] =	vst v63  }
0x2e: {  	_ =	swait.ge [sflag:s16], $0x4000  }
0x2f: {  	[sflag:s16] =	ssyncset.done $0x0  }
0x30: {  	s18 =	sadd.s32 $0x2C00, s18;
	[sflag:s16] =	ssyncadd.s32 $0xFFFFC000  }
0x31: {  	[spmem:s2] =	stream.indirect.scatter.add.f32 [tilespmem:s15], [sflag:$0x2], $0x80, s18, s14, $0xb8;
	[tilespmem:$0x1D800] =	vst v63  }
0x32: {  	_ =	swait.ge [sflag:s12], $0x4000  }
0x33: {  	s17 =	sadd.s32 $0x1, s17;
	[sflag:s12] =	ssyncset.done $0x0  }
0x34: {  	p0 =	sne.s32 s17, s10;
	[sflag:s12] =	ssyncadd.s32 $0xFFFFC000  }
.Ltmp1:
0x35: {  	[bflag:$0x0] =	sbarrier.arrive $0xFFFF;
	(pc) =	sbr.rel @p0 .LBB2_1-.Ltmp1, $4  }
0x36: {  	[hbm:s9], [sflag:s6] =	dma.local [spmem:s11], $0x2800  }
0x37: {  	_ =	swait.ge [sflag:s12], $0x2800  }
0x38: {  	[sflag:s12] =	ssyncset.done $0x0  }
0x39: {  	[sflag:s12] =	ssyncadd.s32 $0xFFFFD800  }
0x3a: {  	_ =	sfence.sel $0x180000  }
0x3b: {  	[bflag:$0x0] =	sbarrier.arrive $0xFFFF  }
0x3c: {  	p0 =	sne.s32 s0, $0x0;
	_ =	strace $0x90000053  }
0x3d: {  	s0 =	sadd.s32 @!p0 $0x100000, s1;
	[bflag:$0x2] =	sbarrier.arrive $0xFFFF  }
0x3e: {  	[sflag:s0] =	ssyncadd.tile.s32 @!p0 $0x1;
	_ =	shalt  }
.Lfunc_end2:
_tile_overlayer_lowered:
.L_overlay_start_2:
0x3f: {  	(tag) =	ssettag $0x2  }
0x40: {  	s0 =	rddreg [dreg:$0x0];
	s2 =	stileid.u32  }
0x41: {  	s1 =	rddreg [dreg:$0x1];
	p0 =	sne.s32 s2, $0x0  }
0x42: {  	s3 =	rddreg [dreg:$0x2];
	[bflag:$0x3] =	sbarrier.arrive $0xFFFF;
	s2 =	simm.s32 @!p0 $0x1C02  }
0x43: {  	[timem:s3], [sflag:s2] =	dma.local @!p0 [hbm:s0], s1  }
0x44: {  	s0 =	simm.s32 @!p0 $0x2  }
0x45: {  	_ =	swait.ge @!p0 [sflag:s0], s1  }
0x46: {  	s1 =	ssub.s32 @!p0 $0x0, s1;
	[sflag:s0] =	ssyncset.done @!p0 $0x0  }
0x47: {  	[sflag:s0] =	ssyncadd.s32 @!p0 s1  }
0x48: {  	[bflag:$0x3] =	sbarrier.arrive $0xFFFF  }
0x49: {  	_ =	shalt  }

// kernel: kernel.32.cloned.1.call-start
scs
__scs_entry_jumppad:
0x0: {  	(pc) =	sbr.rel $0x88, $3  }
0x1: {  	(tag) =	ssettag $0x0;
	lr =	simm.s32 $0x1  }
0x2: {  	[smem:$0x3F92] =	sst lr;
	_ =	strace $0xD0000000  }
0x3: {  	_ = 	snop  }
0x4: {  	_ = 	snop  }
0x5: {  	_ = 	snop  }
0x6: {  	_ = 	snop  }
0x7: {  	_ = 	snop  }
__scs_overlays_trampoline_lowered:
0x8: {  	[smem:$0x3FA1] =	sst s0  }
0x9: {  	[smem:$0x3FA2] =	sst s1  }
0xa: {  	[smem:$0x3FA3] =	sst s2  }
0xb: {  	[smem:$0x3FA4] =	sst s3  }
0xc: {  	[smem:$0x3FA5] =	sst s4  }
0xd: {  	[smem:$0x3FA6] =	sst s5  }
0xe: {  	[smem:$0x3FA7] =	sst s6  }
0xf: {  	[smem:$0x3FA8] =	sst s7  }
0x10: {  	[smem:$0x3FA9] =	sst s8  }
0x11: {  	[smem:$0x3FAA] =	sst s9;
	s0 =	simm.s32 @!p0 $0x0  }
0x12: {  	s1 =	sld [smem:$0x3F90];
	s0 =	simm.s32 @p0 $0x1  }
0x13: {  	[smem:$0x3FAB] =	sst s0;
	s0 =	simm.s32 @!p1 $0x0  }
0x14: {  	s2 =	sld [smem:$0x3F8F];
	s0 =	simm.s32 @p1 $0x1  }
0x15: {  	[smem:$0x3FAC] =	sst s0;
	s0 =	simm.s32 @!p2 $0x0  }
0x16: {  	s3 =	sld [smem:$0x3FDB];
	s0 =	simm.s32 @p2 $0x1  }
0x17: {  	s4 =	simm.s32 $0x1BF5;
	[smem:$0x3FAE] =	sst s0  }
0x18: {  	s0 =	sld [smem:$0x3F91];
	_ =	swait.ge [sflag:s4], $0x0  }
0x19: {  	s7 =	sld [smem:$0x3F92]  }
0x1a: {  	s8 =	sadd.s32 $0xFFFFE003, lr  }
0x1b: {  	s9 =	sadd.s32 $0xFFFFFEF7, lr;
	s5 =	simm.s32 $0xFFFFFFFF;
	p2 =	slt.u32 s8, $0xFFFFF086  }
0x1c: {  	p1 =	slt.u32 s9, $0xF7A;
	s5 =	simm.s32 @!p2 $0x0  }
0x1d: {  	s5 =	simm.s32 @p1 $0x1;
	p0 =	seq.s32 s7, s2  }
0x1e: {  	s7 =	smul.u32 @!p0 $0xF7A, s2;
	p2 =	seq.s32 @!p0 s5, $0x0  }
0x1f: {  	s9 =	smul.u32 $0xF7A, s1;
	s8 =	simm.s32 @!p0 $0x1BF5;
	p2 =	por !p2, p0  }
0x20: {  	[sflag:s8] =	ssyncset.s32 @!p0 $0xFFFFF086;
	s6 =	sadd.s32 @!p0 s3, s7;
	s7 =	simm.s32 @!p0 $0x108  }
0x21: {  	s3 =	sadd.s32 s3, s9;
	s6 =	sadd.s32 @!p0 $0x88, s6;
	s7 =	simm.s32 @p2 $0x1082  }
0x22: {  	[simem:s7], [sflag:s8] =	dma.local @!p0 [hbm:s6], $0xF7A  }
0x23: {  	s9 =	sor.u32 $0xD0000000, s2;
	s6 =	simm.s32 $0x108;
	_ =	swait.ge @!p0 [sflag:s8], $0x0  }
0x24: {  	s3 =	sadd.s32 $0x88, s3;
	s6 =	simm.s32 @!p1 $0x1082;
	[sflag:s4] =	ssyncset.s32 $0xFFFFF086  }
0x25: {  	[simem:s6], [sflag:s4] =	dma.local [hbm:s3], $0xF7A  }
0x26: {  	[smem:$0x3F92] =	sst s1;
	(tag) =	ssettag s2;
	_ =	strace s9  }
0x27: {  	s1 =	sld [smem:$0x3FA2]  }
0x28: {  	s2 =	sld [smem:$0x3FA3]  }
0x29: {  	s4 =	sld [smem:$0x3FA5]  }
0x2a: {  	p0 =	seq.s32 s5, $0x0;
	s5 =	sld [smem:$0x3FA6]  }
0x2b: {  	s6 =	sld [smem:$0x3FA7]  }
0x2c: {  	s7 =	sld [smem:$0x3FA8]  }
0x2d: {  	s3 =	simm.s32 $0x108;
	s8 =	sld [smem:$0x3FA9]  }
0x2e: {  	s3 =	simm.s32 @!p0 $0x1082;
	s9 =	sld [smem:$0x3FAA]  }
0x2f: {  	lr =	sadd.s32 s0, s3;
	s0 =	sld [smem:$0x3FA1]  }
0x30: {  	s3 =	sld [smem:$0x3FA4]  }
0x31: {  	[smem:$0x3FAD] =	sst s10  }
0x32: {  	s10 =	sld [smem:$0x3FAB];
	_ =	sdelay $0x3  }
0x33: {  	p0 =	seq.s32 s10, $0x1;
	s10 =	sld [smem:$0x3FAD];
	_ =	sdelay $0x3  }
0x34: {  	[smem:$0x3FAD] =	sst s10  }
0x35: {  	s10 =	sld [smem:$0x3FAC];
	_ =	sdelay $0x3  }
0x36: {  	p1 =	seq.s32 s10, $0x1;
	s10 =	sld [smem:$0x3FAD];
	_ =	sdelay $0x3  }
0x37: {  	[smem:$0x3FAD] =	sst s10  }
0x38: {  	s10 =	sld [smem:$0x3FAE]  }
0x39: {  	_ = 	snop;
	(pc) =	sbr.ind lr, $3  }
0x3a: {  	_ = 	snop  }
0x3b: {  	_ = 	snop  }
0x3c: {  	p2 =	seq.s32 s10, $0x1;
	s10 =	sld [smem:$0x3FAD]  }
0x3d: {  	_ =	shalt  }
0x3e: {  	_ =	shalt  }
0x3f: {  	_ =	shalt  }
0x40: {  	_ =	shalt  }
0x41: {  	_ =	shalt  }
0x42: {  	_ =	shalt  }
0x43: {  	_ =	shalt  }
0x44: {  	_ =	shalt  }
0x45: {  	_ =	shalt  }
0x46: {  	_ =	shalt  }
0x47: {  	_ =	shalt  }
0x48: {  	_ =	shalt  }
0x49: {  	_ =	shalt  }
0x4a: {  	_ =	shalt  }
0x4b: {  	_ =	shalt  }
0x4c: {  	_ =	shalt  }
0x4d: {  	_ =	shalt  }
0x4e: {  	_ =	shalt  }
0x4f: {  	_ =	shalt  }
0x50: {  	_ =	shalt  }
0x51: {  	_ =	shalt  }
0x52: {  	_ =	shalt  }
0x53: {  	_ =	shalt  }
0x54: {  	_ =	shalt  }
0x55: {  	_ =	shalt  }
0x56: {  	_ =	shalt  }
0x57: {  	_ =	shalt  }
0x58: {  	_ =	shalt  }
0x59: {  	_ =	shalt  }
0x5a: {  	_ =	shalt  }
0x5b: {  	_ =	shalt  }
0x5c: {  	_ =	shalt  }
0x5d: {  	_ =	shalt  }
0x5e: {  	_ =	shalt  }
0x5f: {  	_ =	shalt  }
0x60: {  	_ =	shalt  }
0x61: {  	_ =	shalt  }
0x62: {  	_ =	shalt  }
0x63: {  	_ =	shalt  }
0x64: {  	_ =	shalt  }
0x65: {  	_ =	shalt  }
0x66: {  	_ =	shalt  }
0x67: {  	_ =	shalt  }
0x68: {  	_ =	shalt  }
0x69: {  	_ =	shalt  }
0x6a: {  	_ =	shalt  }
0x6b: {  	_ =	shalt  }
0x6c: {  	_ =	shalt  }
0x6d: {  	_ =	shalt  }
0x6e: {  	_ =	shalt  }
0x6f: {  	_ =	shalt  }
0x70: {  	_ =	shalt  }
0x71: {  	_ =	shalt  }
0x72: {  	_ =	shalt  }
0x73: {  	_ =	shalt  }
0x74: {  	_ =	shalt  }
0x75: {  	_ =	shalt  }
0x76: {  	_ =	shalt  }
0x77: {  	_ =	shalt  }
0x78: {  	_ =	shalt  }
0x79: {  	_ =	shalt  }
0x7a: {  	_ =	shalt  }
0x7b: {  	_ =	shalt  }
0x7c: {  	_ =	shalt  }
0x7d: {  	_ =	shalt  }
0x7e: {  	_ =	shalt  }
0x7f: {  	_ =	shalt  }
0x80: {  	_ =	shalt  }
0x81: {  	_ =	shalt  }
0x82: {  	_ =	shalt  }
0x83: {  	_ =	shalt  }
0x84: {  	_ =	shalt  }
0x85: {  	_ =	shalt  }
0x86: {  	_ =	shalt  }
0x87: {  	_ =	shalt  }
.Lfunc_end0:
.L_simem_size_0:
called_computation.5_lowered:
.L_overlay_start_0:
0x88: {  	s2 =	sld [smem:$0x3FD9]  }
0x89: {  	s3 =	sld [smem:$0x3FFE];
	_ =	sdelay $0x1  }
0x8a: {  	s1 =	srdreg.scid  }
0x8b: {  	s0 =	sand.u32 $0x1, s1  }
0x8c: {  	s16 =	sshll.u32 s0, $0xA;
	s2 =	sadd.s32 s3, s2  }
0x8d: {  	s2 =	sadd.s32 s2, s16  }
0x8e: {  	[smem:$0x3FB9] =	sst s2  }
0x8f: {  	_ = 	snop  }
0x90: {  	(tm) =	ssettm $0x1  }
0x91: {  	s17 =	sld [smem:$0x3FFB];
	_ =	sdelay $0x3  }
0x92: {  	_ =	strace s17  }
0x93: {  	s2 =	sld [smem:$0x3FFC];
	_ =	sdelay $0x3  }
0x94: {  	_ =	strace s2  }
0x95: {  	s2 =	sld [smem:$0x3FFD];
	_ =	sdelay $0x3  }
0x96: {  	_ =	strace s2  }
0x97: {  	_ =	strace $0x8FFFFFFF  }
0x98: {  	s18 =	sld [smem:$0x3FDB];
	_ =	sdelay $0x1  }
0x99: {  	s19 =	simm.s32 $_scs_section_size  }
0x9a: {  	s4 =	simm.s32 $_size__tile_overlayer_lowered;
	s5 =	simm.s32 $_tile_overlayer_lowered  }
0x9b: {  	s22 =	simm.s32 $0x1BFF;
	s21 =	sshll.u32 s5, $0x1;
	s2 =	sadd.s32 s19, s18  }
0x9c: {  	s6 =	simm.s32 $0x0;
	s20 =	sshll.u32 s4, $0x1;
	s4 =	sadd.s32 s21, s2  }
0x9d: {  	[timem:s6], [sflag:s22] =	dma.local [hbm:s4], s20  }
0x9e: {  	_ =	swait.ge [sflag:s22], s20  }
0x9f: {  	s3 =	ssub.s32 $0x0, s20;
	[sflag:s22] =	ssyncset.done $0x0  }
0xa0: {  	[sflag:s22] =	ssyncadd.s32 s3;
	_ =	sdelay $0x1  }
0xa1: {  	s23 =	simm.s32 $0x1B8B  }
0xa2: {  	_ =	swait.ge [sflag:s23], $0x1  }
0xa3: {  	[sflag:s23] =	ssyncset.done $0x0  }
0xa4: {  	s25 =	simm.s32 $0x1B8E;
	s24 =	sld [smem:$0x3FFE];
	[sflag:s23] =	ssyncadd.s32 $0xFFFFFFFF  }
0xa5: {  	s26 =	simm.s32 $execute0_lowered;
	[smem:$0x3FD2] =	sst s25  }
0xa6: {  	s4 =	sshll.u32 s26, $0x1;
	_ =	strace $0x80000055;
	[dreg:$0x1] =	wrdreg $0xFFFFFFFF  }
0xa7: {  	s28 =	simm.s32 $_size_execute0_lowered;
	s2 =	sadd.s32 s2, s4;
	[dreg:$0x0] =	wrdreg $0x0  }
0xa8: {  	s4 =	sshll.u32 s28, $0x1;
	[dreg:$0x2] =	wrdreg s2  }
0xa9: {  	[dreg:$0x3] =	wrdreg s4  }
0xaa: {  	[dreg:$0x4] =	wrdreg $0xC0  }
0xab: {  	_ =	task [dreg:s6], $0x5FFFF  }
0xac: {  	[dreg:$0x1] =	wrdreg $0xFFFFFFFF  }
0xad: {  	[dreg:$0x0] =	wrdreg $0x60  }
0xae: {  	[dreg:$0x2] =	wrdreg s24  }
0xaf: {  	[dreg:$0x3] =	wrdreg $0x98000  }
0xb0: {  	[dreg:$0x4] =	wrdreg $0x9  }
0xb1: {  	_ =	task.clear_ibuf [dreg:s6], $0x5FFFF;
	_ =	strace $0x90000055  }
0xb2: {  	s29 =	simm.s32 $0x9;
	_ =	strace $0x80000057  }
0xb3: {  	_ =	swait.ge [sflag:s29], $0x1  }
0xb4: {  	[sflag:s29] =	ssyncadd.s32 $0xFFFFFFFF  }
0xb5: {  	_ =	strace $0x90000057  }
0xb6: {  	_ =	sfence  }
0xb7: {  	s30 =	sld [smem:$0x0];
	_ =	sdelay $0x2  }
0xb8: {  	s31 =	sshll.u32 s1, $0xD;
	s1 =	sshrl.u32 s1, $0x2  }
0xb9: {  	s3 =	sand.u32 $0x4000, s31;
	s1 =	sadd.s32 s1, s30  }
0xba: {  	s0 =	sor.u32 s3, s0;
	s1 =	sshll.u32 s1, $0x11  }
0xbb: {  	s0 =	sor.u32 s1, s0  }
0xbc: {  	s0 =	sadd.s32 $0x8F2B, s0  }
0xbd: {  	[sflag:s0] =	ssyncadd.remote.s32 $0x1  }
0xbe: {  	_ =	sfence.sel $0xFFFF  }
0xbf: {  	[dreg:$0x0] =	wrdreg $0xFFFFFFFF;
	(pc) =	sbr.abs _section_cstart, $3  }
0xc0: {  	[dreg:$0x1] =	wrdreg $0xFFFFFFFF  }
0xc1: {  	_ =	task.clear_ibuf [dreg:s6], $0x2FFFF;
	_ =	strace $0x9FFFFFFF  }
0xc2: {  	(tm) =	ssettm $0x7FFFFFFF  }
0xc3: {  	_ =	shalt  }
tec
execute0_lowered:
.L_overlay_start_1:
0x0: {  	(tag) =	ssettag $0x1  }
0x1: {  	s7 =	rddreg [dreg:$0x0]  }
0x2: {  	s0 =	srdreg.scid;
	s2 =	rddreg [dreg:$0x1]  }
0x3: {  	s3 =	simm.s32 $0x0;
	s14 =	simm.s32 $0x80;
	s15 =	simm.s32 $0x5800  }
0x4: {  	s16 =	simm.s32 $0x1;
	s6 =	sand.u32 $0x1, s0;
	s0 =	stileid.u32  }
0x5: {  	s17 =	simm.s32 $0x0;
	[smem:$0x7FF] =	sst s3;
	s8 =	smul.u32 $0x140000, s6  }
0x6: {  	s4 =	sadd.s32 $0x6D200, s7;
	s1 =	sshll.u32 s6, $0x4;
	s9 =	smul.u32 $0x14000, s0  }
0x7: {  	s28 =	smul.u32 $0x50000, s0;
	s6 =	ssub.s32 $0x2, s6;
	s1 =	sor.u32 s0, s1  }
0x8: {  	s31 =	sshll.u32 s0, $0x6;
	s29 =	sshrl.u32 s6, $0x1;
	s5 =	smul.u32 $0x580, s1  }
0x9: {  	s1 =	rddreg [dreg:$0x2];
	_ =	strace $0x80000056;
	s8 =	sadd.s32 s9, s8  }
0xa: {  	s30 =	sshrl.u32 s28, $0x2;
	s12 =	ssub.s32 s6, s29;
	s6 =	sor.u32 $0x1C02, s31  }
0xb: {  	s8 =	sshrl.u32 s8, $0x3;
	s13 =	sadd.s32 s30, s2;
	s10 =	sadd.s32 s5, s7  }
0xc: {  	s5 =	sadd.s32 $0xFA00, s7;
	s11 =	sadd.s32 s8, s7;
	s7 =	sadd.s32 $0x62200, s10  }
0xd: {  	s8 =	sadd.s32 $0x4A00, s10;
	s9 =	sadd.s32 $0x94400, s11;
	s10 =	smax.u32 s12, $0x1  }
0xe: {  	s11 =	sshrl.u32 s13, $0x3;
	s12 =	simm.s32 $0x2;
	s13 =	simm.s32 $0x2C00  }
.LBB2_1:
0xf: {  	[spmem:s11], [sflag:s6] =	dma.local [hbm:s5], $0x2800  }
0x10: {  	_ =	swait.ge [sflag:s12], $0x2800  }
0x11: {  	[sflag:s12] =	ssyncset.done $0x0  }
0x12: {  	[sflag:s12] =	ssyncadd.s32 $0xFFFFD800  }
0x13: {  	[tilespmem:s3], [sflag:$0x2] =	stream.linear.gather [hbm4b:s7+s3], $0x2880, $0x38;
	[tilespmem:$0x1D800] =	vst v63  }
0x14: {  	_ =	swait.ge [sflag:s12], $0x2880  }
0x15: {  	[sflag:s12] =	ssyncset.done $0x0  }
0x16: {  	[sflag:s12] =	ssyncadd.s32 $0xFFFFD780  }
0x17: {  	[tilespmem:s13], [sflag:$0x2] =	stream.linear.gather [hbm4b:s8+s3], $0x2880, $0x38;
	[tilespmem:$0x1D800] =	vst v63  }
0x18: {  	_ =	swait.ge [sflag:s12], $0x2880  }
0x19: {  	[sflag:s12] =	ssyncset.done $0x0  }
0x1a: {  	[sflag:s12] =	ssyncadd.s32 $0xFFFFD780  }
0x1b: {  	s18 =	simm.s32 $0x0;
	[bflag:$0x0] =	sbarrier.arrive $0xFFFF  }
0x1c: {  	[tilespmem:s15], [sflag:$0x1] =	stream.indirect.gather [hbm4b:s4+s14], $0x80, s18, s14, $0xb8;
	[tilespmem:$0x1D800] =	vst v63  }
0x1d: {  	_ =	swait.ge [sflag:s16], $0x4000  }
0x1e: {  	[sflag:s16] =	ssyncset.done $0x0  }
0x1f: {  	s31 =	simm.s32 $0x2C00;
	[sflag:s16] =	ssyncadd.s32 $0xFFFFC000  }
0x20: {  	[spmem:s2] =	stream.indirect.scatter.add.f32 [tilespmem:s15], [sflag:$0x2], $0x80, s31, s14, $0xb8;
	[tilespmem:$0x1D800] =	vst v63  }
0x21: {  	_ =	swait.ge [sflag:s12], $0x4000  }
0x22: {  	s19 =	simm.s32 $0x400;
	s18 =	simm.s32 $0x200;
	[sflag:s12] =	ssyncset.done $0x0  }
.LBB2_2:
0x23: {  	s20 =	sshra.s32 s18, $0x2  }
0x24: {  	[sflag:s12] =	ssyncadd.s32 $0xFFFFC000;
	s18 =	smov.u32 s19;
	s21 =	sadd.s32 $0x200, s19  }
0x25: {  	[tilespmem:s15], [sflag:$0x1] =	stream.indirect.gather [hbm4b:s4+s14], $0x80, s20, s14, $0xb8;
	[tilespmem:$0x1D800] =	vst v63  }
0x26: {  	p0 =	sne.s32 s19, $0xA000;
	_ =	swait.ge [sflag:s16], $0x4000  }
.Ltmp0:
0x27: {  	[sflag:s16] =	ssyncset.done $0x0;
	(pc) =	sbr.rel @p0 .LBB2_2-.Ltmp0, $4  }
0x28: {  	s19 =	sadd.s32 $0x2C00, s20;
	[sflag:s16] =	ssyncadd.s32 $0xFFFFC000  }
0x29: {  	[spmem:s2] =	stream.indirect.scatter.add.f32 [tilespmem:s15], [sflag:$0x2], $0x80, s19, s14, $0xb8;
	[tilespmem:$0x1D800] =	vst v63  }
0x2a: {  	_ =	swait.ge [sflag:s12], $0x4000  }
0x2b: {  	s19 =	smov.u32 s21;
	[sflag:s12] =	ssyncset.done $0x0  }
0x2c: {  	s18 =	sshra.s32 s18, $0x2;
	[sflag:s12] =	ssyncadd.s32 $0xFFFFC000  }
0x2d: {  	[tilespmem:s15], [sflag:$0x1] =	stream.indirect.gather [hbm4b:s4+s14], $0x80, s18, s14, $0xb8;
	[tilespmem:$0x1D800] =	vst v63  }
0x2e: {  	_ =	swait.ge [sflag:s16], $0x4000  }
0x2f: {  	[sflag:s16] =	ssyncset.done $0x0  }
0x30: {  	s18 =	sadd.s32 $0x2C00, s18;
	[sflag:s16] =	ssyncadd.s32 $0xFFFFC000  }
0x31: {  	[spmem:s2] =	stream.indirect.scatter.add.f32 [tilespmem:s15], [sflag:$0x2], $0x80, s18, s14, $0xb8;
	[tilespmem:$0x1D800] =	vst v63  }
0x32: {  	_ =	swait.ge [sflag:s12], $0x4000  }
0x33: {  	s17 =	sadd.s32 $0x1, s17;
	[sflag:s12] =	ssyncset.done $0x0  }
0x34: {  	p0 =	sne.s32 s17, s10;
	[sflag:s12] =	ssyncadd.s32 $0xFFFFC000  }
.Ltmp1:
0x35: {  	[bflag:$0x0] =	sbarrier.arrive $0xFFFF;
	(pc) =	sbr.rel @p0 .LBB2_1-.Ltmp1, $4  }
0x36: {  	[hbm:s9], [sflag:s6] =	dma.local [spmem:s11], $0x2800  }
0x37: {  	_ =	swait.ge [sflag:s12], $0x2800  }
0x38: {  	[sflag:s12] =	ssyncset.done $0x0  }
0x39: {  	[sflag:s12] =	ssyncadd.s32 $0xFFFFD800  }
0x3a: {  	_ =	sfence.sel $0x180000  }
0x3b: {  	[bflag:$0x0] =	sbarrier.arrive $0xFFFF  }
0x3c: {  	p0 =	sne.s32 s0, $0x0;
	_ =	strace $0x90000056  }
0x3d: {  	s0 =	sadd.s32 @!p0 $0x100000, s1;
	[bflag:$0x2] =	sbarrier.arrive $0xFFFF  }
0x3e: {  	[sflag:s0] =	ssyncadd.tile.s32 @!p0 $0x1;
	_ =	shalt  }
.Lfunc_end2:
_tile_overlayer_lowered:
.L_overlay_start_2:
0x3f: {  	(tag) =	ssettag $0x2  }
0x40: {  	s0 =	rddreg [dreg:$0x0];
	s2 =	stileid.u32  }
0x41: {  	s1 =	rddreg [dreg:$0x1];
	p0 =	sne.s32 s2, $0x0  }
0x42: {  	s3 =	rddreg [dreg:$0x2];
	[bflag:$0x3] =	sbarrier.arrive $0xFFFF;
	s2 =	simm.s32 @!p0 $0x1C02  }
0x43: {  	[timem:s3], [sflag:s2] =	dma.local @!p0 [hbm:s0], s1  }
0x44: {  	s0 =	simm.s32 @!p0 $0x2  }
0x45: {  	_ =	swait.ge @!p0 [sflag:s0], s1  }
0x46: {  	s1 =	ssub.s32 @!p0 $0x0, s1;
	[sflag:s0] =	ssyncset.done @!p0 $0x0  }
0x47: {  	[sflag:s0] =	ssyncadd.s32 @!p0 s1  }
0x48: {  	[bflag:$0x3] =	sbarrier.arrive $0xFFFF  }
0x49: {  	_ =	shalt  }

// kernel: kernel.35.cloned.1.call-start
scs
__scs_entry_jumppad:
0x0: {  	(pc) =	sbr.rel $0x88, $3  }
0x1: {  	(tag) =	ssettag $0x0;
	lr =	simm.s32 $0x1  }
0x2: {  	[smem:$0x3F92] =	sst lr;
	_ =	strace $0xD0000000  }
0x3: {  	_ = 	snop  }
0x4: {  	_ = 	snop  }
0x5: {  	_ = 	snop  }
0x6: {  	_ = 	snop  }
0x7: {  	_ = 	snop  }
__scs_overlays_trampoline_lowered:
0x8: {  	[smem:$0x3FA1] =	sst s0  }
0x9: {  	[smem:$0x3FA2] =	sst s1  }
0xa: {  	[smem:$0x3FA3] =	sst s2  }
0xb: {  	[smem:$0x3FA4] =	sst s3  }
0xc: {  	[smem:$0x3FA5] =	sst s4  }
0xd: {  	[smem:$0x3FA6] =	sst s5  }
0xe: {  	[smem:$0x3FA7] =	sst s6  }
0xf: {  	[smem:$0x3FA8] =	sst s7  }
0x10: {  	[smem:$0x3FA9] =	sst s8  }
0x11: {  	[smem:$0x3FAA] =	sst s9;
	s0 =	simm.s32 @!p0 $0x0  }
0x12: {  	s1 =	sld [smem:$0x3F90];
	s0 =	simm.s32 @p0 $0x1  }
0x13: {  	[smem:$0x3FAB] =	sst s0;
	s0 =	simm.s32 @!p1 $0x0  }
0x14: {  	s2 =	sld [smem:$0x3F8F];
	s0 =	simm.s32 @p1 $0x1  }
0x15: {  	[smem:$0x3FAC] =	sst s0;
	s0 =	simm.s32 @!p2 $0x0  }
0x16: {  	s3 =	sld [smem:$0x3FDB];
	s0 =	simm.s32 @p2 $0x1  }
0x17: {  	s4 =	simm.s32 $0x1BF5;
	[smem:$0x3FAE] =	sst s0  }
0x18: {  	s0 =	sld [smem:$0x3F91];
	_ =	swait.ge [sflag:s4], $0x0  }
0x19: {  	s7 =	sld [smem:$0x3F92]  }
0x1a: {  	s8 =	sadd.s32 $0xFFFFE003, lr  }
0x1b: {  	s9 =	sadd.s32 $0xFFFFFEF7, lr;
	s5 =	simm.s32 $0xFFFFFFFF;
	p2 =	slt.u32 s8, $0xFFFFF086  }
0x1c: {  	p1 =	slt.u32 s9, $0xF7A;
	s5 =	simm.s32 @!p2 $0x0  }
0x1d: {  	s5 =	simm.s32 @p1 $0x1;
	p0 =	seq.s32 s7, s2  }
0x1e: {  	s7 =	smul.u32 @!p0 $0xF7A, s2;
	p2 =	seq.s32 @!p0 s5, $0x0  }
0x1f: {  	s9 =	smul.u32 $0xF7A, s1;
	s8 =	simm.s32 @!p0 $0x1BF5;
	p2 =	por !p2, p0  }
0x20: {  	[sflag:s8] =	ssyncset.s32 @!p0 $0xFFFFF086;
	s6 =	sadd.s32 @!p0 s3, s7;
	s7 =	simm.s32 @!p0 $0x108  }
0x21: {  	s3 =	sadd.s32 s3, s9;
	s6 =	sadd.s32 @!p0 $0x88, s6;
	s7 =	simm.s32 @p2 $0x1082  }
0x22: {  	[simem:s7], [sflag:s8] =	dma.local @!p0 [hbm:s6], $0xF7A  }
0x23: {  	s9 =	sor.u32 $0xD0000000, s2;
	s6 =	simm.s32 $0x108;
	_ =	swait.ge @!p0 [sflag:s8], $0x0  }
0x24: {  	s3 =	sadd.s32 $0x88, s3;
	s6 =	simm.s32 @!p1 $0x1082;
	[sflag:s4] =	ssyncset.s32 $0xFFFFF086  }
0x25: {  	[simem:s6], [sflag:s4] =	dma.local [hbm:s3], $0xF7A  }
0x26: {  	[smem:$0x3F92] =	sst s1;
	(tag) =	ssettag s2;
	_ =	strace s9  }
0x27: {  	s1 =	sld [smem:$0x3FA2]  }
0x28: {  	s2 =	sld [smem:$0x3FA3]  }
0x29: {  	s4 =	sld [smem:$0x3FA5]  }
0x2a: {  	p0 =	seq.s32 s5, $0x0;
	s5 =	sld [smem:$0x3FA6]  }
0x2b: {  	s6 =	sld [smem:$0x3FA7]  }
0x2c: {  	s7 =	sld [smem:$0x3FA8]  }
0x2d: {  	s3 =	simm.s32 $0x108;
	s8 =	sld [smem:$0x3FA9]  }
0x2e: {  	s3 =	simm.s32 @!p0 $0x1082;
	s9 =	sld [smem:$0x3FAA]  }
0x2f: {  	lr =	sadd.s32 s0, s3;
	s0 =	sld [smem:$0x3FA1]  }
0x30: {  	s3 =	sld [smem:$0x3FA4]  }
0x31: {  	[smem:$0x3FAD] =	sst s10  }
0x32: {  	s10 =	sld [smem:$0x3FAB];
	_ =	sdelay $0x3  }
0x33: {  	p0 =	seq.s32 s10, $0x1;
	s10 =	sld [smem:$0x3FAD];
	_ =	sdelay $0x3  }
0x34: {  	[smem:$0x3FAD] =	sst s10  }
0x35: {  	s10 =	sld [smem:$0x3FAC];
	_ =	sdelay $0x3  }
0x36: {  	p1 =	seq.s32 s10, $0x1;
	s10 =	sld [smem:$0x3FAD];
	_ =	sdelay $0x3  }
0x37: {  	[smem:$0x3FAD] =	sst s10  }
0x38: {  	s10 =	sld [smem:$0x3FAE]  }
0x39: {  	_ = 	snop;
	(pc) =	sbr.ind lr, $3  }
0x3a: {  	_ = 	snop  }
0x3b: {  	_ = 	snop  }
0x3c: {  	p2 =	seq.s32 s10, $0x1;
	s10 =	sld [smem:$0x3FAD]  }
0x3d: {  	_ =	shalt  }
0x3e: {  	_ =	shalt  }
0x3f: {  	_ =	shalt  }
0x40: {  	_ =	shalt  }
0x41: {  	_ =	shalt  }
0x42: {  	_ =	shalt  }
0x43: {  	_ =	shalt  }
0x44: {  	_ =	shalt  }
0x45: {  	_ =	shalt  }
0x46: {  	_ =	shalt  }
0x47: {  	_ =	shalt  }
0x48: {  	_ =	shalt  }
0x49: {  	_ =	shalt  }
0x4a: {  	_ =	shalt  }
0x4b: {  	_ =	shalt  }
0x4c: {  	_ =	shalt  }
0x4d: {  	_ =	shalt  }
0x4e: {  	_ =	shalt  }
0x4f: {  	_ =	shalt  }
0x50: {  	_ =	shalt  }
0x51: {  	_ =	shalt  }
0x52: {  	_ =	shalt  }
0x53: {  	_ =	shalt  }
0x54: {  	_ =	shalt  }
0x55: {  	_ =	shalt  }
0x56: {  	_ =	shalt  }
0x57: {  	_ =	shalt  }
0x58: {  	_ =	shalt  }
0x59: {  	_ =	shalt  }
0x5a: {  	_ =	shalt  }
0x5b: {  	_ =	shalt  }
0x5c: {  	_ =	shalt  }
0x5d: {  	_ =	shalt  }
0x5e: {  	_ =	shalt  }
0x5f: {  	_ =	shalt  }
0x60: {  	_ =	shalt  }
0x61: {  	_ =	shalt  }
0x62: {  	_ =	shalt  }
0x63: {  	_ =	shalt  }
0x64: {  	_ =	shalt  }
0x65: {  	_ =	shalt  }
0x66: {  	_ =	shalt  }
0x67: {  	_ =	shalt  }
0x68: {  	_ =	shalt  }
0x69: {  	_ =	shalt  }
0x6a: {  	_ =	shalt  }
0x6b: {  	_ =	shalt  }
0x6c: {  	_ =	shalt  }
0x6d: {  	_ =	shalt  }
0x6e: {  	_ =	shalt  }
0x6f: {  	_ =	shalt  }
0x70: {  	_ =	shalt  }
0x71: {  	_ =	shalt  }
0x72: {  	_ =	shalt  }
0x73: {  	_ =	shalt  }
0x74: {  	_ =	shalt  }
0x75: {  	_ =	shalt  }
0x76: {  	_ =	shalt  }
0x77: {  	_ =	shalt  }
0x78: {  	_ =	shalt  }
0x79: {  	_ =	shalt  }
0x7a: {  	_ =	shalt  }
0x7b: {  	_ =	shalt  }
0x7c: {  	_ =	shalt  }
0x7d: {  	_ =	shalt  }
0x7e: {  	_ =	shalt  }
0x7f: {  	_ =	shalt  }
0x80: {  	_ =	shalt  }
0x81: {  	_ =	shalt  }
0x82: {  	_ =	shalt  }
0x83: {  	_ =	shalt  }
0x84: {  	_ =	shalt  }
0x85: {  	_ =	shalt  }
0x86: {  	_ =	shalt  }
0x87: {  	_ =	shalt  }
.Lfunc_end0:
.L_simem_size_0:
called_computation.6_lowered:
.L_overlay_start_0:
0x88: {  	s2 =	sld [smem:$0x3FD9]  }
0x89: {  	s3 =	sld [smem:$0x3FFE];
	_ =	sdelay $0x1  }
0x8a: {  	s1 =	srdreg.scid  }
0x8b: {  	s0 =	sand.u32 $0x1, s1  }
0x8c: {  	s16 =	sshll.u32 s0, $0xA;
	s2 =	sadd.s32 s3, s2  }
0x8d: {  	s2 =	sadd.s32 s2, s16  }
0x8e: {  	[smem:$0x3FB9] =	sst s2  }
0x8f: {  	_ = 	snop  }
0x90: {  	(tm) =	ssettm $0x1  }
0x91: {  	s17 =	sld [smem:$0x3FFB];
	_ =	sdelay $0x3  }
0x92: {  	_ =	strace s17  }
0x93: {  	s2 =	sld [smem:$0x3FFC];
	_ =	sdelay $0x3  }
0x94: {  	_ =	strace s2  }
0x95: {  	s2 =	sld [smem:$0x3FFD];
	_ =	sdelay $0x3  }
0x96: {  	_ =	strace s2  }
0x97: {  	_ =	strace $0x8FFFFFFF  }
0x98: {  	s18 =	sld [smem:$0x3FDB];
	_ =	sdelay $0x1  }
0x99: {  	s19 =	simm.s32 $_scs_section_size  }
0x9a: {  	s4 =	simm.s32 $_size__tile_overlayer_lowered;
	s5 =	simm.s32 $_tile_overlayer_lowered  }
0x9b: {  	s22 =	simm.s32 $0x1BFF;
	s21 =	sshll.u32 s5, $0x1;
	s2 =	sadd.s32 s19, s18  }
0x9c: {  	s6 =	simm.s32 $0x0;
	s20 =	sshll.u32 s4, $0x1;
	s4 =	sadd.s32 s21, s2  }
0x9d: {  	[timem:s6], [sflag:s22] =	dma.local [hbm:s4], s20  }
0x9e: {  	_ =	swait.ge [sflag:s22], s20  }
0x9f: {  	s3 =	ssub.s32 $0x0, s20;
	[sflag:s22] =	ssyncset.done $0x0  }
0xa0: {  	[sflag:s22] =	ssyncadd.s32 s3;
	_ =	sdelay $0x1  }
0xa1: {  	s23 =	simm.s32 $0x1B8B  }
0xa2: {  	_ =	swait.ge [sflag:s23], $0x1  }
0xa3: {  	[sflag:s23] =	ssyncset.done $0x0  }
0xa4: {  	s25 =	simm.s32 $0x1B8E;
	s24 =	sld [smem:$0x3FFE];
	[sflag:s23] =	ssyncadd.s32 $0xFFFFFFFF  }
0xa5: {  	s26 =	simm.s32 $execute0_lowered;
	[smem:$0x3FD2] =	sst s25  }
0xa6: {  	s4 =	sshll.u32 s26, $0x1;
	_ =	strace $0x80000058;
	[dreg:$0x1] =	wrdreg $0xFFFFFFFF  }
0xa7: {  	s28 =	simm.s32 $_size_execute0_lowered;
	s2 =	sadd.s32 s2, s4;
	[dreg:$0x0] =	wrdreg $0x0  }
0xa8: {  	s4 =	sshll.u32 s28, $0x1;
	[dreg:$0x2] =	wrdreg s2  }
0xa9: {  	[dreg:$0x3] =	wrdreg s4  }
0xaa: {  	[dreg:$0x4] =	wrdreg $0xC0  }
0xab: {  	_ =	task [dreg:s6], $0x5FFFF  }
0xac: {  	[dreg:$0x1] =	wrdreg $0xFFFFFFFF  }
0xad: {  	[dreg:$0x0] =	wrdreg $0x60  }
0xae: {  	[dreg:$0x2] =	wrdreg s24  }
0xaf: {  	[dreg:$0x3] =	wrdreg $0x98000  }
0xb0: {  	[dreg:$0x4] =	wrdreg $0x9  }
0xb1: {  	_ =	task.clear_ibuf [dreg:s6], $0x5FFFF;
	_ =	strace $0x90000058  }
0xb2: {  	s29 =	simm.s32 $0x9;
	_ =	strace $0x8000005A  }
0xb3: {  	_ =	swait.ge [sflag:s29], $0x1  }
0xb4: {  	[sflag:s29] =	ssyncadd.s32 $0xFFFFFFFF  }
0xb5: {  	_ =	strace $0x9000005A  }
0xb6: {  	_ =	sfence  }
0xb7: {  	s30 =	sld [smem:$0x0];
	_ =	sdelay $0x2  }
0xb8: {  	s31 =	sshll.u32 s1, $0xD;
	s1 =	sshrl.u32 s1, $0x2  }
0xb9: {  	s3 =	sand.u32 $0x4000, s31;
	s1 =	sadd.s32 s1, s30  }
0xba: {  	s0 =	sor.u32 s3, s0;
	s1 =	sshll.u32 s1, $0x11  }
0xbb: {  	s0 =	sor.u32 s1, s0  }
0xbc: {  	s0 =	sadd.s32 $0x8F2B, s0  }
0xbd: {  	[sflag:s0] =	ssyncadd.remote.s32 $0x1  }
0xbe: {  	_ =	sfence.sel $0xFFFF  }
0xbf: {  	[dreg:$0x0] =	wrdreg $0xFFFFFFFF;
	(pc) =	sbr.abs _section_cstart, $3  }
0xc0: {  	[dreg:$0x1] =	wrdreg $0xFFFFFFFF  }
0xc1: {  	_ =	task.clear_ibuf [dreg:s6], $0x2FFFF;
	_ =	strace $0x9FFFFFFF  }
0xc2: {  	(tm) =	ssettm $0x7FFFFFFF  }
0xc3: {  	_ =	shalt  }
tec
execute0_lowered:
.L_overlay_start_1:
0x0: {  	(tag) =	ssettag $0x1  }
0x1: {  	s7 =	rddreg [dreg:$0x0]  }
0x2: {  	s0 =	srdreg.scid;
	s2 =	rddreg [dreg:$0x1]  }
0x3: {  	s3 =	simm.s32 $0x0;
	s14 =	simm.s32 $0x80;
	s15 =	simm.s32 $0x5800  }
0x4: {  	s16 =	simm.s32 $0x1;
	s6 =	sand.u32 $0x1, s0;
	s0 =	stileid.u32  }
0x5: {  	s17 =	simm.s32 $0x0;
	[smem:$0x7FF] =	sst s3;
	s8 =	smul.u32 $0x140000, s6  }
0x6: {  	s4 =	sadd.s32 $0x6D200, s7;
	s1 =	sshll.u32 s6, $0x4;
	s9 =	smul.u32 $0x14000, s0  }
0x7: {  	s28 =	smul.u32 $0x50000, s0;
	s6 =	ssub.s32 $0x2, s6;
	s1 =	sor.u32 s0, s1  }
0x8: {  	s31 =	sshll.u32 s0, $0x6;
	s29 =	sshrl.u32 s6, $0x1;
	s5 =	smul.u32 $0x580, s1  }
0x9: {  	s1 =	rddreg [dreg:$0x2];
	_ =	strace $0x80000059;
	s8 =	sadd.s32 s9, s8  }
0xa: {  	s30 =	sshrl.u32 s28, $0x2;
	s12 =	ssub.s32 s6, s29;
	s6 =	sor.u32 $0x1C02, s31  }
0xb: {  	s8 =	sshrl.u32 s8, $0x3;
	s13 =	sadd.s32 s30, s2;
	s10 =	sadd.s32 s5, s7  }
0xc: {  	s5 =	sadd.s32 $0xFA00, s7;
	s11 =	sadd.s32 s8, s7;
	s7 =	sadd.s32 $0x62200, s10  }
0xd: {  	s8 =	sadd.s32 $0x4A00, s10;
	s9 =	sadd.s32 $0x94400, s11;
	s10 =	smax.u32 s12, $0x1  }
0xe: {  	s11 =	sshrl.u32 s13, $0x3;
	s12 =	simm.s32 $0x2;
	s13 =	simm.s32 $0x2C00  }
.LBB2_1:
0xf: {  	[spmem:s11], [sflag:s6] =	dma.local [hbm:s5], $0x2800  }
0x10: {  	_ =	swait.ge [sflag:s12], $0x2800  }
0x11: {  	[sflag:s12] =	ssyncset.done $0x0  }
0x12: {  	[sflag:s12] =	ssyncadd.s32 $0xFFFFD800  }
0x13: {  	[tilespmem:s3], [sflag:$0x2] =	stream.linear.gather [hbm4b:s7+s3], $0x2880, $0x38;
	[tilespmem:$0x1D800] =	vst v63  }
0x14: {  	_ =	swait.ge [sflag:s12], $0x2880  }
0x15: {  	[sflag:s12] =	ssyncset.done $0x0  }
0x16: {  	[sflag:s12] =	ssyncadd.s32 $0xFFFFD780  }
0x17: {  	[tilespmem:s13], [sflag:$0x2] =	stream.linear.gather [hbm4b:s8+s3], $0x2880, $0x38;
	[tilespmem:$0x1D800] =	vst v63  }
0x18: {  	_ =	swait.ge [sflag:s12], $0x2880  }
0x19: {  	[sflag:s12] =	ssyncset.done $0x0  }
0x1a: {  	[sflag:s12] =	ssyncadd.s32 $0xFFFFD780  }
0x1b: {  	s18 =	simm.s32 $0x0;
	[bflag:$0x0] =	sbarrier.arrive $0xFFFF  }
0x1c: {  	[tilespmem:s15], [sflag:$0x1] =	stream.indirect.gather [hbm4b:s4+s14], $0x80, s18, s14, $0xb8;
	[tilespmem:$0x1D800] =	vst v63  }
0x1d: {  	_ =	swait.ge [sflag:s16], $0x4000  }
0x1e: {  	[sflag:s16] =	ssyncset.done $0x0  }
0x1f: {  	s31 =	simm.s32 $0x2C00;
	[sflag:s16] =	ssyncadd.s32 $0xFFFFC000  }
0x20: {  	[spmem:s2] =	stream.indirect.scatter.add.f32 [tilespmem:s15], [sflag:$0x2], $0x80, s31, s14, $0xb8;
	[tilespmem:$0x1D800] =	vst v63  }
0x21: {  	_ =	swait.ge [sflag:s12], $0x4000  }
0x22: {  	s19 =	simm.s32 $0x400;
	s18 =	simm.s32 $0x200;
	[sflag:s12] =	ssyncset.done $0x0  }
.LBB2_2:
0x23: {  	s20 =	sshra.s32 s18, $0x2  }
0x24: {  	[sflag:s12] =	ssyncadd.s32 $0xFFFFC000;
	s18 =	smov.u32 s19;
	s21 =	sadd.s32 $0x200, s19  }
0x25: {  	[tilespmem:s15], [sflag:$0x1] =	stream.indirect.gather [hbm4b:s4+s14], $0x80, s20, s14, $0xb8;
	[tilespmem:$0x1D800] =	vst v63  }
0x26: {  	p0 =	sne.s32 s19, $0xA000;
	_ =	swait.ge [sflag:s16], $0x4000  }
.Ltmp0:
0x27: {  	[sflag:s16] =	ssyncset.done $0x0;
	(pc) =	sbr.rel @p0 .LBB2_2-.Ltmp0, $4  }
0x28: {  	s19 =	sadd.s32 $0x2C00, s20;
	[sflag:s16] =	ssyncadd.s32 $0xFFFFC000  }
0x29: {  	[spmem:s2] =	stream.indirect.scatter.add.f32 [tilespmem:s15], [sflag:$0x2], $0x80, s19, s14, $0xb8;
	[tilespmem:$0x1D800] =	vst v63  }
0x2a: {  	_ =	swait.ge [sflag:s12], $0x4000  }
0x2b: {  	s19 =	smov.u32 s21;
	[sflag:s12] =	ssyncset.done $0x0  }
0x2c: {  	s18 =	sshra.s32 s18, $0x2;
	[sflag:s12] =	ssyncadd.s32 $0xFFFFC000  }
0x2d: {  	[tilespmem:s15], [sflag:$0x1] =	stream.indirect.gather [hbm4b:s4+s14], $0x80, s18, s14, $0xb8;
	[tilespmem:$0x1D800] =	vst v63  }
0x2e: {  	_ =	swait.ge [sflag:s16], $0x4000  }
0x2f: {  	[sflag:s16] =	ssyncset.done $0x0  }
0x30: {  	s18 =	sadd.s32 $0x2C00, s18;
	[sflag:s16] =	ssyncadd.s32 $0xFFFFC000  }
0x31: {  	[spmem:s2] =	stream.indirect.scatter.add.f32 [tilespmem:s15], [sflag:$0x2], $0x80, s18, s14, $0xb8;
	[tilespmem:$0x1D800] =	vst v63  }
0x32: {  	_ =	swait.ge [sflag:s12], $0x4000  }
0x33: {  	s17 =	sadd.s32 $0x1, s17;
	[sflag:s12] =	ssyncset.done $0x0  }
0x34: {  	p0 =	sne.s32 s17, s10;
	[sflag:s12] =	ssyncadd.s32 $0xFFFFC000  }
.Ltmp1:
0x35: {  	[bflag:$0x0] =	sbarrier.arrive $0xFFFF;
	(pc) =	sbr.rel @p0 .LBB2_1-.Ltmp1, $4  }
0x36: {  	[hbm:s9], [sflag:s6] =	dma.local [spmem:s11], $0x2800  }
0x37: {  	_ =	swait.ge [sflag:s12], $0x2800  }
0x38: {  	[sflag:s12] =	ssyncset.done $0x0  }
0x39: {  	[sflag:s12] =	ssyncadd.s32 $0xFFFFD800  }
0x3a: {  	_ =	sfence.sel $0x180000  }
0x3b: {  	[bflag:$0x0] =	sbarrier.arrive $0xFFFF  }
0x3c: {  	p0 =	sne.s32 s0, $0x0;
	_ =	strace $0x90000059  }
0x3d: {  	s0 =	sadd.s32 @!p0 $0x100000, s1;
	[bflag:$0x2] =	sbarrier.arrive $0xFFFF  }
0x3e: {  	[sflag:s0] =	ssyncadd.tile.s32 @!p0 $0x1;
	_ =	shalt  }
.Lfunc_end2:
_tile_overlayer_lowered:
.L_overlay_start_2:
0x3f: {  	(tag) =	ssettag $0x2  }
0x40: {  	s0 =	rddreg [dreg:$0x0];
	s2 =	stileid.u32  }
0x41: {  	s1 =	rddreg [dreg:$0x1];
	p0 =	sne.s32 s2, $0x0  }
0x42: {  	s3 =	rddreg [dreg:$0x2];
	[bflag:$0x3] =	sbarrier.arrive $0xFFFF;
	s2 =	simm.s32 @!p0 $0x1C02  }
0x43: {  	[timem:s3], [sflag:s2] =	dma.local @!p0 [hbm:s0], s1  }
0x44: {  	s0 =	simm.s32 @!p0 $0x2  }
0x45: {  	_ =	swait.ge @!p0 [sflag:s0], s1  }
0x46: {  	s1 =	ssub.s32 @!p0 $0x0, s1;
	[sflag:s0] =	ssyncset.done @!p0 $0x0  }
0x47: {  	[sflag:s0] =	ssyncadd.s32 @!p0 s1  }
0x48: {  	[bflag:$0x3] =	sbarrier.arrive $0xFFFF  }
0x49: {  	_ =	shalt  }

</sc_bundles>
